<compile_context>
chip_gen: v7x
topology: tpu7x:2x2x1
jax: 0.10.2.dev20260603
libtpu: 0.0.44.dev20260713+nightly
codegen_flags: <defaults>
</compile_context>

<pallas_src>
import functools

import jax
import jax.numpy as jnp
from jax import lax
from jax.experimental import pallas as pl
from jax.experimental.pallas import tpu as pltpu
from jax.experimental.pallas import tpu_sc as plsc

_TILE = 8192


def _gelu_exact(v):
    return v * 0.5 * (1.0 + lax.erf(v * 0.7071067811865476))


_NEG_INF = float("-inf")


def _stage1(x_ref, w_ref, b_ref, inst_ref, batch_ref, p_ref, mx_ref, d_ref,
            macc, sacc, cacc, *, n_nodes, n_graphs, m_inst, tile, gw):
    t = pl.program_id(0)
    ntiles = pl.num_programs(0)

    @pl.when(t == 0)
    def _init():
        macc[...] = jnp.full_like(macc[...], _NEG_INF)
        sacc[...] = jnp.zeros_like(sacc[...])
        cacc[...] = jnp.zeros_like(cacc[...])

    bt = batch_ref[0]
    lane = lax.broadcasted_iota(jnp.int32, (1, tile), 1)
    valid = (t * tile + lane) < n_nodes
    laneb = lax.broadcasted_iota(jnp.int32, (1, n_graphs), 1)
    gcol = lax.broadcasted_iota(jnp.int32, (gw, 1), 0)

    xl = x_ref[...]
    h = lax.dot_general(xl, w_ref[...], (((1,), (1,)), ((), ())),
                        preferred_element_type=jnp.float32) + b_ref[...]
    h = _gelu_exact(h)

    g0 = jnp.min(bt)
    g1 = jnp.max(bt)

    def wbody(carry):
        w0, p_acc, mx_acc = carry
        inst_w = inst_ref[pl.ds(w0 * m_inst, gw * m_inst), :]
        pw = lax.dot_general(inst_w, h, (((1,), (1,)), ((), ())),
                             preferred_element_type=jnp.float32)
        p_sel = p_acc
        mx_sel = mx_acc
        for w in range(gw):
            mask_w = (bt == (w0 + w)) & valid
            oh1 = laneb == (w0 + w)
            pw_w = pw[w * m_inst:(w + 1) * m_inst, :]
            p_sel = jnp.where(mask_w, pw_w, p_sel)
            mw = jnp.max(jnp.where(mask_w, pw_w, _NEG_INF),
                         axis=1, keepdims=True)
            mg_old = jnp.max(jnp.where(oh1, macc[...], _NEG_INF),
                             axis=1, keepdims=True)
            mg_new = jnp.maximum(mg_old, mw)
            safe = jnp.where(mg_new == _NEG_INF, 0.0, mg_new)
            e_old = jnp.where(mg_old == _NEG_INF, 0.0,
                              jnp.exp(mg_old - safe))
            macc[...] = jnp.where(oh1, mg_new, macc[...])
            sacc[...] = jnp.where(oh1, sacc[...] * e_old, sacc[...])
            cnt_w = jnp.sum(jnp.where(mask_w, 1.0, 0.0))
            cacc[...] = jnp.where(oh1, cacc[...] + cnt_w, cacc[...])
            mx_sel = jnp.where(mask_w, safe, mx_sel)
        oh = jnp.where((gcol + w0 == bt) & valid, 1.0, 0.0)
        e_all = jnp.exp(p_sel - mx_sel)
        seg = lax.dot_general(e_all, oh, (((1,), (1,)), ((), ())),
                              preferred_element_type=jnp.float32)
        for w in range(gw):
            oh1 = laneb == (w0 + w)
            sacc[...] = jnp.where(oh1, sacc[...] + seg[:, w:w + 1],
                                  sacc[...])
        return w0 + gw, p_sel, mx_sel

    w_init = (g0 // gw) * gw
    _, p_fin, _ = lax.while_loop(
        lambda c: c[0] <= g1, wbody,
        (w_init, jnp.zeros((m_inst, tile), jnp.float32),
         jnp.zeros((m_inst, tile), jnp.float32)))
    p_ref[...] = p_fin

    @pl.when(t == ntiles - 1)
    def _finalize():
        m_ = macc[...]
        s_ = sacc[...]
        c_ = cacc[...]
        cmax = jnp.max(c_)
        has_pad = c_ < cmax
        mx = jnp.where(has_pad, jnp.maximum(m_, 0.0), m_)
        pad = jnp.where(has_pad, (cmax - c_) * jnp.exp(-mx), 0.0)
        mx_ref[...] = mx
        d_ref[...] = s_ * jnp.exp(m_ - mx) + pad


def _sc_gate(p3_ref, batch_ref, mx_ref, d_ref, out_ref,
             p_v, b_v, mx_v, d_v, g_v, *, n_cores, n_graphs, chunk, m_inst):
    wid = lax.axis_index("s") * n_cores + lax.axis_index("c")
    base = wid * chunk
    pltpu.sync_copy(p3_ref.at[wid], p_v)
    pltpu.sync_copy(batch_ref.at[pl.ds(base, chunk)], b_v)
    pltpu.sync_copy(mx_ref, mx_v)
    pltpu.sync_copy(d_ref, d_v)

    def expm(x):
        t = x * 1.4426950408889634
        k = jnp.maximum((t - 0.5).astype(jnp.int32), -126)
        kf = k.astype(jnp.float32)
        r = (x - kf * 0.693145751953125) - kf * 1.4286065715e-06
        scale = plsc.bitcast(jnp.left_shift(k + 127, 23), jnp.float32)
        return scale * jnp.exp(r)

    def body(j, _):
        bv = b_v[pl.ds(j, 16)]
        acc = jnp.zeros((16,), jnp.float32)
        for m in range(m_inst):
            pv = p_v[pl.ds(m * chunk + j, 16)]
            idx = bv + (m * n_graphs)
            mxv = plsc.load_gather(mx_v, [idx])
            dv = plsc.load_gather(d_v, [idx])
            rd = 1.0 / dv
            rd = rd * (2.0 - dv * rd)
            acc = acc + expm(pv - mxv) * rd
        g_v[pl.ds(j, 16)] = acc
        return 0

    lax.fori_loop(0, chunk // 16, lambda i, c: body(i * 16, c), 0)
    pltpu.sync_copy(g_v, out_ref.at[pl.ds(base, chunk)])


def kernel(x, u, batch, edge_index, W_node, b_node):
    n_nodes, dn = x.shape
    m_inst, n_graphs, dq = u.shape
    tile = _TILE
    ntiles = -(-n_nodes // tile)
    npad = ntiles * tile

    xp = jnp.pad(x, ((0, npad - n_nodes), (0, 0)))
    bflat = jnp.pad(batch.astype(jnp.int32), (0, npad - n_nodes), mode="edge")
    bp = bflat.reshape(ntiles, 1, tile)
    inst = jnp.transpose(u, (1, 0, 2)).reshape(n_graphs * m_inst, dq)
    b2 = b_node.reshape(1, dq).astype(jnp.float32)

    s1 = functools.partial(_stage1, n_nodes=n_nodes, n_graphs=n_graphs,
                           m_inst=m_inst, tile=tile, gw=min(16, n_graphs))
    p_t, mx, dd = pl.pallas_call(
        s1,
        grid=(ntiles,),
        in_specs=[
            pl.BlockSpec((tile, dn), lambda i: (i, 0)),
            pl.BlockSpec((dq, dn), lambda i: (0, 0)),
            pl.BlockSpec((1, dq), lambda i: (0, 0)),
            pl.BlockSpec((n_graphs * m_inst, dq), lambda i: (0, 0)),
            pl.BlockSpec((1, 1, tile), lambda i: (i, 0, 0)),
        ],
        out_specs=[
            pl.BlockSpec((m_inst, tile), lambda i: (0, i)),
            pl.BlockSpec((m_inst, n_graphs), lambda i: (0, 0)),
            pl.BlockSpec((m_inst, n_graphs), lambda i: (0, 0)),
        ],
        out_shape=[
            jax.ShapeDtypeStruct((m_inst, npad), jnp.float32),
            jax.ShapeDtypeStruct((m_inst, n_graphs), jnp.float32),
            jax.ShapeDtypeStruct((m_inst, n_graphs), jnp.float32),
        ],
        scratch_shapes=[
            pltpu.VMEM((m_inst, n_graphs), jnp.float32),
            pltpu.VMEM((m_inst, n_graphs), jnp.float32),
            pltpu.VMEM((m_inst, n_graphs), jnp.float32),
        ],
    )(xp, W_node, b2, inst, bp)

    info = plsc.get_sparse_core_info()
    n_workers = info.num_cores * info.num_subcores
    chunk = npad // n_workers
    p3 = jnp.transpose(p_t.reshape(m_inst, n_workers, chunk),
                       (1, 0, 2)).reshape(n_workers, m_inst * chunk)
    sc = functools.partial(_sc_gate, n_cores=info.num_cores,
                           n_graphs=n_graphs, chunk=chunk, m_inst=m_inst)
    gate_pad = pl.kernel(
        sc,
        out_type=jax.ShapeDtypeStruct((npad,), jnp.float32),
        mesh=plsc.VectorSubcoreMesh(core_axis_name="c", subcore_axis_name="s"),
        compiler_params=pltpu.CompilerParams(needs_layout_passes=False),
        scratch_types=[
            pltpu.VMEM((m_inst * chunk,), jnp.float32),
            pltpu.VMEM((chunk,), jnp.int32),
            pltpu.VMEM((m_inst * n_graphs,), jnp.float32),
            pltpu.VMEM((m_inst * n_graphs,), jnp.float32),
            pltpu.VMEM((chunk,), jnp.float32),
        ],
    )(p3, bflat, mx.reshape(-1), dd.reshape(-1))

    gate = gate_pad[:n_nodes]
    return (jax.nn.sigmoid(gate) > 0.5).astype(x.dtype)

# --- scband reference (transcript-rebuilt; emitter-appended) ---
"""Pipeline reference for scband-masking-model-66030827209087 (READ-ONLY COPY).

The authoritative reference and input builder live on the scoring server;
editing this copy changes nothing except your own understanding.
"""

import jax, jax.numpy as jnp
import numpy as np


def setup_inputs(seed: int = 0) -> dict:
    key = jax.random.key(seed)
    ks = jax.random.split(key, 6)
    N = 100000
    B = 256
    M = 8
    dn = 128
    dq = 128
    E = 1600000
    x = jax.random.normal(ks[0], (N, dn), dtype=jnp.float32)
    u = jax.random.normal(ks[1], (M, B, dq), dtype=jnp.float32)
    batch = jnp.sort(jax.random.randint(ks[2], (N,), 0, B))
    edge_index = jax.random.randint(ks[3], (2, E), 0, N)
    # node_nn = Linear(dim_nodes, dim_questions) + GELU (the only submodule used when use_all_instrs=True)
    W_node = jax.random.normal(ks[4], (dq, dn), dtype=jnp.float32) * (1.0 / np.sqrt(dn))
    b_node = jnp.zeros((dq,), dtype=jnp.float32)
    return {"x": x, "u": u, "batch": batch, "edge_index": edge_index, "W_node": W_node, "b_node": b_node}


def reference(x, u, batch, edge_index, W_node, b_node):
    # eval mode: F.dropout(p=0.2, training=False) is identity
    N = x.shape[0]
    B = u.shape[1]
    # node_nn: Linear + exact GELU (torch default)
    h = jax.nn.gelu(x @ W_node.T + b_node, approximate=False)
    # torch_geometric.utils.to_dense_batch(h, batch) -> [B, max_count, dq] padded with zeros, plus mask
    counts = jnp.bincount(batch, length=B)
    max_count = counts.max()
    offsets = jnp.cumsum(counts) - counts  # start offset of each graph (batch is sorted)
    pos = jnp.arange(N) - offsets[batch]   # position of each node within its graph
    # inst_vectors = u.transpose(0, 1) -> [B, M, dq]
    inst = jnp.transpose(u, (1, 0, 2))
    # per-node scores against the node's own graph's instruction vectors: [N, M]
    p = jnp.einsum('nd,nmd->nm', h, inst[batch])
    # statically shaped score tensor [B, M, N]; slot axis padded to upper bound N
    scores = jnp.zeros((B, u.shape[0], N), h.dtype).at[batch, :, pos].set(p)
    # slots < max_count mirror the original dense buffer (zero-score padding included);
    # slots >= max_count are excluded from the softmax via -inf masking
    slot_valid = jnp.arange(N) < max_count
    scores = jnp.where(slot_valid[None, None, :], scores, -jnp.inf)
    # softmax over node dim INCLUDING zero-padded slots (faithful to the torch code)
    attn = jax.nn.softmax(scores, axis=2)
    dense_gate = jnp.sum(attn, axis=1)  # [B, N]
    # attention.sum(1)[mask] flattens valid slots in node order == gather at (batch, pos)
    gate = dense_gate[batch, pos]  # [N]
    gate = jax.nn.sigmoid(gate)
    gate = (gate > 0.5).astype(gate.dtype)
    return gate

if __name__ == "__main__":
    import jax
    _d = setup_inputs()
    print(jax.jit(kernel)(*tuple(_d.values())))

</pallas_src>

<mosaic_0001>
#map = affine_map<(d0, d1) -> (0, 0)>
#map1 = affine_map<(d0, d1) -> (0)>
module attributes {stable_mosaic.version = 14 : i64} {
  func.func @_sc_gate(%arg0: i32, %arg1: i32, %arg2: memref<32x26624xf32, #tpu.memory_space<hbm>>, %arg3: memref<106496xi32, #tpu.memory_space<hbm>>, %arg4: memref<2048xf32, #tpu.memory_space<hbm>>, %arg5: memref<2048xf32, #tpu.memory_space<hbm>>, %arg6: memref<106496xf32, #tpu.memory_space<hbm>>, %arg7: memref<26624xf32, #tpu.memory_space<vmem>>, %arg8: memref<3328xi32, #tpu.memory_space<vmem>>, %arg9: memref<2048xf32, #tpu.memory_space<vmem>>, %arg10: memref<2048xf32, #tpu.memory_space<vmem>>, %arg11: memref<3328xf32, #tpu.memory_space<vmem>>) attributes {dimension_semantics = [#tpu.dimension_semantics<core_parallel>, #tpu.dimension_semantics<subcore_parallel>], iteration_bounds = array<i64: 2, 16>, scalar_prefetch = 0 : i64, scratch_operands = 5 : i64, tpu.core_type = #tpu.core_type<sc_vector_subcore>, window_params = [{transform_indices = #map}, {transform_indices = #map1}, {transform_indices = #map1}, {transform_indices = #map1}, {transform_indices = #map1}]} {
    %mul3A = arith.constant 2 : i32
    %mul3A_0 = arith.muli %arg1, %mul3A : i32
    %add3A = arith.addi %mul3A_0, %arg0 : i32
    %mul3A_1 = arith.constant 3328 : i32
    %mul3A_2 = arith.muli %add3A, %mul3A_1 : i32
    "tpu.region"() ({
      %run_scoped3A = tpu.sem_alloc : memref<!tpu.dma_semaphore, #tpu.memory_space<semaphore_mem>>
      %dma_start3A = arith.constant 0 : i32
      %dma_start3A_9 = tpu.memref_slice %arg2[%add3A, %dma_start3A] : memref<32x26624xf32, #tpu.memory_space<hbm>> -> memref<1x26624xf32, #tpu.memory_space<hbm>>
      %dma_start3A_10 = tpu.memref_squeeze %dma_start3A_9 : memref<1x26624xf32, #tpu.memory_space<hbm>> -> memref<26624xf32, #tpu.memory_space<hbm>>
      %dma_start3A_11 = arith.constant 0 : i32
      %dma_start3A_12 = tpu.memref_slice %arg2[%add3A, %dma_start3A_11] : memref<32x26624xf32, #tpu.memory_space<hbm>> -> memref<1x26624xf32, #tpu.memory_space<hbm>>
      %dma_start3A_13 = tpu.memref_squeeze %dma_start3A_12 : memref<1x26624xf32, #tpu.memory_space<hbm>> -> memref<26624xf32, #tpu.memory_space<hbm>>
      tpu.enqueue_dma source(%dma_start3A_13 : memref<26624xf32, #tpu.memory_space<hbm>>) target(%arg7 : memref<26624xf32, #tpu.memory_space<vmem>>) target_semaphore(%run_scoped3A : memref<!tpu.dma_semaphore, #tpu.memory_space<semaphore_mem>>)
      %dma_wait3A = arith.constant 0 : i32
      %dma_wait3A_14 = tpu.memref_slice %arg2[%add3A, %dma_wait3A] : memref<32x26624xf32, #tpu.memory_space<hbm>> -> memref<1x26624xf32, #tpu.memory_space<hbm>>
      %dma_wait3A_15 = tpu.memref_squeeze %dma_wait3A_14 : memref<1x26624xf32, #tpu.memory_space<hbm>> -> memref<26624xf32, #tpu.memory_space<hbm>>
      %dma_wait3A_16 = arith.constant 0 : i32
      %dma_wait3A_17 = tpu.memref_slice %arg2[%add3A, %dma_wait3A_16] : memref<32x26624xf32, #tpu.memory_space<hbm>> -> memref<1x26624xf32, #tpu.memory_space<hbm>>
      %dma_wait3A_18 = tpu.memref_squeeze %dma_wait3A_17 : memref<1x26624xf32, #tpu.memory_space<hbm>> -> memref<26624xf32, #tpu.memory_space<hbm>>
      tpu.wait_dma2 semaphore(%run_scoped3A : memref<!tpu.dma_semaphore, #tpu.memory_space<semaphore_mem>>) src(%dma_wait3A_18 : memref<26624xf32, #tpu.memory_space<hbm>>) dst(%arg7 : memref<26624xf32, #tpu.memory_space<vmem>>)
      tpu.yield
    }) : () -> ()
    "tpu.region"() ({
      %run_scoped3A = tpu.sem_alloc : memref<!tpu.dma_semaphore, #tpu.memory_space<semaphore_mem>>
      %dma_start3A = tpu.memref_slice %arg3[%mul3A_2] : memref<106496xi32, #tpu.memory_space<hbm>> -> memref<3328xi32, #tpu.memory_space<hbm>>
      %dma_start3A_9 = tpu.memref_slice %arg3[%mul3A_2] : memref<106496xi32, #tpu.memory_space<hbm>> -> memref<3328xi32, #tpu.memory_space<hbm>>
      tpu.enqueue_dma source(%dma_start3A_9 : memref<3328xi32, #tpu.memory_space<hbm>>) target(%arg8 : memref<3328xi32, #tpu.memory_space<vmem>>) target_semaphore(%run_scoped3A : memref<!tpu.dma_semaphore, #tpu.memory_space<semaphore_mem>>)
      %dma_wait3A = tpu.memref_slice %arg3[%mul3A_2] : memref<106496xi32, #tpu.memory_space<hbm>> -> memref<3328xi32, #tpu.memory_space<hbm>>
      %dma_wait3A_10 = tpu.memref_slice %arg3[%mul3A_2] : memref<106496xi32, #tpu.memory_space<hbm>> -> memref<3328xi32, #tpu.memory_space<hbm>>
      tpu.wait_dma2 semaphore(%run_scoped3A : memref<!tpu.dma_semaphore, #tpu.memory_space<semaphore_mem>>) src(%dma_wait3A_10 : memref<3328xi32, #tpu.memory_space<hbm>>) dst(%arg8 : memref<3328xi32, #tpu.memory_space<vmem>>)
      tpu.yield
    }) : () -> ()
    "tpu.region"() ({
      %run_scoped3A = tpu.sem_alloc : memref<!tpu.dma_semaphore, #tpu.memory_space<semaphore_mem>>
      tpu.enqueue_dma source(%arg4 : memref<2048xf32, #tpu.memory_space<hbm>>) target(%arg9 : memref<2048xf32, #tpu.memory_space<vmem>>) target_semaphore(%run_scoped3A : memref<!tpu.dma_semaphore, #tpu.memory_space<semaphore_mem>>)
      tpu.wait_dma2 semaphore(%run_scoped3A : memref<!tpu.dma_semaphore, #tpu.memory_space<semaphore_mem>>) src(%arg4 : memref<2048xf32, #tpu.memory_space<hbm>>) dst(%arg9 : memref<2048xf32, #tpu.memory_space<vmem>>)
      tpu.yield
    }) : () -> ()
    "tpu.region"() ({
      %run_scoped3A = tpu.sem_alloc : memref<!tpu.dma_semaphore, #tpu.memory_space<semaphore_mem>>
      tpu.enqueue_dma source(%arg5 : memref<2048xf32, #tpu.memory_space<hbm>>) target(%arg10 : memref<2048xf32, #tpu.memory_space<vmem>>) target_semaphore(%run_scoped3A : memref<!tpu.dma_semaphore, #tpu.memory_space<semaphore_mem>>)
      tpu.wait_dma2 semaphore(%run_scoped3A : memref<!tpu.dma_semaphore, #tpu.memory_space<semaphore_mem>>) src(%arg5 : memref<2048xf32, #tpu.memory_space<hbm>>) dst(%arg10 : memref<2048xf32, #tpu.memory_space<vmem>>)
      tpu.yield
    }) : () -> ()
    %scan3A = arith.constant 0 : i32
    %scan3A_3 = arith.constant 0 : i32
    %scan3A_4 = arith.constant 208 : i32
    %scan3A_5 = arith.addi %scan3A_3, %scan3A_4 : i32
    %scan3A_6 = arith.constant 1 : i32
    %scan3A_7 = scf.for %scan3A_9 = %scan3A_3 to %scan3A_5 step %scan3A_6 iter_args(%scan3A_10 = %scan3A) -> (i32)  : i32 {
      %mul3A_11 = arith.constant 16 : i32
      %mul3A_12 = arith.muli %scan3A_9, %mul3A_11 : i32
      %get3A = arith.index_cast %mul3A_12 : i32 to index
      %get3A_13 = tpu.vector_load %arg8[%get3A] {strides = array<i32>} : memref<3328xi32, #tpu.memory_space<vmem>>, vector<16xi32>,
      %broadcast_in_dim3A = arith.constant 0.000000e+00 : f32
      %broadcast_in_dim3A_14 = vector.broadcast %broadcast_in_dim3A : f32 to vector<16xf32>
      %add3A_15 = arith.constant 0 : i32
      %add3A_16 = arith.addi %add3A_15, %mul3A_12 : i32
      %get3A_17 = arith.index_cast %add3A_16 : i32 to index
      %get3A_18 = tpu.vector_load %arg7[%get3A_17] {strides = array<i32>} : memref<26624xf32, #tpu.memory_space<vmem>>, vector<16xf32>,
      %add3A_19 = arith.constant 0 : i32
      %add3A_20 = vector.broadcast %add3A_19 : i32 to vector<16xi32>
      %add3A_21 = arith.addi %get3A_13, %add3A_20 : vector<16xi32>
      %gather3A = tpu.vector_load_idx %arg9[%add3A_21] : memref<2048xf32, #tpu.memory_space<vmem>>[vector<16xi32>], vector<16xf32>,
      %gather3A_22 = tpu.vector_load_idx %arg10[%add3A_21] : memref<2048xf32, #tpu.memory_space<vmem>>[vector<16xi32>], vector<16xf32>,
      %div3A = arith.constant 1.000000e+00 : f32
      %div3A_23 = vector.broadcast %div3A : f32 to vector<16xf32>
      %div3A_24 = arith.divf %div3A_23, %gather3A_22 : vector<16xf32>
      %mul3A_25 = arith.mulf %gather3A_22, %div3A_24 : vector<16xf32>
      %sub3A = arith.constant 2.000000e+00 : f32
      %sub3A_26 = vector.broadcast %sub3A : f32 to vector<16xf32>
      %sub3A_27 = arith.subf %sub3A_26, %mul3A_25 : vector<16xf32>
      %mul3A_28 = arith.mulf %div3A_24, %sub3A_27 : vector<16xf32>
      %sub3A_29 = arith.subf %get3A_18, %gather3A : vector<16xf32>
      %mul3A_30 = arith.constant 1.44269502 : f32
      %mul3A_31 = vector.broadcast %mul3A_30 : f32 to vector<16xf32>
      %mul3A_32 = arith.mulf %sub3A_29, %mul3A_31 : vector<16xf32>
      %sub3A_33 = arith.constant 5.000000e-01 : f32
      %sub3A_34 = vector.broadcast %sub3A_33 : f32 to vector<16xf32>
      %sub3A_35 = arith.subf %mul3A_32, %sub3A_34 : vector<16xf32>
      %convert_element_type3A = arith.fptosi %sub3A_35 : vector<16xf32> to vector<16xi32>
      %max3A = arith.constant -126 : i32
      %max3A_36 = vector.broadcast %max3A : i32 to vector<16xi32>
      %max3A_37 = arith.maxsi %convert_element_type3A, %max3A_36 : vector<16xi32>
      %convert_element_type3A_38 = arith.sitofp %max3A_37 : vector<16xi32> to vector<16xf32>
      %mul3A_39 = arith.constant 0.693145751 : f32
      %mul3A_40 = vector.broadcast %mul3A_39 : f32 to vector<16xf32>
      %mul3A_41 = arith.mulf %convert_element_type3A_38, %mul3A_40 : vector<16xf32>
      %sub3A_42 = arith.subf %sub3A_29, %mul3A_41 : vector<16xf32>
      %mul3A_43 = arith.constant 1.42860654E-6 : f32
      %mul3A_44 = vector.broadcast %mul3A_43 : f32 to vector<16xf32>
      %mul3A_45 = arith.mulf %convert_element_type3A_38, %mul3A_44 : vector<16xf32>
      %sub3A_46 = arith.subf %sub3A_42, %mul3A_45 : vector<16xf32>
      %add3A_47 = arith.constant 127 : i32
      %add3A_48 = vector.broadcast %add3A_47 : i32 to vector<16xi32>
      %add3A_49 = arith.addi %max3A_37, %add3A_48 : vector<16xi32>
      %shift_left3A = arith.constant 23 : i32
      %shift_left3A_50 = vector.broadcast %shift_left3A : i32 to vector<16xi32>
      %shift_left3A_51 = arith.shli %add3A_49, %shift_left3A_50 : vector<16xi32>
      %bitcast3A = vector.bitcast %shift_left3A_51 : vector<16xi32> to vector<16xf32>
      %exp3A = math.exp %sub3A_46 : vector<16xf32>
      %mul3A_52 = arith.mulf %bitcast3A, %exp3A : vector<16xf32>
      %mul3A_53 = arith.mulf %mul3A_52, %mul3A_28 : vector<16xf32>
      %add3A_54 = arith.addf %broadcast_in_dim3A_14, %mul3A_53 : vector<16xf32>
      %add3A_55 = arith.constant 3328 : i32
      %add3A_56 = arith.addi %add3A_55, %mul3A_12 : i32
      %get3A_57 = arith.index_cast %add3A_56 : i32 to index
      %get3A_58 = tpu.vector_load %arg7[%get3A_57] {strides = array<i32>} : memref<26624xf32, #tpu.memory_space<vmem>>, vector<16xf32>,
      %add3A_59 = arith.constant 256 : i32
      %add3A_60 = vector.broadcast %add3A_59 : i32 to vector<16xi32>
      %add3A_61 = arith.addi %get3A_13, %add3A_60 : vector<16xi32>
      %gather3A_62 = tpu.vector_load_idx %arg9[%add3A_61] : memref<2048xf32, #tpu.memory_space<vmem>>[vector<16xi32>], vector<16xf32>,
      %gather3A_63 = tpu.vector_load_idx %arg10[%add3A_61] : memref<2048xf32, #tpu.memory_space<vmem>>[vector<16xi32>], vector<16xf32>,
      %div3A_64 = arith.constant 1.000000e+00 : f32
      %div3A_65 = vector.broadcast %div3A_64 : f32 to vector<16xf32>
      %div3A_66 = arith.divf %div3A_65, %gather3A_63 : vector<16xf32>
      %mul3A_67 = arith.mulf %gather3A_63, %div3A_66 : vector<16xf32>
      %sub3A_68 = arith.constant 2.000000e+00 : f32
      %sub3A_69 = vector.broadcast %sub3A_68 : f32 to vector<16xf32>
      %sub3A_70 = arith.subf %sub3A_69, %mul3A_67 : vector<16xf32>
      %mul3A_71 = arith.mulf %div3A_66, %sub3A_70 : vector<16xf32>
      %sub3A_72 = arith.subf %get3A_58, %gather3A_62 : vector<16xf32>
      %mul3A_73 = arith.constant 1.44269502 : f32
      %mul3A_74 = vector.broadcast %mul3A_73 : f32 to vector<16xf32>
      %mul3A_75 = arith.mulf %sub3A_72, %mul3A_74 : vector<16xf32>
      %sub3A_76 = arith.constant 5.000000e-01 : f32
      %sub3A_77 = vector.broadcast %sub3A_76 : f32 to vector<16xf32>
      %sub3A_78 = arith.subf %mul3A_75, %sub3A_77 : vector<16xf32>
      %convert_element_type3A_79 = arith.fptosi %sub3A_78 : vector<16xf32> to vector<16xi32>
      %max3A_80 = arith.constant -126 : i32
      %max3A_81 = vector.broadcast %max3A_80 : i32 to vector<16xi32>
      %max3A_82 = arith.maxsi %convert_element_type3A_79, %max3A_81 : vector<16xi32>
      %convert_element_type3A_83 = arith.sitofp %max3A_82 : vector<16xi32> to vector<16xf32>
      %mul3A_84 = arith.constant 0.693145751 : f32
      %mul3A_85 = vector.broadcast %mul3A_84 : f32 to vector<16xf32>
      %mul3A_86 = arith.mulf %convert_element_type3A_83, %mul3A_85 : vector<16xf32>
      %sub3A_87 = arith.subf %sub3A_72, %mul3A_86 : vector<16xf32>
      %mul3A_88 = arith.constant 1.42860654E-6 : f32
      %mul3A_89 = vector.broadcast %mul3A_88 : f32 to vector<16xf32>
      %mul3A_90 = arith.mulf %convert_element_type3A_83, %mul3A_89 : vector<16xf32>
      %sub3A_91 = arith.subf %sub3A_87, %mul3A_90 : vector<16xf32>
      %add3A_92 = arith.constant 127 : i32
      %add3A_93 = vector.broadcast %add3A_92 : i32 to vector<16xi32>
      %add3A_94 = arith.addi %max3A_82, %add3A_93 : vector<16xi32>
      %shift_left3A_95 = arith.constant 23 : i32
      %shift_left3A_96 = vector.broadcast %shift_left3A_95 : i32 to vector<16xi32>
      %shift_left3A_97 = arith.shli %add3A_94, %shift_left3A_96 : vector<16xi32>
      %bitcast3A_98 = vector.bitcast %shift_left3A_97 : vector<16xi32> to vector<16xf32>
      %exp3A_99 = math.exp %sub3A_91 : vector<16xf32>
      %mul3A_100 = arith.mulf %bitcast3A_98, %exp3A_99 : vector<16xf32>
      %mul3A_101 = arith.mulf %mul3A_100, %mul3A_71 : vector<16xf32>
      %add3A_102 = arith.addf %add3A_54, %mul3A_101 : vector<16xf32>
      %add3A_103 = arith.constant 6656 : i32
      %add3A_104 = arith.addi %add3A_103, %mul3A_12 : i32
      %get3A_105 = arith.index_cast %add3A_104 : i32 to index
      %get3A_106 = tpu.vector_load %arg7[%get3A_105] {strides = array<i32>} : memref<26624xf32, #tpu.memory_space<vmem>>, vector<16xf32>,
      %add3A_107 = arith.constant 512 : i32
      %add3A_108 = vector.broadcast %add3A_107 : i32 to vector<16xi32>
      %add3A_109 = arith.addi %get3A_13, %add3A_108 : vector<16xi32>
      %gather3A_110 = tpu.vector_load_idx %arg9[%add3A_109] : memref<2048xf32, #tpu.memory_space<vmem>>[vector<16xi32>], vector<16xf32>,
      %gather3A_111 = tpu.vector_load_idx %arg10[%add3A_109] : memref<2048xf32, #tpu.memory_space<vmem>>[vector<16xi32>], vector<16xf32>,
      %div3A_112 = arith.constant 1.000000e+00 : f32
      %div3A_113 = vector.broadcast %div3A_112 : f32 to vector<16xf32>
      %div3A_114 = arith.divf %div3A_113, %gather3A_111 : vector<16xf32>
      %mul3A_115 = arith.mulf %gather3A_111, %div3A_114 : vector<16xf32>
      %sub3A_116 = arith.constant 2.000000e+00 : f32
      %sub3A_117 = vector.broadcast %sub3A_116 : f32 to vector<16xf32>
      %sub3A_118 = arith.subf %sub3A_117, %mul3A_115 : vector<16xf32>
      %mul3A_119 = arith.mulf %div3A_114, %sub3A_118 : vector<16xf32>
      %sub3A_120 = arith.subf %get3A_106, %gather3A_110 : vector<16xf32>
      %mul3A_121 = arith.constant 1.44269502 : f32
      %mul3A_122 = vector.broadcast %mul3A_121 : f32 to vector<16xf32>
      %mul3A_123 = arith.mulf %sub3A_120, %mul3A_122 : vector<16xf32>
      %sub3A_124 = arith.constant 5.000000e-01 : f32
      %sub3A_125 = vector.broadcast %sub3A_124 : f32 to vector<16xf32>
      %sub3A_126 = arith.subf %mul3A_123, %sub3A_125 : vector<16xf32>
      %convert_element_type3A_127 = arith.fptosi %sub3A_126 : vector<16xf32> to vector<16xi32>
      %max3A_128 = arith.constant -126 : i32
      %max3A_129 = vector.broadcast %max3A_128 : i32 to vector<16xi32>
      %max3A_130 = arith.maxsi %convert_element_type3A_127, %max3A_129 : vector<16xi32>
      %convert_element_type3A_131 = arith.sitofp %max3A_130 : vector<16xi32> to vector<16xf32>
      %mul3A_132 = arith.constant 0.693145751 : f32
      %mul3A_133 = vector.broadcast %mul3A_132 : f32 to vector<16xf32>
      %mul3A_134 = arith.mulf %convert_element_type3A_131, %mul3A_133 : vector<16xf32>
      %sub3A_135 = arith.subf %sub3A_120, %mul3A_134 : vector<16xf32>
      %mul3A_136 = arith.constant 1.42860654E-6 : f32
      %mul3A_137 = vector.broadcast %mul3A_136 : f32 to vector<16xf32>
      %mul3A_138 = arith.mulf %convert_element_type3A_131, %mul3A_137 : vector<16xf32>
      %sub3A_139 = arith.subf %sub3A_135, %mul3A_138 : vector<16xf32>
      %add3A_140 = arith.constant 127 : i32
      %add3A_141 = vector.broadcast %add3A_140 : i32 to vector<16xi32>
      %add3A_142 = arith.addi %max3A_130, %add3A_141 : vector<16xi32>
      %shift_left3A_143 = arith.constant 23 : i32
      %shift_left3A_144 = vector.broadcast %shift_left3A_143 : i32 to vector<16xi32>
      %shift_left3A_145 = arith.shli %add3A_142, %shift_left3A_144 : vector<16xi32>
      %bitcast3A_146 = vector.bitcast %shift_left3A_145 : vector<16xi32> to vector<16xf32>
      %exp3A_147 = math.exp %sub3A_139 : vector<16xf32>
      %mul3A_148 = arith.mulf %bitcast3A_146, %exp3A_147 : vector<16xf32>
      %mul3A_149 = arith.mulf %mul3A_148, %mul3A_119 : vector<16xf32>
      %add3A_150 = arith.addf %add3A_102, %mul3A_149 : vector<16xf32>
      %add3A_151 = arith.constant 9984 : i32
      %add3A_152 = arith.addi %add3A_151, %mul3A_12 : i32
      %get3A_153 = arith.index_cast %add3A_152 : i32 to index
      %get3A_154 = tpu.vector_load %arg7[%get3A_153] {strides = array<i32>} : memref<26624xf32, #tpu.memory_space<vmem>>, vector<16xf32>,
      %add3A_155 = arith.constant 768 : i32
      %add3A_156 = vector.broadcast %add3A_155 : i32 to vector<16xi32>
      %add3A_157 = arith.addi %get3A_13, %add3A_156 : vector<16xi32>
      %gather3A_158 = tpu.vector_load_idx %arg9[%add3A_157] : memref<2048xf32, #tpu.memory_space<vmem>>[vector<16xi32>], vector<16xf32>,
      %gather3A_159 = tpu.vector_load_idx %arg10[%add3A_157] : memref<2048xf32, #tpu.memory_space<vmem>>[vector<16xi32>], vector<16xf32>,
      %div3A_160 = arith.constant 1.000000e+00 : f32
      %div3A_161 = vector.broadcast %div3A_160 : f32 to vector<16xf32>
      %div3A_162 = arith.divf %div3A_161, %gather3A_159 : vector<16xf32>
      %mul3A_163 = arith.mulf %gather3A_159, %div3A_162 : vector<16xf32>
      %sub3A_164 = arith.constant 2.000000e+00 : f32
      %sub3A_165 = vector.broadcast %sub3A_164 : f32 to vector<16xf32>
      %sub3A_166 = arith.subf %sub3A_165, %mul3A_163 : vector<16xf32>
      %mul3A_167 = arith.mulf %div3A_162, %sub3A_166 : vector<16xf32>
      %sub3A_168 = arith.subf %get3A_154, %gather3A_158 : vector<16xf32>
      %mul3A_169 = arith.constant 1.44269502 : f32
      %mul3A_170 = vector.broadcast %mul3A_169 : f32 to vector<16xf32>
      %mul3A_171 = arith.mulf %sub3A_168, %mul3A_170 : vector<16xf32>
      %sub3A_172 = arith.constant 5.000000e-01 : f32
      %sub3A_173 = vector.broadcast %sub3A_172 : f32 to vector<16xf32>
      %sub3A_174 = arith.subf %mul3A_171, %sub3A_173 : vector<16xf32>
      %convert_element_type3A_175 = arith.fptosi %sub3A_174 : vector<16xf32> to vector<16xi32>
      %max3A_176 = arith.constant -126 : i32
      %max3A_177 = vector.broadcast %max3A_176 : i32 to vector<16xi32>
      %max3A_178 = arith.maxsi %convert_element_type3A_175, %max3A_177 : vector<16xi32>
      %convert_element_type3A_179 = arith.sitofp %max3A_178 : vector<16xi32> to vector<16xf32>
      %mul3A_180 = arith.constant 0.693145751 : f32
      %mul3A_181 = vector.broadcast %mul3A_180 : f32 to vector<16xf32>
      %mul3A_182 = arith.mulf %convert_element_type3A_179, %mul3A_181 : vector<16xf32>
      %sub3A_183 = arith.subf %sub3A_168, %mul3A_182 : vector<16xf32>
      %mul3A_184 = arith.constant 1.42860654E-6 : f32
      %mul3A_185 = vector.broadcast %mul3A_184 : f32 to vector<16xf32>
      %mul3A_186 = arith.mulf %convert_element_type3A_179, %mul3A_185 : vector<16xf32>
      %sub3A_187 = arith.subf %sub3A_183, %mul3A_186 : vector<16xf32>
      %add3A_188 = arith.constant 127 : i32
      %add3A_189 = vector.broadcast %add3A_188 : i32 to vector<16xi32>
      %add3A_190 = arith.addi %max3A_178, %add3A_189 : vector<16xi32>
      %shift_left3A_191 = arith.constant 23 : i32
      %shift_left3A_192 = vector.broadcast %shift_left3A_191 : i32 to vector<16xi32>
      %shift_left3A_193 = arith.shli %add3A_190, %shift_left3A_192 : vector<16xi32>
      %bitcast3A_194 = vector.bitcast %shift_left3A_193 : vector<16xi32> to vector<16xf32>
      %exp3A_195 = math.exp %sub3A_187 : vector<16xf32>
      %mul3A_196 = arith.mulf %bitcast3A_194, %exp3A_195 : vector<16xf32>
      %mul3A_197 = arith.mulf %mul3A_196, %mul3A_167 : vector<16xf32>
      %add3A_198 = arith.addf %add3A_150, %mul3A_197 : vector<16xf32>
      %add3A_199 = arith.constant 13312 : i32
      %add3A_200 = arith.addi %add3A_199, %mul3A_12 : i32
      %get3A_201 = arith.index_cast %add3A_200 : i32 to index
      %get3A_202 = tpu.vector_load %arg7[%get3A_201] {strides = array<i32>} : memref<26624xf32, #tpu.memory_space<vmem>>, vector<16xf32>,
      %add3A_203 = arith.constant 1024 : i32
      %add3A_204 = vector.broadcast %add3A_203 : i32 to vector<16xi32>
      %add3A_205 = arith.addi %get3A_13, %add3A_204 : vector<16xi32>
      %gather3A_206 = tpu.vector_load_idx %arg9[%add3A_205] : memref<2048xf32, #tpu.memory_space<vmem>>[vector<16xi32>], vector<16xf32>,
      %gather3A_207 = tpu.vector_load_idx %arg10[%add3A_205] : memref<2048xf32, #tpu.memory_space<vmem>>[vector<16xi32>], vector<16xf32>,
      %div3A_208 = arith.constant 1.000000e+00 : f32
      %div3A_209 = vector.broadcast %div3A_208 : f32 to vector<16xf32>
      %div3A_210 = arith.divf %div3A_209, %gather3A_207 : vector<16xf32>
      %mul3A_211 = arith.mulf %gather3A_207, %div3A_210 : vector<16xf32>
      %sub3A_212 = arith.constant 2.000000e+00 : f32
      %sub3A_213 = vector.broadcast %sub3A_212 : f32 to vector<16xf32>
      %sub3A_214 = arith.subf %sub3A_213, %mul3A_211 : vector<16xf32>
      %mul3A_215 = arith.mulf %div3A_210, %sub3A_214 : vector<16xf32>
      %sub3A_216 = arith.subf %get3A_202, %gather3A_206 : vector<16xf32>
      %mul3A_217 = arith.constant 1.44269502 : f32
      %mul3A_218 = vector.broadcast %mul3A_217 : f32 to vector<16xf32>
      %mul3A_219 = arith.mulf %sub3A_216, %mul3A_218 : vector<16xf32>
      %sub3A_220 = arith.constant 5.000000e-01 : f32
      %sub3A_221 = vector.broadcast %sub3A_220 : f32 to vector<16xf32>
      %sub3A_222 = arith.subf %mul3A_219, %sub3A_221 : vector<16xf32>
      %convert_element_type3A_223 = arith.fptosi %sub3A_222 : vector<16xf32> to vector<16xi32>
      %max3A_224 = arith.constant -126 : i32
      %max3A_225 = vector.broadcast %max3A_224 : i32 to vector<16xi32>
      %max3A_226 = arith.maxsi %convert_element_type3A_223, %max3A_225 : vector<16xi32>
      %convert_element_type3A_227 = arith.sitofp %max3A_226 : vector<16xi32> to vector<16xf32>
      %mul3A_228 = arith.constant 0.693145751 : f32
      %mul3A_229 = vector.broadcast %mul3A_228 : f32 to vector<16xf32>
      %mul3A_230 = arith.mulf %convert_element_type3A_227, %mul3A_229 : vector<16xf32>
      %sub3A_231 = arith.subf %sub3A_216, %mul3A_230 : vector<16xf32>
      %mul3A_232 = arith.constant 1.42860654E-6 : f32
      %mul3A_233 = vector.broadcast %mul3A_232 : f32 to vector<16xf32>
      %mul3A_234 = arith.mulf %convert_element_type3A_227, %mul3A_233 : vector<16xf32>
      %sub3A_235 = arith.subf %sub3A_231, %mul3A_234 : vector<16xf32>
      %add3A_236 = arith.constant 127 : i32
      %add3A_237 = vector.broadcast %add3A_236 : i32 to vector<16xi32>
      %add3A_238 = arith.addi %max3A_226, %add3A_237 : vector<16xi32>
      %shift_left3A_239 = arith.constant 23 : i32
      %shift_left3A_240 = vector.broadcast %shift_left3A_239 : i32 to vector<16xi32>
      %shift_left3A_241 = arith.shli %add3A_238, %shift_left3A_240 : vector<16xi32>
      %bitcast3A_242 = vector.bitcast %shift_left3A_241 : vector<16xi32> to vector<16xf32>
      %exp3A_243 = math.exp %sub3A_235 : vector<16xf32>
      %mul3A_244 = arith.mulf %bitcast3A_242, %exp3A_243 : vector<16xf32>
      %mul3A_245 = arith.mulf %mul3A_244, %mul3A_215 : vector<16xf32>
      %add3A_246 = arith.addf %add3A_198, %mul3A_245 : vector<16xf32>
      %add3A_247 = arith.constant 16640 : i32
      %add3A_248 = arith.addi %add3A_247, %mul3A_12 : i32
      %get3A_249 = arith.index_cast %add3A_248 : i32 to index
      %get3A_250 = tpu.vector_load %arg7[%get3A_249] {strides = array<i32>} : memref<26624xf32, #tpu.memory_space<vmem>>, vector<16xf32>,
      %add3A_251 = arith.constant 1280 : i32
      %add3A_252 = vector.broadcast %add3A_251 : i32 to vector<16xi32>
      %add3A_253 = arith.addi %get3A_13, %add3A_252 : vector<16xi32>
      %gather3A_254 = tpu.vector_load_idx %arg9[%add3A_253] : memref<2048xf32, #tpu.memory_space<vmem>>[vector<16xi32>], vector<16xf32>,
      %gather3A_255 = tpu.vector_load_idx %arg10[%add3A_253] : memref<2048xf32, #tpu.memory_space<vmem>>[vector<16xi32>], vector<16xf32>,
      %div3A_256 = arith.constant 1.000000e+00 : f32
      %div3A_257 = vector.broadcast %div3A_256 : f32 to vector<16xf32>
      %div3A_258 = arith.divf %div3A_257, %gather3A_255 : vector<16xf32>
      %mul3A_259 = arith.mulf %gather3A_255, %div3A_258 : vector<16xf32>
      %sub3A_260 = arith.constant 2.000000e+00 : f32
      %sub3A_261 = vector.broadcast %sub3A_260 : f32 to vector<16xf32>
      %sub3A_262 = arith.subf %sub3A_261, %mul3A_259 : vector<16xf32>
      %mul3A_263 = arith.mulf %div3A_258, %sub3A_262 : vector<16xf32>
      %sub3A_264 = arith.subf %get3A_250, %gather3A_254 : vector<16xf32>
      %mul3A_265 = arith.constant 1.44269502 : f32
      %mul3A_266 = vector.broadcast %mul3A_265 : f32 to vector<16xf32>
      %mul3A_267 = arith.mulf %sub3A_264, %mul3A_266 : vector<16xf32>
      %sub3A_268 = arith.constant 5.000000e-01 : f32
      %sub3A_269 = vector.broadcast %sub3A_268 : f32 to vector<16xf32>
      %sub3A_270 = arith.subf %mul3A_267, %sub3A_269 : vector<16xf32>
      %convert_element_type3A_271 = arith.fptosi %sub3A_270 : vector<16xf32> to vector<16xi32>
      %max3A_272 = arith.constant -126 : i32
      %max3A_273 = vector.broadcast %max3A_272 : i32 to vector<16xi32>
      %max3A_274 = arith.maxsi %convert_element_type3A_271, %max3A_273 : vector<16xi32>
      %convert_element_type3A_275 = arith.sitofp %max3A_274 : vector<16xi32> to vector<16xf32>
      %mul3A_276 = arith.constant 0.693145751 : f32
      %mul3A_277 = vector.broadcast %mul3A_276 : f32 to vector<16xf32>
      %mul3A_278 = arith.mulf %convert_element_type3A_275, %mul3A_277 : vector<16xf32>
      %sub3A_279 = arith.subf %sub3A_264, %mul3A_278 : vector<16xf32>
      %mul3A_280 = arith.constant 1.42860654E-6 : f32
      %mul3A_281 = vector.broadcast %mul3A_280 : f32 to vector<16xf32>
      %mul3A_282 = arith.mulf %convert_element_type3A_275, %mul3A_281 : vector<16xf32>
      %sub3A_283 = arith.subf %sub3A_279, %mul3A_282 : vector<16xf32>
      %add3A_284 = arith.constant 127 : i32
      %add3A_285 = vector.broadcast %add3A_284 : i32 to vector<16xi32>
      %add3A_286 = arith.addi %max3A_274, %add3A_285 : vector<16xi32>
      %shift_left3A_287 = arith.constant 23 : i32
      %shift_left3A_288 = vector.broadcast %shift_left3A_287 : i32 to vector<16xi32>
      %shift_left3A_289 = arith.shli %add3A_286, %shift_left3A_288 : vector<16xi32>
      %bitcast3A_290 = vector.bitcast %shift_left3A_289 : vector<16xi32> to vector<16xf32>
      %exp3A_291 = math.exp %sub3A_283 : vector<16xf32>
      %mul3A_292 = arith.mulf %bitcast3A_290, %exp3A_291 : vector<16xf32>
      %mul3A_293 = arith.mulf %mul3A_292, %mul3A_263 : vector<16xf32>
      %add3A_294 = arith.addf %add3A_246, %mul3A_293 : vector<16xf32>
      %add3A_295 = arith.constant 19968 : i32
      %add3A_296 = arith.addi %add3A_295, %mul3A_12 : i32
      %get3A_297 = arith.index_cast %add3A_296 : i32 to index
      %get3A_298 = tpu.vector_load %arg7[%get3A_297] {strides = array<i32>} : memref<26624xf32, #tpu.memory_space<vmem>>, vector<16xf32>,
      %add3A_299 = arith.constant 1536 : i32
      %add3A_300 = vector.broadcast %add3A_299 : i32 to vector<16xi32>
      %add3A_301 = arith.addi %get3A_13, %add3A_300 : vector<16xi32>
      %gather3A_302 = tpu.vector_load_idx %arg9[%add3A_301] : memref<2048xf32, #tpu.memory_space<vmem>>[vector<16xi32>], vector<16xf32>,
      %gather3A_303 = tpu.vector_load_idx %arg10[%add3A_301] : memref<2048xf32, #tpu.memory_space<vmem>>[vector<16xi32>], vector<16xf32>,
      %div3A_304 = arith.constant 1.000000e+00 : f32
      %div3A_305 = vector.broadcast %div3A_304 : f32 to vector<16xf32>
      %div3A_306 = arith.divf %div3A_305, %gather3A_303 : vector<16xf32>
      %mul3A_307 = arith.mulf %gather3A_303, %div3A_306 : vector<16xf32>
      %sub3A_308 = arith.constant 2.000000e+00 : f32
      %sub3A_309 = vector.broadcast %sub3A_308 : f32 to vector<16xf32>
      %sub3A_310 = arith.subf %sub3A_309, %mul3A_307 : vector<16xf32>
      %mul3A_311 = arith.mulf %div3A_306, %sub3A_310 : vector<16xf32>
      %sub3A_312 = arith.subf %get3A_298, %gather3A_302 : vector<16xf32>
      %mul3A_313 = arith.constant 1.44269502 : f32
      %mul3A_314 = vector.broadcast %mul3A_313 : f32 to vector<16xf32>
      %mul3A_315 = arith.mulf %sub3A_312, %mul3A_314 : vector<16xf32>
      %sub3A_316 = arith.constant 5.000000e-01 : f32
      %sub3A_317 = vector.broadcast %sub3A_316 : f32 to vector<16xf32>
      %sub3A_318 = arith.subf %mul3A_315, %sub3A_317 : vector<16xf32>
      %convert_element_type3A_319 = arith.fptosi %sub3A_318 : vector<16xf32> to vector<16xi32>
      %max3A_320 = arith.constant -126 : i32
      %max3A_321 = vector.broadcast %max3A_320 : i32 to vector<16xi32>
      %max3A_322 = arith.maxsi %convert_element_type3A_319, %max3A_321 : vector<16xi32>
      %convert_element_type3A_323 = arith.sitofp %max3A_322 : vector<16xi32> to vector<16xf32>
      %mul3A_324 = arith.constant 0.693145751 : f32
      %mul3A_325 = vector.broadcast %mul3A_324 : f32 to vector<16xf32>
      %mul3A_326 = arith.mulf %convert_element_type3A_323, %mul3A_325 : vector<16xf32>
      %sub3A_327 = arith.subf %sub3A_312, %mul3A_326 : vector<16xf32>
      %mul3A_328 = arith.constant 1.42860654E-6 : f32
      %mul3A_329 = vector.broadcast %mul3A_328 : f32 to vector<16xf32>
      %mul3A_330 = arith.mulf %convert_element_type3A_323, %mul3A_329 : vector<16xf32>
      %sub3A_331 = arith.subf %sub3A_327, %mul3A_330 : vector<16xf32>
      %add3A_332 = arith.constant 127 : i32
      %add3A_333 = vector.broadcast %add3A_332 : i32 to vector<16xi32>
      %add3A_334 = arith.addi %max3A_322, %add3A_333 : vector<16xi32>
      %shift_left3A_335 = arith.constant 23 : i32
      %shift_left3A_336 = vector.broadcast %shift_left3A_335 : i32 to vector<16xi32>
      %shift_left3A_337 = arith.shli %add3A_334, %shift_left3A_336 : vector<16xi32>
      %bitcast3A_338 = vector.bitcast %shift_left3A_337 : vector<16xi32> to vector<16xf32>
      %exp3A_339 = math.exp %sub3A_331 : vector<16xf32>
      %mul3A_340 = arith.mulf %bitcast3A_338, %exp3A_339 : vector<16xf32>
      %mul3A_341 = arith.mulf %mul3A_340, %mul3A_311 : vector<16xf32>
      %add3A_342 = arith.addf %add3A_294, %mul3A_341 : vector<16xf32>
      %add3A_343 = arith.constant 23296 : i32
      %add3A_344 = arith.addi %add3A_343, %mul3A_12 : i32
      %get3A_345 = arith.index_cast %add3A_344 : i32 to index
      %get3A_346 = tpu.vector_load %arg7[%get3A_345] {strides = array<i32>} : memref<26624xf32, #tpu.memory_space<vmem>>, vector<16xf32>,
      %add3A_347 = arith.constant 1792 : i32
      %add3A_348 = vector.broadcast %add3A_347 : i32 to vector<16xi32>
      %add3A_349 = arith.addi %get3A_13, %add3A_348 : vector<16xi32>
      %gather3A_350 = tpu.vector_load_idx %arg9[%add3A_349] : memref<2048xf32, #tpu.memory_space<vmem>>[vector<16xi32>], vector<16xf32>,
      %gather3A_351 = tpu.vector_load_idx %arg10[%add3A_349] : memref<2048xf32, #tpu.memory_space<vmem>>[vector<16xi32>], vector<16xf32>,
      %div3A_352 = arith.constant 1.000000e+00 : f32
      %div3A_353 = vector.broadcast %div3A_352 : f32 to vector<16xf32>
      %div3A_354 = arith.divf %div3A_353, %gather3A_351 : vector<16xf32>
      %mul3A_355 = arith.mulf %gather3A_351, %div3A_354 : vector<16xf32>
      %sub3A_356 = arith.constant 2.000000e+00 : f32
      %sub3A_357 = vector.broadcast %sub3A_356 : f32 to vector<16xf32>
      %sub3A_358 = arith.subf %sub3A_357, %mul3A_355 : vector<16xf32>
      %mul3A_359 = arith.mulf %div3A_354, %sub3A_358 : vector<16xf32>
      %sub3A_360 = arith.subf %get3A_346, %gather3A_350 : vector<16xf32>
      %mul3A_361 = arith.constant 1.44269502 : f32
      %mul3A_362 = vector.broadcast %mul3A_361 : f32 to vector<16xf32>
      %mul3A_363 = arith.mulf %sub3A_360, %mul3A_362 : vector<16xf32>
      %sub3A_364 = arith.constant 5.000000e-01 : f32
      %sub3A_365 = vector.broadcast %sub3A_364 : f32 to vector<16xf32>
      %sub3A_366 = arith.subf %mul3A_363, %sub3A_365 : vector<16xf32>
      %convert_element_type3A_367 = arith.fptosi %sub3A_366 : vector<16xf32> to vector<16xi32>
      %max3A_368 = arith.constant -126 : i32
      %max3A_369 = vector.broadcast %max3A_368 : i32 to vector<16xi32>
      %max3A_370 = arith.maxsi %convert_element_type3A_367, %max3A_369 : vector<16xi32>
      %convert_element_type3A_371 = arith.sitofp %max3A_370 : vector<16xi32> to vector<16xf32>
      %mul3A_372 = arith.constant 0.693145751 : f32
      %mul3A_373 = vector.broadcast %mul3A_372 : f32 to vector<16xf32>
      %mul3A_374 = arith.mulf %convert_element_type3A_371, %mul3A_373 : vector<16xf32>
      %sub3A_375 = arith.subf %sub3A_360, %mul3A_374 : vector<16xf32>
      %mul3A_376 = arith.constant 1.42860654E-6 : f32
      %mul3A_377 = vector.broadcast %mul3A_376 : f32 to vector<16xf32>
      %mul3A_378 = arith.mulf %convert_element_type3A_371, %mul3A_377 : vector<16xf32>
      %sub3A_379 = arith.subf %sub3A_375, %mul3A_378 : vector<16xf32>
      %add3A_380 = arith.constant 127 : i32
      %add3A_381 = vector.broadcast %add3A_380 : i32 to vector<16xi32>
      %add3A_382 = arith.addi %max3A_370, %add3A_381 : vector<16xi32>
      %shift_left3A_383 = arith.constant 23 : i32
      %shift_left3A_384 = vector.broadcast %shift_left3A_383 : i32 to vector<16xi32>
      %shift_left3A_385 = arith.shli %add3A_382, %shift_left3A_384 : vector<16xi32>
      %bitcast3A_386 = vector.bitcast %shift_left3A_385 : vector<16xi32> to vector<16xf32>
      %exp3A_387 = math.exp %sub3A_379 : vector<16xf32>
      %mul3A_388 = arith.mulf %bitcast3A_386, %exp3A_387 : vector<16xf32>
      %mul3A_389 = arith.mulf %mul3A_388, %mul3A_359 : vector<16xf32>
      %add3A_390 = arith.addf %add3A_342, %mul3A_389 : vector<16xf32>
      %swap3A = arith.index_cast %mul3A_12 : i32 to index
      %swap3A_391 = tpu.vector_load %arg11[%swap3A] {strides = array<i32>} : memref<3328xf32, #tpu.memory_space<vmem>>, vector<16xf32>,
      tpu.vector_store %arg11[%swap3A], %add3A_390 {strides = array<i32>} : memref<3328xf32, #tpu.memory_space<vmem>>, vector<16xf32>,
      %scan3A_392 = arith.constant 0 : i32
      scf.yield %scan3A_392 : i32
    }
    %scan3A_8 = arith.constant 208 : i32
    "tpu.region"() ({
      %run_scoped3A = tpu.sem_alloc : memref<!tpu.dma_semaphore, #tpu.memory_space<semaphore_mem>>
      %dma_start3A = tpu.memref_slice %arg6[%mul3A_2] : memref<106496xf32, #tpu.memory_space<hbm>> -> memref<3328xf32, #tpu.memory_space<hbm>>
      %dma_start3A_9 = tpu.memref_slice %arg6[%mul3A_2] : memref<106496xf32, #tpu.memory_space<hbm>> -> memref<3328xf32, #tpu.memory_space<hbm>>
      tpu.enqueue_dma source(%arg11 : memref<3328xf32, #tpu.memory_space<vmem>>) target(%dma_start3A_9 : memref<3328xf32, #tpu.memory_space<hbm>>) target_semaphore(%run_scoped3A : memref<!tpu.dma_semaphore, #tpu.memory_space<semaphore_mem>>)
      %dma_wait3A = tpu.memref_slice %arg6[%mul3A_2] : memref<106496xf32, #tpu.memory_space<hbm>> -> memref<3328xf32, #tpu.memory_space<hbm>>
      %dma_wait3A_10 = tpu.memref_slice %arg6[%mul3A_2] : memref<106496xf32, #tpu.memory_space<hbm>> -> memref<3328xf32, #tpu.memory_space<hbm>>
      tpu.wait_dma2 semaphore(%run_scoped3A : memref<!tpu.dma_semaphore, #tpu.memory_space<semaphore_mem>>) src(%arg11 : memref<3328xf32, #tpu.memory_space<vmem>>) dst(%dma_wait3A_10 : memref<3328xf32, #tpu.memory_space<hbm>>)
      tpu.yield
    }) : () -> ()
    return
  }
}

module attributes {stable_mosaic.version = 14 : i64} {
  func.func @_stage1(%arg0: i32, %arg1: memref<8192x128xf32, #tpu.memory_space<vmem>>, %arg2: memref<128x128xf32, #tpu.memory_space<vmem>>, %arg3: memref<1x128xf32, #tpu.memory_space<vmem>>, %arg4: memref<2048x128xf32, #tpu.memory_space<vmem>>, %arg5: memref<1x1x8192xi32, #tpu.memory_space<vmem>>, %arg6: memref<8x8192xf32, #tpu.memory_space<vmem>>, %arg7: memref<8x256xf32, #tpu.memory_space<vmem>>, %arg8: memref<8x256xf32, #tpu.memory_space<vmem>>, %arg9: memref<8x256xf32, #tpu.memory_space<vmem>>, %arg10: memref<8x256xf32, #tpu.memory_space<vmem>>, %arg11: memref<8x256xf32, #tpu.memory_space<vmem>>) attributes {dimension_semantics = [#tpu.dimension_semantics<arbitrary>], iteration_bounds = array<i64: 13>, scalar_prefetch = 0 : i64, scratch_operands = 3 : i64, tpu.core_type = #tpu.core_type<tc>, window_params = [{transform_indices = @transform_0, window_bounds = array<i64: 8192, 128>}, {pipeline_mode = #tpu.pipeline_mode<synchronous>, transform_indices = @transform_1, window_bounds = array<i64: 128, 128>}, {pipeline_mode = #tpu.pipeline_mode<synchronous>, transform_indices = @transform_2, window_bounds = array<i64: 1, 128>}, {pipeline_mode = #tpu.pipeline_mode<synchronous>, transform_indices = @transform_3, window_bounds = array<i64: 2048, 128>}, {transform_indices = @transform_4, window_bounds = array<i64: 1, 1, 8192>}, {transform_indices = @transform_5, window_bounds = array<i64: 8, 8192>}, {pipeline_mode = #tpu.pipeline_mode<synchronous>, transform_indices = @transform_6, window_bounds = array<i64: 8, 256>}, {pipeline_mode = #tpu.pipeline_mode<synchronous>, transform_indices = @transform_7, window_bounds = array<i64: 8, 256>}]} {
    %eq3A = arith.constant 0 : i32
    %eq3A_0 = arith.cmpi eq, %arg0, %eq3A : i32
    %convert_element_type3A = arith.extui %eq3A_0 : i1 to i32
    %cond3A = arith.constant 0 : i32
    %cond3A_1 = arith.cmpi ne, %convert_element_type3A, %cond3A : i32
    scf.if %cond3A_1 {
      %broadcast_in_dim3A_70 = arith.constant 0xFF800000 : f32
      %broadcast_in_dim3A_71 = vector.broadcast %broadcast_in_dim3A_70 : f32 to vector<8x256xf32>
      %swap3A_72 = arith.constant 0 : index
      %swap3A_73 = arith.constant 0 : index
      %swap3A_74 = vector.load %arg9[%swap3A_72, %swap3A_73] : memref<8x256xf32, #tpu.memory_space<vmem>>, vector<8x256xf32>
      tpu.vector_store %arg9[%swap3A_72, %swap3A_73], %broadcast_in_dim3A_71 {strides = array<i32>} : memref<8x256xf32, #tpu.memory_space<vmem>>, vector<8x256xf32>,
      %broadcast_in_dim3A_75 = arith.constant 0.000000e+00 : f32
      %broadcast_in_dim3A_76 = vector.broadcast %broadcast_in_dim3A_75 : f32 to vector<8x256xf32>
      %swap3A_77 = arith.constant 0 : index
      %swap3A_78 = arith.constant 0 : index
      %swap3A_79 = vector.load %arg10[%swap3A_77, %swap3A_78] : memref<8x256xf32, #tpu.memory_space<vmem>>, vector<8x256xf32>
      tpu.vector_store %arg10[%swap3A_77, %swap3A_78], %broadcast_in_dim3A_76 {strides = array<i32>} : memref<8x256xf32, #tpu.memory_space<vmem>>, vector<8x256xf32>,
      %broadcast_in_dim3A_80 = arith.constant 0.000000e+00 : f32
      %broadcast_in_dim3A_81 = vector.broadcast %broadcast_in_dim3A_80 : f32 to vector<8x256xf32>
      %swap3A_82 = arith.constant 0 : index
      %swap3A_83 = arith.constant 0 : index
      %swap3A_84 = vector.load %arg11[%swap3A_82, %swap3A_83] : memref<8x256xf32, #tpu.memory_space<vmem>>, vector<8x256xf32>
      tpu.vector_store %arg11[%swap3A_82, %swap3A_83], %broadcast_in_dim3A_81 {strides = array<i32>} : memref<8x256xf32, #tpu.memory_space<vmem>>, vector<8x256xf32>,
    } else {
    }
    %get3A = arith.constant 0 : index
    %get3A_2 = arith.constant 0 : index
    %get3A_3 = arith.constant 0 : index
    %get3A_4 = vector.load %arg5[%get3A, %get3A_2, %get3A_3] : memref<1x1x8192xi32, #tpu.memory_space<vmem>>, vector<1x1x8192xi32>
    %get3A_5 = vector.shape_cast %get3A_4 : vector<1x1x8192xi32> to vector<1x8192xi32>
    %iota3A = tpu.iota {dimensions = array<i32: 1>} : vector<1x8192xi32>
    %mul3A = arith.constant 8192 : i32
    %mul3A_6 = arith.muli %arg0, %mul3A : i32
    %add3A = vector.broadcast %mul3A_6 : i32 to vector<1x8192xi32>
    %add3A_7 = arith.addi %add3A, %iota3A : vector<1x8192xi32>
    %lt3A = arith.constant 100000 : i32
    %lt3A_8 = vector.broadcast %lt3A : i32 to vector<1x8192xi32>
    %lt3A_9 = arith.cmpi slt, %add3A_7, %lt3A_8 : vector<1x8192xi32>
    %iota3A_10 = tpu.iota {dimensions = array<i32: 1>} : vector<1x256xi32>
    %iota3A_11 = tpu.iota {dimensions = array<i32: 0>} : vector<16x1xi32>
    %get3A_12 = arith.constant 0 : index
    %get3A_13 = arith.constant 0 : index
    %get3A_14 = vector.load %arg1[%get3A_12, %get3A_13] : memref<8192x128xf32, #tpu.memory_space<vmem>>, vector<8192x128xf32>
    %get3A_15 = arith.constant 0 : index
    %get3A_16 = arith.constant 0 : index
    %get3A_17 = vector.load %arg2[%get3A_15, %get3A_16] : memref<128x128xf32, #tpu.memory_space<vmem>>, vector<128x128xf32>
    %dot_general3A = arith.constant dense<0.000000e+00> : vector<8192x128xf32>
    %dot_general3A_18 = tpu.matmul %get3A_14, %get3A_17, %dot_general3A {dimension_numbers = #tpu.dot_dimension_numbers<[1], [1], [0], [0], [0, 0, 1, 0], [], []>, transpose_lhs_hint = false} : vector<8192x128xf32>, vector<128x128xf32>, vector<8192x128xf32> -> vector<8192x128xf32>
    %get3A_19 = arith.constant 0 : index
    %get3A_20 = arith.constant 0 : index
    %get3A_21 = vector.load %arg3[%get3A_19, %get3A_20] : memref<1x128xf32, #tpu.memory_space<vmem>>, vector<1x128xf32>
    %add3A_22 = vector.broadcast %get3A_21 : vector<1x128xf32> to vector<8192x128xf32>
    %add3A_23 = arith.addf %dot_general3A_18, %add3A_22 : vector<8192x128xf32>
    %mul3A_24 = arith.constant 5.000000e-01 : f32
    %mul3A_25 = vector.broadcast %mul3A_24 : f32 to vector<8192x128xf32>
    %mul3A_26 = arith.mulf %add3A_23, %mul3A_25 : vector<8192x128xf32>
    %mul3A_27 = arith.constant 0.707106769 : f32
    %mul3A_28 = vector.broadcast %mul3A_27 : f32 to vector<8192x128xf32>
    %mul3A_29 = arith.mulf %add3A_23, %mul3A_28 : vector<8192x128xf32>
    %erf3A = math.erf %mul3A_29 : vector<8192x128xf32>
    %add3A_30 = arith.constant 1.000000e+00 : f32
    %add3A_31 = vector.broadcast %add3A_30 : f32 to vector<8192x128xf32>
    %add3A_32 = arith.addf %add3A_31, %erf3A : vector<8192x128xf32>
    %mul3A_33 = arith.mulf %mul3A_26, %add3A_32 : vector<8192x128xf32>
    %reduce_min3A = vector.shape_cast %get3A_5 : vector<1x8192xi32> to vector<1x1x8192xi32>
    %reduce_min3A_34 = arith.constant dense<2147483647> : vector<1xi32>
    %reduce_min3A_35 = vector.multi_reduction <minsi>, %reduce_min3A, %reduce_min3A_34 [1, 2] : vector<1x1x8192xi32> to vector<1xi32>
    %reduce_min3A_36 = vector.shape_cast %reduce_min3A_35 : vector<1xi32> to vector<1x1x1xi32>
    %reduce_min3A_37 = vector.extract %reduce_min3A_36[0, 0, 0] : i32 from vector<1x1x1xi32>
    %reduce_max3A = vector.shape_cast %get3A_5 : vector<1x8192xi32> to vector<1x1x8192xi32>
    %reduce_max3A_38 = arith.constant dense<-2147483648> : vector<1xi32>
    %reduce_max3A_39 = vector.multi_reduction <maxsi>, %reduce_max3A, %reduce_max3A_38 [1, 2] : vector<1x1x8192xi32> to vector<1xi32>
    %reduce_max3A_40 = vector.shape_cast %reduce_max3A_39 : vector<1xi32> to vector<1x1x1xi32>
    %reduce_max3A_41 = vector.extract %reduce_max3A_40[0, 0, 0] : i32 from vector<1x1x1xi32>
    %jit3A = arith.constant 16 : i32
    %div3A = arith.divsi %reduce_min3A_37, %jit3A : i32
    %sign3A = arith.constant 0 : i32
    %sign3A_42 = arith.cmpi sgt, %reduce_min3A_37, %sign3A : i32
    %sign3A_43 = arith.extui %sign3A_42 : i1 to i32
    %sign3A_44 = arith.constant 0 : i32
    %sign3A_45 = arith.cmpi slt, %reduce_min3A_37, %sign3A_44 : i32
    %sign3A_46 = arith.extui %sign3A_45 : i1 to i32
    %sign3A_47 = arith.subi %sign3A_43, %sign3A_46 : i32
    %sign3A_48 = arith.constant 0 : i32
    %sign3A_49 = arith.cmpi sgt, %jit3A, %sign3A_48 : i32
    %sign3A_50 = arith.extui %sign3A_49 : i1 to i32
    %sign3A_51 = arith.constant 0 : i32
    %sign3A_52 = arith.cmpi slt, %jit3A, %sign3A_51 : i32
    %sign3A_53 = arith.extui %sign3A_52 : i1 to i32
    %sign3A_54 = arith.subi %sign3A_50, %sign3A_53 : i32
    %ne3A = arith.cmpi ne, %sign3A_47, %sign3A_54 : i32
    %rem3A = arith.remsi %reduce_min3A_37, %jit3A : i32
    %ne3A_55 = arith.constant 0 : i32
    %ne3A_56 = arith.cmpi ne, %rem3A, %ne3A_55 : i32
    %and3A = arith.andi %ne3A, %ne3A_56 : i1
    %sub3A = arith.constant 1 : i32
    %sub3A_57 = arith.subi %div3A, %sub3A : i32
    %select_n3A = arith.select %and3A, %sub3A_57, %div3A : i32
    %mul3A_58 = arith.constant 16 : i32
    %mul3A_59 = arith.muli %select_n3A, %mul3A_58 : i32
    %broadcast_in_dim3A = arith.constant 0.000000e+00 : f32
    %broadcast_in_dim3A_60 = vector.broadcast %broadcast_in_dim3A : f32 to vector<8x8192xf32>
    %broadcast_in_dim3A_61 = arith.constant 0.000000e+00 : f32
    %broadcast_in_dim3A_62 = vector.broadcast %broadcast_in_dim3A_61 : f32 to vector<8x8192xf32>
    %while3A:3 = scf.while (%while3A_70 = %mul3A_59, %while3A_71 = %broadcast_in_dim3A_60, %while3A_72 = %broadcast_in_dim3A_62) : (i32, vector<8x8192xf32>, vector<8x8192xf32>) -> (i32, vector<8x8192xf32>, vector<8x8192xf32>) {
      %le3A = arith.cmpi sle, %while3A_70, %reduce_max3A_41 : i32
      scf.condition(%le3A) %while3A_70, %while3A_71, %while3A_72 : i32, vector<8x8192xf32>, vector<8x8192xf32>
    } do {
    ^bb0(%while3A_70: i32, %while3A_71: vector<8x8192xf32>, %while3A_72: vector<8x8192xf32>):
      %mul3A_73 = arith.constant 8 : i32
      %mul3A_74 = arith.muli %while3A_70, %mul3A_73 : i32
      %get3A_75 = arith.index_cast %mul3A_74 : i32 to index
      %get3A_76 = arith.constant 0 : index
      %get3A_77 = vector.load %arg4[%get3A_75, %get3A_76] : memref<2048x128xf32, #tpu.memory_space<vmem>>, vector<128x128xf32>
      %dot_general3A_78 = arith.constant dense<0.000000e+00> : vector<128x8192xf32>
      %dot_general3A_79 = tpu.matmul %get3A_77, %mul3A_33, %dot_general3A_78 {dimension_numbers = #tpu.dot_dimension_numbers<[1], [1], [0], [0], [0, 0, 1, 0], [], []>, transpose_lhs_hint = false} : vector<128x128xf32>, vector<8192x128xf32>, vector<128x8192xf32> -> vector<128x8192xf32>
      %add3A_80 = arith.constant 0 : i32
      %add3A_81 = arith.addi %while3A_70, %add3A_80 : i32
      %eq3A_82 = vector.broadcast %add3A_81 : i32 to vector<1x8192xi32>
      %eq3A_83 = arith.cmpi eq, %get3A_5, %eq3A_82 : vector<1x8192xi32>
      %and3A_84 = arith.andi %eq3A_83, %lt3A_9 : vector<1x8192xi1>
      %add3A_85 = arith.constant 0 : i32
      %add3A_86 = arith.addi %while3A_70, %add3A_85 : i32
      %eq3A_87 = vector.broadcast %add3A_86 : i32 to vector<1x256xi32>
      %eq3A_88 = arith.cmpi eq, %iota3A_10, %eq3A_87 : vector<1x256xi32>
      %slice3A = vector.extract_strided_slice %dot_general3A_79 {offsets = [0, 0], sizes = [8, 8192], strides = [1, 1]} : vector<128x8192xf32> to vector<8x8192xf32>
      %broadcast_in_dim3A_89 = vector.shape_cast %and3A_84 : vector<1x8192xi1> to vector<1x8192xi1>
      %broadcast_in_dim3A_90 = vector.broadcast %broadcast_in_dim3A_89 : vector<1x8192xi1> to vector<8x8192xi1>
      %select_n3A_91 = arith.select %broadcast_in_dim3A_90, %slice3A, %while3A_71 : vector<8x8192xi1>, vector<8x8192xf32>
      %jit3A_92 = arith.constant 0xFF800000 : f32
      %broadcast_in_dim3A_93 = vector.shape_cast %and3A_84 : vector<1x8192xi1> to vector<1x8192xi1>
      %broadcast_in_dim3A_94 = vector.broadcast %broadcast_in_dim3A_93 : vector<1x8192xi1> to vector<8x8192xi1>
      %broadcast_in_dim3A_95 = vector.broadcast %jit3A_92 : f32 to vector<8x8192xf32>
      %select_n3A_96 = arith.select %broadcast_in_dim3A_94, %slice3A, %broadcast_in_dim3A_95 : vector<8x8192xi1>, vector<8x8192xf32>
      %reduce_max3A_97 = arith.constant dense<0xFF800000> : vector<8xf32>
      %reduce_max3A_98 = vector.multi_reduction <maximumf>, %select_n3A_96, %reduce_max3A_97 [1] : vector<8x8192xf32> to vector<8xf32>
      %broadcast_in_dim3A_99 = vector.shape_cast %reduce_max3A_98 : vector<8xf32> to vector<8x1xf32>
      %get3A_100 = arith.constant 0 : index
      %get3A_101 = arith.constant 0 : index
      %get3A_102 = vector.load %arg9[%get3A_100, %get3A_101] : memref<8x256xf32, #tpu.memory_space<vmem>>, vector<8x256xf32>
      %jit3A_103 = arith.constant 0xFF800000 : f32
      %broadcast_in_dim3A_104 = vector.shape_cast %eq3A_88 : vector<1x256xi1> to vector<1x256xi1>
      %broadcast_in_dim3A_105 = vector.broadcast %broadcast_in_dim3A_104 : vector<1x256xi1> to vector<8x256xi1>
      %broadcast_in_dim3A_106 = vector.broadcast %jit3A_103 : f32 to vector<8x256xf32>
      %select_n3A_107 = arith.select %broadcast_in_dim3A_105, %get3A_102, %broadcast_in_dim3A_106 : vector<8x256xi1>, vector<8x256xf32>
      %reduce_max3A_108 = arith.constant dense<0xFF800000> : vector<8xf32>
      %reduce_max3A_109 = vector.multi_reduction <maximumf>, %select_n3A_107, %reduce_max3A_108 [1] : vector<8x256xf32> to vector<8xf32>
      %broadcast_in_dim3A_110 = vector.shape_cast %reduce_max3A_109 : vector<8xf32> to vector<8x1xf32>
      %max3A = arith.maximumf %broadcast_in_dim3A_110, %broadcast_in_dim3A_99 : vector<8x1xf32>
      %eq3A_111 = arith.constant 0xFF800000 : f32
      %eq3A_112 = vector.broadcast %eq3A_111 : f32 to vector<8x1xf32>
      %eq3A_113 = arith.cmpf oeq, %max3A, %eq3A_112 : vector<8x1xf32>
      %jit3A_114 = arith.constant 0.000000e+00 : f32
      %broadcast_in_dim3A_115 = vector.broadcast %jit3A_114 : f32 to vector<8x1xf32>
      %select_n3A_116 = arith.select %eq3A_113, %broadcast_in_dim3A_115, %max3A : vector<8x1xi1>, vector<8x1xf32>
      %eq3A_117 = arith.constant 0xFF800000 : f32
      %eq3A_118 = vector.broadcast %eq3A_117 : f32 to vector<8x1xf32>
      %eq3A_119 = arith.cmpf oeq, %broadcast_in_dim3A_110, %eq3A_118 : vector<8x1xf32>
      %sub3A_120 = arith.subf %broadcast_in_dim3A_110, %select_n3A_116 : vector<8x1xf32>
      %exp3A = math.exp %sub3A_120 : vector<8x1xf32>
      %jit3A_121 = arith.constant 0.000000e+00 : f32
      %broadcast_in_dim3A_122 = vector.broadcast %jit3A_121 : f32 to vector<8x1xf32>
      %select_n3A_123 = arith.select %eq3A_119, %broadcast_in_dim3A_122, %exp3A : vector<8x1xi1>, vector<8x1xf32>
      %get3A_124 = arith.constant 0 : index
      %get3A_125 = arith.constant 0 : index
      %get3A_126 = vector.load %arg9[%get3A_124, %get3A_125] : memref<8x256xf32, #tpu.memory_space<vmem>>, vector<8x256xf32>
      %broadcast_in_dim3A_127 = vector.shape_cast %eq3A_88 : vector<1x256xi1> to vector<1x256xi1>
      %broadcast_in_dim3A_128 = vector.broadcast %broadcast_in_dim3A_127 : vector<1x256xi1> to vector<8x256xi1>
      %broadcast_in_dim3A_129 = vector.shape_cast %max3A : vector<8x1xf32> to vector<8x1xf32>
      %broadcast_in_dim3A_130 = vector.broadcast %broadcast_in_dim3A_129 : vector<8x1xf32> to vector<8x256xf32>
      %select_n3A_131 = arith.select %broadcast_in_dim3A_128, %broadcast_in_dim3A_130, %get3A_126 : vector<8x256xi1>, vector<8x256xf32>
      %swap3A_132 = arith.constant 0 : index
      %swap3A_133 = arith.constant 0 : index
      %swap3A_134 = vector.load %arg9[%swap3A_132, %swap3A_133] : memref<8x256xf32, #tpu.memory_space<vmem>>, vector<8x256xf32>
      tpu.vector_store %arg9[%swap3A_132, %swap3A_133], %select_n3A_131 {strides = array<i32>} : memref<8x256xf32, #tpu.memory_space<vmem>>, vector<8x256xf32>,
      %get3A_135 = arith.constant 0 : index
      %get3A_136 = arith.constant 0 : index
      %get3A_137 = vector.load %arg10[%get3A_135, %get3A_136] : memref<8x256xf32, #tpu.memory_space<vmem>>, vector<8x256xf32>
      %mul3A_138 = vector.broadcast %select_n3A_123 : vector<8x1xf32> to vector<8x256xf32>
      %mul3A_139 = arith.mulf %get3A_137, %mul3A_138 : vector<8x256xf32>
      %get3A_140 = arith.constant 0 : index
      %get3A_141 = arith.constant 0 : index
      %get3A_142 = vector.load %arg10[%get3A_140, %get3A_141] : memref<8x256xf32, #tpu.memory_space<vmem>>, vector<8x256xf32>
      %broadcast_in_dim3A_143 = vector.shape_cast %eq3A_88 : vector<1x256xi1> to vector<1x256xi1>
      %broadcast_in_dim3A_144 = vector.broadcast %broadcast_in_dim3A_143 : vector<1x256xi1> to vector<8x256xi1>
      %select_n3A_145 = arith.select %broadcast_in_dim3A_144, %mul3A_139, %get3A_142 : vector<8x256xi1>, vector<8x256xf32>
      %swap3A_146 = arith.constant 0 : index
      %swap3A_147 = arith.constant 0 : index
      %swap3A_148 = vector.load %arg10[%swap3A_146, %swap3A_147] : memref<8x256xf32, #tpu.memory_space<vmem>>, vector<8x256xf32>
      tpu.vector_store %arg10[%swap3A_146, %swap3A_147], %select_n3A_145 {strides = array<i32>} : memref<8x256xf32, #tpu.memory_space<vmem>>, vector<8x256xf32>,
      %jit3A_149 = arith.constant 1.000000e+00 : f32
      %jit3A_150 = arith.constant 0.000000e+00 : f32
      %broadcast_in_dim3A_151 = vector.broadcast %jit3A_149 : f32 to vector<1x8192xf32>
      %broadcast_in_dim3A_152 = vector.broadcast %jit3A_150 : f32 to vector<1x8192xf32>
      %select_n3A_153 = arith.select %and3A_84, %broadcast_in_dim3A_151, %broadcast_in_dim3A_152 : vector<1x8192xi1>, vector<1x8192xf32>
      %reduce_sum3A = vector.shape_cast %select_n3A_153 : vector<1x8192xf32> to vector<1x1x8192xf32>
      %reduce_sum3A_154 = arith.constant dense<0.000000e+00> : vector<1xf32>
      %reduce_sum3A_155 = vector.multi_reduction <add>, %reduce_sum3A, %reduce_sum3A_154 [1, 2] : vector<1x1x8192xf32> to vector<1xf32>
      %reduce_sum3A_156 = vector.shape_cast %reduce_sum3A_155 : vector<1xf32> to vector<1x1x1xf32>
      %reduce_sum3A_157 = vector.extract %reduce_sum3A_156[0, 0, 0] : f32 from vector<1x1x1xf32>
      %get3A_158 = arith.constant 0 : index
      %get3A_159 = arith.constant 0 : index
      %get3A_160 = vector.load %arg11[%get3A_158, %get3A_159] : memref<8x256xf32, #tpu.memory_space<vmem>>, vector<8x256xf32>
      %add3A_161 = vector.broadcast %reduce_sum3A_157 : f32 to vector<8x256xf32>
      %add3A_162 = arith.addf %get3A_160, %add3A_161 : vector<8x256xf32>
      %get3A_163 = arith.constant 0 : index
      %get3A_164 = arith.constant 0 : index
      %get3A_165 = vector.load %arg11[%get3A_163, %get3A_164] : memref<8x256xf32, #tpu.memory_space<vmem>>, vector<8x256xf32>
      %broadcast_in_dim3A_166 = vector.shape_cast %eq3A_88 : vector<1x256xi1> to vector<1x256xi1>
      %broadcast_in_dim3A_167 = vector.broadcast %broadcast_in_dim3A_166 : vector<1x256xi1> to vector<8x256xi1>
      %select_n3A_168 = arith.select %broadcast_in_dim3A_167, %add3A_162, %get3A_165 : vector<8x256xi1>, vector<8x256xf32>
      %swap3A_169 = arith.constant 0 : index
      %swap3A_170 = arith.constant 0 : index
      %swap3A_171 = vector.load %arg11[%swap3A_169, %swap3A_170] : memref<8x256xf32, #tpu.memory_space<vmem>>, vector<8x256xf32>
      tpu.vector_store %arg11[%swap3A_169, %swap3A_170], %select_n3A_168 {strides = array<i32>} : memref<8x256xf32, #tpu.memory_space<vmem>>, vector<8x256xf32>,
      %broadcast_in_dim3A_172 = vector.shape_cast %and3A_84 : vector<1x8192xi1> to vector<1x8192xi1>
      %broadcast_in_dim3A_173 = vector.broadcast %broadcast_in_dim3A_172 : vector<1x8192xi1> to vector<8x8192xi1>
      %broadcast_in_dim3A_174 = vector.shape_cast %select_n3A_116 : vector<8x1xf32> to vector<8x1xf32>
      %broadcast_in_dim3A_175 = vector.broadcast %broadcast_in_dim3A_174 : vector<8x1xf32> to vector<8x8192xf32>
      %select_n3A_176 = arith.select %broadcast_in_dim3A_173, %broadcast_in_dim3A_175, %while3A_72 : vector<8x8192xi1>, vector<8x8192xf32>
      %add3A_177 = arith.constant 1 : i32
      %add3A_178 = arith.addi %while3A_70, %add3A_177 : i32
      %eq3A_179 = vector.broadcast %add3A_178 : i32 to vector<1x8192xi32>
      %eq3A_180 = arith.cmpi eq, %get3A_5, %eq3A_179 : vector<1x8192xi32>
      %and3A_181 = arith.andi %eq3A_180, %lt3A_9 : vector<1x8192xi1>
      %add3A_182 = arith.constant 1 : i32
      %add3A_183 = arith.addi %while3A_70, %add3A_182 : i32
      %eq3A_184 = vector.broadcast %add3A_183 : i32 to vector<1x256xi32>
      %eq3A_185 = arith.cmpi eq, %iota3A_10, %eq3A_184 : vector<1x256xi32>
      %slice3A_186 = vector.extract_strided_slice %dot_general3A_79 {offsets = [8, 0], sizes = [8, 8192], strides = [1, 1]} : vector<128x8192xf32> to vector<8x8192xf32>
      %broadcast_in_dim3A_187 = vector.shape_cast %and3A_181 : vector<1x8192xi1> to vector<1x8192xi1>
      %broadcast_in_dim3A_188 = vector.broadcast %broadcast_in_dim3A_187 : vector<1x8192xi1> to vector<8x8192xi1>
      %select_n3A_189 = arith.select %broadcast_in_dim3A_188, %slice3A_186, %select_n3A_91 : vector<8x8192xi1>, vector<8x8192xf32>
      %jit3A_190 = arith.constant 0xFF800000 : f32
      %broadcast_in_dim3A_191 = vector.shape_cast %and3A_181 : vector<1x8192xi1> to vector<1x8192xi1>
      %broadcast_in_dim3A_192 = vector.broadcast %broadcast_in_dim3A_191 : vector<1x8192xi1> to vector<8x8192xi1>
      %broadcast_in_dim3A_193 = vector.broadcast %jit3A_190 : f32 to vector<8x8192xf32>
      %select_n3A_194 = arith.select %broadcast_in_dim3A_192, %slice3A_186, %broadcast_in_dim3A_193 : vector<8x8192xi1>, vector<8x8192xf32>
      %reduce_max3A_195 = arith.constant dense<0xFF800000> : vector<8xf32>
      %reduce_max3A_196 = vector.multi_reduction <maximumf>, %select_n3A_194, %reduce_max3A_195 [1] : vector<8x8192xf32> to vector<8xf32>
      %broadcast_in_dim3A_197 = vector.shape_cast %reduce_max3A_196 : vector<8xf32> to vector<8x1xf32>
      %get3A_198 = arith.constant 0 : index
      %get3A_199 = arith.constant 0 : index
      %get3A_200 = vector.load %arg9[%get3A_198, %get3A_199] : memref<8x256xf32, #tpu.memory_space<vmem>>, vector<8x256xf32>
      %jit3A_201 = arith.constant 0xFF800000 : f32
      %broadcast_in_dim3A_202 = vector.shape_cast %eq3A_185 : vector<1x256xi1> to vector<1x256xi1>
      %broadcast_in_dim3A_203 = vector.broadcast %broadcast_in_dim3A_202 : vector<1x256xi1> to vector<8x256xi1>
      %broadcast_in_dim3A_204 = vector.broadcast %jit3A_201 : f32 to vector<8x256xf32>
      %select_n3A_205 = arith.select %broadcast_in_dim3A_203, %get3A_200, %broadcast_in_dim3A_204 : vector<8x256xi1>, vector<8x256xf32>
      %reduce_max3A_206 = arith.constant dense<0xFF800000> : vector<8xf32>
      %reduce_max3A_207 = vector.multi_reduction <maximumf>, %select_n3A_205, %reduce_max3A_206 [1] : vector<8x256xf32> to vector<8xf32>
      %broadcast_in_dim3A_208 = vector.shape_cast %reduce_max3A_207 : vector<8xf32> to vector<8x1xf32>
      %max3A_209 = arith.maximumf %broadcast_in_dim3A_208, %broadcast_in_dim3A_197 : vector<8x1xf32>
      %eq3A_210 = arith.constant 0xFF800000 : f32
      %eq3A_211 = vector.broadcast %eq3A_210 : f32 to vector<8x1xf32>
      %eq3A_212 = arith.cmpf oeq, %max3A_209, %eq3A_211 : vector<8x1xf32>
      %jit3A_213 = arith.constant 0.000000e+00 : f32
      %broadcast_in_dim3A_214 = vector.broadcast %jit3A_213 : f32 to vector<8x1xf32>
      %select_n3A_215 = arith.select %eq3A_212, %broadcast_in_dim3A_214, %max3A_209 : vector<8x1xi1>, vector<8x1xf32>
      %eq3A_216 = arith.constant 0xFF800000 : f32
      %eq3A_217 = vector.broadcast %eq3A_216 : f32 to vector<8x1xf32>
      %eq3A_218 = arith.cmpf oeq, %broadcast_in_dim3A_208, %eq3A_217 : vector<8x1xf32>
      %sub3A_219 = arith.subf %broadcast_in_dim3A_208, %select_n3A_215 : vector<8x1xf32>
      %exp3A_220 = math.exp %sub3A_219 : vector<8x1xf32>
      %jit3A_221 = arith.constant 0.000000e+00 : f32
      %broadcast_in_dim3A_222 = vector.broadcast %jit3A_221 : f32 to vector<8x1xf32>
      %select_n3A_223 = arith.select %eq3A_218, %broadcast_in_dim3A_222, %exp3A_220 : vector<8x1xi1>, vector<8x1xf32>
      %get3A_224 = arith.constant 0 : index
      %get3A_225 = arith.constant 0 : index
      %get3A_226 = vector.load %arg9[%get3A_224, %get3A_225] : memref<8x256xf32, #tpu.memory_space<vmem>>, vector<8x256xf32>
      %broadcast_in_dim3A_227 = vector.shape_cast %eq3A_185 : vector<1x256xi1> to vector<1x256xi1>
      %broadcast_in_dim3A_228 = vector.broadcast %broadcast_in_dim3A_227 : vector<1x256xi1> to vector<8x256xi1>
      %broadcast_in_dim3A_229 = vector.shape_cast %max3A_209 : vector<8x1xf32> to vector<8x1xf32>
      %broadcast_in_dim3A_230 = vector.broadcast %broadcast_in_dim3A_229 : vector<8x1xf32> to vector<8x256xf32>
      %select_n3A_231 = arith.select %broadcast_in_dim3A_228, %broadcast_in_dim3A_230, %get3A_226 : vector<8x256xi1>, vector<8x256xf32>
      %swap3A_232 = arith.constant 0 : index
      %swap3A_233 = arith.constant 0 : index
      %swap3A_234 = vector.load %arg9[%swap3A_232, %swap3A_233] : memref<8x256xf32, #tpu.memory_space<vmem>>, vector<8x256xf32>
      tpu.vector_store %arg9[%swap3A_232, %swap3A_233], %select_n3A_231 {strides = array<i32>} : memref<8x256xf32, #tpu.memory_space<vmem>>, vector<8x256xf32>,
      %get3A_235 = arith.constant 0 : index
      %get3A_236 = arith.constant 0 : index
      %get3A_237 = vector.load %arg10[%get3A_235, %get3A_236] : memref<8x256xf32, #tpu.memory_space<vmem>>, vector<8x256xf32>
      %mul3A_238 = vector.broadcast %select_n3A_223 : vector<8x1xf32> to vector<8x256xf32>
      %mul3A_239 = arith.mulf %get3A_237, %mul3A_238 : vector<8x256xf32>
      %get3A_240 = arith.constant 0 : index
      %get3A_241 = arith.constant 0 : index
      %get3A_242 = vector.load %arg10[%get3A_240, %get3A_241] : memref<8x256xf32, #tpu.memory_space<vmem>>, vector<8x256xf32>
      %broadcast_in_dim3A_243 = vector.shape_cast %eq3A_185 : vector<1x256xi1> to vector<1x256xi1>
      %broadcast_in_dim3A_244 = vector.broadcast %broadcast_in_dim3A_243 : vector<1x256xi1> to vector<8x256xi1>
      %select_n3A_245 = arith.select %broadcast_in_dim3A_244, %mul3A_239, %get3A_242 : vector<8x256xi1>, vector<8x256xf32>
      %swap3A_246 = arith.constant 0 : index
      %swap3A_247 = arith.constant 0 : index
      %swap3A_248 = vector.load %arg10[%swap3A_246, %swap3A_247] : memref<8x256xf32, #tpu.memory_space<vmem>>, vector<8x256xf32>
      tpu.vector_store %arg10[%swap3A_246, %swap3A_247], %select_n3A_245 {strides = array<i32>} : memref<8x256xf32, #tpu.memory_space<vmem>>, vector<8x256xf32>,
      %jit3A_249 = arith.constant 1.000000e+00 : f32
      %jit3A_250 = arith.constant 0.000000e+00 : f32
      %broadcast_in_dim3A_251 = vector.broadcast %jit3A_249 : f32 to vector<1x8192xf32>
      %broadcast_in_dim3A_252 = vector.broadcast %jit3A_250 : f32 to vector<1x8192xf32>
      %select_n3A_253 = arith.select %and3A_181, %broadcast_in_dim3A_251, %broadcast_in_dim3A_252 : vector<1x8192xi1>, vector<1x8192xf32>
      %reduce_sum3A_254 = vector.shape_cast %select_n3A_253 : vector<1x8192xf32> to vector<1x1x8192xf32>
      %reduce_sum3A_255 = arith.constant dense<0.000000e+00> : vector<1xf32>
      %reduce_sum3A_256 = vector.multi_reduction <add>, %reduce_sum3A_254, %reduce_sum3A_255 [1, 2] : vector<1x1x8192xf32> to vector<1xf32>
      %reduce_sum3A_257 = vector.shape_cast %reduce_sum3A_256 : vector<1xf32> to vector<1x1x1xf32>
      %reduce_sum3A_258 = vector.extract %reduce_sum3A_257[0, 0, 0] : f32 from vector<1x1x1xf32>
      %get3A_259 = arith.constant 0 : index
      %get3A_260 = arith.constant 0 : index
      %get3A_261 = vector.load %arg11[%get3A_259, %get3A_260] : memref<8x256xf32, #tpu.memory_space<vmem>>, vector<8x256xf32>
      %add3A_262 = vector.broadcast %reduce_sum3A_258 : f32 to vector<8x256xf32>
      %add3A_263 = arith.addf %get3A_261, %add3A_262 : vector<8x256xf32>
      %get3A_264 = arith.constant 0 : index
      %get3A_265 = arith.constant 0 : index
      %get3A_266 = vector.load %arg11[%get3A_264, %get3A_265] : memref<8x256xf32, #tpu.memory_space<vmem>>, vector<8x256xf32>
      %broadcast_in_dim3A_267 = vector.shape_cast %eq3A_185 : vector<1x256xi1> to vector<1x256xi1>
      %broadcast_in_dim3A_268 = vector.broadcast %broadcast_in_dim3A_267 : vector<1x256xi1> to vector<8x256xi1>
      %select_n3A_269 = arith.select %broadcast_in_dim3A_268, %add3A_263, %get3A_266 : vector<8x256xi1>, vector<8x256xf32>
      %swap3A_270 = arith.constant 0 : index
      %swap3A_271 = arith.constant 0 : index
      %swap3A_272 = vector.load %arg11[%swap3A_270, %swap3A_271] : memref<8x256xf32, #tpu.memory_space<vmem>>, vector<8x256xf32>
      tpu.vector_store %arg11[%swap3A_270, %swap3A_271], %select_n3A_269 {strides = array<i32>} : memref<8x256xf32, #tpu.memory_space<vmem>>, vector<8x256xf32>,
      %broadcast_in_dim3A_273 = vector.shape_cast %and3A_181 : vector<1x8192xi1> to vector<1x8192xi1>
      %broadcast_in_dim3A_274 = vector.broadcast %broadcast_in_dim3A_273 : vector<1x8192xi1> to vector<8x8192xi1>
      %broadcast_in_dim3A_275 = vector.shape_cast %select_n3A_215 : vector<8x1xf32> to vector<8x1xf32>
      %broadcast_in_dim3A_276 = vector.broadcast %broadcast_in_dim3A_275 : vector<8x1xf32> to vector<8x8192xf32>
      %select_n3A_277 = arith.select %broadcast_in_dim3A_274, %broadcast_in_dim3A_276, %select_n3A_176 : vector<8x8192xi1>, vector<8x8192xf32>
      %add3A_278 = arith.constant 2 : i32
      %add3A_279 = arith.addi %while3A_70, %add3A_278 : i32
      %eq3A_280 = vector.broadcast %add3A_279 : i32 to vector<1x8192xi32>
      %eq3A_281 = arith.cmpi eq, %get3A_5, %eq3A_280 : vector<1x8192xi32>
      %and3A_282 = arith.andi %eq3A_281, %lt3A_9 : vector<1x8192xi1>
      %add3A_283 = arith.constant 2 : i32
      %add3A_284 = arith.addi %while3A_70, %add3A_283 : i32
      %eq3A_285 = vector.broadcast %add3A_284 : i32 to vector<1x256xi32>
      %eq3A_286 = arith.cmpi eq, %iota3A_10, %eq3A_285 : vector<1x256xi32>
      %slice3A_287 = vector.extract_strided_slice %dot_general3A_79 {offsets = [16, 0], sizes = [8, 8192], strides = [1, 1]} : vector<128x8192xf32> to vector<8x8192xf32>
      %broadcast_in_dim3A_288 = vector.shape_cast %and3A_282 : vector<1x8192xi1> to vector<1x8192xi1>
      %broadcast_in_dim3A_289 = vector.broadcast %broadcast_in_dim3A_288 : vector<1x8192xi1> to vector<8x8192xi1>
      %select_n3A_290 = arith.select %broadcast_in_dim3A_289, %slice3A_287, %select_n3A_189 : vector<8x8192xi1>, vector<8x8192xf32>
      %jit3A_291 = arith.constant 0xFF800000 : f32
      %broadcast_in_dim3A_292 = vector.shape_cast %and3A_282 : vector<1x8192xi1> to vector<1x8192xi1>
      %broadcast_in_dim3A_293 = vector.broadcast %broadcast_in_dim3A_292 : vector<1x8192xi1> to vector<8x8192xi1>
      %broadcast_in_dim3A_294 = vector.broadcast %jit3A_291 : f32 to vector<8x8192xf32>
      %select_n3A_295 = arith.select %broadcast_in_dim3A_293, %slice3A_287, %broadcast_in_dim3A_294 : vector<8x8192xi1>, vector<8x8192xf32>
      %reduce_max3A_296 = arith.constant dense<0xFF800000> : vector<8xf32>
      %reduce_max3A_297 = vector.multi_reduction <maximumf>, %select_n3A_295, %reduce_max3A_296 [1] : vector<8x8192xf32> to vector<8xf32>
      %broadcast_in_dim3A_298 = vector.shape_cast %reduce_max3A_297 : vector<8xf32> to vector<8x1xf32>
      %get3A_299 = arith.constant 0 : index
      %get3A_300 = arith.constant 0 : index
      %get3A_301 = vector.load %arg9[%get3A_299, %get3A_300] : memref<8x256xf32, #tpu.memory_space<vmem>>, vector<8x256xf32>
      %jit3A_302 = arith.constant 0xFF800000 : f32
      %broadcast_in_dim3A_303 = vector.shape_cast %eq3A_286 : vector<1x256xi1> to vector<1x256xi1>
      %broadcast_in_dim3A_304 = vector.broadcast %broadcast_in_dim3A_303 : vector<1x256xi1> to vector<8x256xi1>
      %broadcast_in_dim3A_305 = vector.broadcast %jit3A_302 : f32 to vector<8x256xf32>
      %select_n3A_306 = arith.select %broadcast_in_dim3A_304, %get3A_301, %broadcast_in_dim3A_305 : vector<8x256xi1>, vector<8x256xf32>
      %reduce_max3A_307 = arith.constant dense<0xFF800000> : vector<8xf32>
      %reduce_max3A_308 = vector.multi_reduction <maximumf>, %select_n3A_306, %reduce_max3A_307 [1] : vector<8x256xf32> to vector<8xf32>
      %broadcast_in_dim3A_309 = vector.shape_cast %reduce_max3A_308 : vector<8xf32> to vector<8x1xf32>
      %max3A_310 = arith.maximumf %broadcast_in_dim3A_309, %broadcast_in_dim3A_298 : vector<8x1xf32>
      %eq3A_311 = arith.constant 0xFF800000 : f32
      %eq3A_312 = vector.broadcast %eq3A_311 : f32 to vector<8x1xf32>
      %eq3A_313 = arith.cmpf oeq, %max3A_310, %eq3A_312 : vector<8x1xf32>
      %jit3A_314 = arith.constant 0.000000e+00 : f32
      %broadcast_in_dim3A_315 = vector.broadcast %jit3A_314 : f32 to vector<8x1xf32>
      %select_n3A_316 = arith.select %eq3A_313, %broadcast_in_dim3A_315, %max3A_310 : vector<8x1xi1>, vector<8x1xf32>
      %eq3A_317 = arith.constant 0xFF800000 : f32
      %eq3A_318 = vector.broadcast %eq3A_317 : f32 to vector<8x1xf32>
      %eq3A_319 = arith.cmpf oeq, %broadcast_in_dim3A_309, %eq3A_318 : vector<8x1xf32>
      %sub3A_320 = arith.subf %broadcast_in_dim3A_309, %select_n3A_316 : vector<8x1xf32>
      %exp3A_321 = math.exp %sub3A_320 : vector<8x1xf32>
      %jit3A_322 = arith.constant 0.000000e+00 : f32
      %broadcast_in_dim3A_323 = vector.broadcast %jit3A_322 : f32 to vector<8x1xf32>
      %select_n3A_324 = arith.select %eq3A_319, %broadcast_in_dim3A_323, %exp3A_321 : vector<8x1xi1>, vector<8x1xf32>
      %get3A_325 = arith.constant 0 : index
      %get3A_326 = arith.constant 0 : index
      %get3A_327 = vector.load %arg9[%get3A_325, %get3A_326] : memref<8x256xf32, #tpu.memory_space<vmem>>, vector<8x256xf32>
      %broadcast_in_dim3A_328 = vector.shape_cast %eq3A_286 : vector<1x256xi1> to vector<1x256xi1>
      %broadcast_in_dim3A_329 = vector.broadcast %broadcast_in_dim3A_328 : vector<1x256xi1> to vector<8x256xi1>
      %broadcast_in_dim3A_330 = vector.shape_cast %max3A_310 : vector<8x1xf32> to vector<8x1xf32>
      %broadcast_in_dim3A_331 = vector.broadcast %broadcast_in_dim3A_330 : vector<8x1xf32> to vector<8x256xf32>
      %select_n3A_332 = arith.select %broadcast_in_dim3A_329, %broadcast_in_dim3A_331, %get3A_327 : vector<8x256xi1>, vector<8x256xf32>
      %swap3A_333 = arith.constant 0 : index
      %swap3A_334 = arith.constant 0 : index
      %swap3A_335 = vector.load %arg9[%swap3A_333, %swap3A_334] : memref<8x256xf32, #tpu.memory_space<vmem>>, vector<8x256xf32>
      tpu.vector_store %arg9[%swap3A_333, %swap3A_334], %select_n3A_332 {strides = array<i32>} : memref<8x256xf32, #tpu.memory_space<vmem>>, vector<8x256xf32>,
      %get3A_336 = arith.constant 0 : index
      %get3A_337 = arith.constant 0 : index
      %get3A_338 = vector.load %arg10[%get3A_336, %get3A_337] : memref<8x256xf32, #tpu.memory_space<vmem>>, vector<8x256xf32>
      %mul3A_339 = vector.broadcast %select_n3A_324 : vector<8x1xf32> to vector<8x256xf32>
      %mul3A_340 = arith.mulf %get3A_338, %mul3A_339 : vector<8x256xf32>
      %get3A_341 = arith.constant 0 : index
      %get3A_342 = arith.constant 0 : index
      %get3A_343 = vector.load %arg10[%get3A_341, %get3A_342] : memref<8x256xf32, #tpu.memory_space<vmem>>, vector<8x256xf32>
      %broadcast_in_dim3A_344 = vector.shape_cast %eq3A_286 : vector<1x256xi1> to vector<1x256xi1>
      %broadcast_in_dim3A_345 = vector.broadcast %broadcast_in_dim3A_344 : vector<1x256xi1> to vector<8x256xi1>
      %select_n3A_346 = arith.select %broadcast_in_dim3A_345, %mul3A_340, %get3A_343 : vector<8x256xi1>, vector<8x256xf32>
      %swap3A_347 = arith.constant 0 : index
      %swap3A_348 = arith.constant 0 : index
      %swap3A_349 = vector.load %arg10[%swap3A_347, %swap3A_348] : memref<8x256xf32, #tpu.memory_space<vmem>>, vector<8x256xf32>
      tpu.vector_store %arg10[%swap3A_347, %swap3A_348], %select_n3A_346 {strides = array<i32>} : memref<8x256xf32, #tpu.memory_space<vmem>>, vector<8x256xf32>,
      %jit3A_350 = arith.constant 1.000000e+00 : f32
      %jit3A_351 = arith.constant 0.000000e+00 : f32
      %broadcast_in_dim3A_352 = vector.broadcast %jit3A_350 : f32 to vector<1x8192xf32>
      %broadcast_in_dim3A_353 = vector.broadcast %jit3A_351 : f32 to vector<1x8192xf32>
      %select_n3A_354 = arith.select %and3A_282, %broadcast_in_dim3A_352, %broadcast_in_dim3A_353 : vector<1x8192xi1>, vector<1x8192xf32>
      %reduce_sum3A_355 = vector.shape_cast %select_n3A_354 : vector<1x8192xf32> to vector<1x1x8192xf32>
      %reduce_sum3A_356 = arith.constant dense<0.000000e+00> : vector<1xf32>
      %reduce_sum3A_357 = vector.multi_reduction <add>, %reduce_sum3A_355, %reduce_sum3A_356 [1, 2] : vector<1x1x8192xf32> to vector<1xf32>
      %reduce_sum3A_358 = vector.shape_cast %reduce_sum3A_357 : vector<1xf32> to vector<1x1x1xf32>
      %reduce_sum3A_359 = vector.extract %reduce_sum3A_358[0, 0, 0] : f32 from vector<1x1x1xf32>
      %get3A_360 = arith.constant 0 : index
      %get3A_361 = arith.constant 0 : index
      %get3A_362 = vector.load %arg11[%get3A_360, %get3A_361] : memref<8x256xf32, #tpu.memory_space<vmem>>, vector<8x256xf32>
      %add3A_363 = vector.broadcast %reduce_sum3A_359 : f32 to vector<8x256xf32>
      %add3A_364 = arith.addf %get3A_362, %add3A_363 : vector<8x256xf32>
      %get3A_365 = arith.constant 0 : index
      %get3A_366 = arith.constant 0 : index
      %get3A_367 = vector.load %arg11[%get3A_365, %get3A_366] : memref<8x256xf32, #tpu.memory_space<vmem>>, vector<8x256xf32>
      %broadcast_in_dim3A_368 = vector.shape_cast %eq3A_286 : vector<1x256xi1> to vector<1x256xi1>
      %broadcast_in_dim3A_369 = vector.broadcast %broadcast_in_dim3A_368 : vector<1x256xi1> to vector<8x256xi1>
      %select_n3A_370 = arith.select %broadcast_in_dim3A_369, %add3A_364, %get3A_367 : vector<8x256xi1>, vector<8x256xf32>
      %swap3A_371 = arith.constant 0 : index
      %swap3A_372 = arith.constant 0 : index
      %swap3A_373 = vector.load %arg11[%swap3A_371, %swap3A_372] : memref<8x256xf32, #tpu.memory_space<vmem>>, vector<8x256xf32>
      tpu.vector_store %arg11[%swap3A_371, %swap3A_372], %select_n3A_370 {strides = array<i32>} : memref<8x256xf32, #tpu.memory_space<vmem>>, vector<8x256xf32>,
      %broadcast_in_dim3A_374 = vector.shape_cast %and3A_282 : vector<1x8192xi1> to vector<1x8192xi1>
      %broadcast_in_dim3A_375 = vector.broadcast %broadcast_in_dim3A_374 : vector<1x8192xi1> to vector<8x8192xi1>
      %broadcast_in_dim3A_376 = vector.shape_cast %select_n3A_316 : vector<8x1xf32> to vector<8x1xf32>
      %broadcast_in_dim3A_377 = vector.broadcast %broadcast_in_dim3A_376 : vector<8x1xf32> to vector<8x8192xf32>
      %select_n3A_378 = arith.select %broadcast_in_dim3A_375, %broadcast_in_dim3A_377, %select_n3A_277 : vector<8x8192xi1>, vector<8x8192xf32>
      %add3A_379 = arith.constant 3 : i32
      %add3A_380 = arith.addi %while3A_70, %add3A_379 : i32
      %eq3A_381 = vector.broadcast %add3A_380 : i32 to vector<1x8192xi32>
      %eq3A_382 = arith.cmpi eq, %get3A_5, %eq3A_381 : vector<1x8192xi32>
      %and3A_383 = arith.andi %eq3A_382, %lt3A_9 : vector<1x8192xi1>
      %add3A_384 = arith.constant 3 : i32
      %add3A_385 = arith.addi %while3A_70, %add3A_384 : i32
      %eq3A_386 = vector.broadcast %add3A_385 : i32 to vector<1x256xi32>
      %eq3A_387 = arith.cmpi eq, %iota3A_10, %eq3A_386 : vector<1x256xi32>
      %slice3A_388 = vector.extract_strided_slice %dot_general3A_79 {offsets = [24, 0], sizes = [8, 8192], strides = [1, 1]} : vector<128x8192xf32> to vector<8x8192xf32>
      %broadcast_in_dim3A_389 = vector.shape_cast %and3A_383 : vector<1x8192xi1> to vector<1x8192xi1>
      %broadcast_in_dim3A_390 = vector.broadcast %broadcast_in_dim3A_389 : vector<1x8192xi1> to vector<8x8192xi1>
      %select_n3A_391 = arith.select %broadcast_in_dim3A_390, %slice3A_388, %select_n3A_290 : vector<8x8192xi1>, vector<8x8192xf32>
      %jit3A_392 = arith.constant 0xFF800000 : f32
      %broadcast_in_dim3A_393 = vector.shape_cast %and3A_383 : vector<1x8192xi1> to vector<1x8192xi1>
      %broadcast_in_dim3A_394 = vector.broadcast %broadcast_in_dim3A_393 : vector<1x8192xi1> to vector<8x8192xi1>
      %broadcast_in_dim3A_395 = vector.broadcast %jit3A_392 : f32 to vector<8x8192xf32>
      %select_n3A_396 = arith.select %broadcast_in_dim3A_394, %slice3A_388, %broadcast_in_dim3A_395 : vector<8x8192xi1>, vector<8x8192xf32>
      %reduce_max3A_397 = arith.constant dense<0xFF800000> : vector<8xf32>
      %reduce_max3A_398 = vector.multi_reduction <maximumf>, %select_n3A_396, %reduce_max3A_397 [1] : vector<8x8192xf32> to vector<8xf32>
      %broadcast_in_dim3A_399 = vector.shape_cast %reduce_max3A_398 : vector<8xf32> to vector<8x1xf32>
      %get3A_400 = arith.constant 0 : index
      %get3A_401 = arith.constant 0 : index
      %get3A_402 = vector.load %arg9[%get3A_400, %get3A_401] : memref<8x256xf32, #tpu.memory_space<vmem>>, vector<8x256xf32>
      %jit3A_403 = arith.constant 0xFF800000 : f32
      %broadcast_in_dim3A_404 = vector.shape_cast %eq3A_387 : vector<1x256xi1> to vector<1x256xi1>
      %broadcast_in_dim3A_405 = vector.broadcast %broadcast_in_dim3A_404 : vector<1x256xi1> to vector<8x256xi1>
      %broadcast_in_dim3A_406 = vector.broadcast %jit3A_403 : f32 to vector<8x256xf32>
      %select_n3A_407 = arith.select %broadcast_in_dim3A_405, %get3A_402, %broadcast_in_dim3A_406 : vector<8x256xi1>, vector<8x256xf32>
      %reduce_max3A_408 = arith.constant dense<0xFF800000> : vector<8xf32>
      %reduce_max3A_409 = vector.multi_reduction <maximumf>, %select_n3A_407, %reduce_max3A_408 [1] : vector<8x256xf32> to vector<8xf32>
      %broadcast_in_dim3A_410 = vector.shape_cast %reduce_max3A_409 : vector<8xf32> to vector<8x1xf32>
      %max3A_411 = arith.maximumf %broadcast_in_dim3A_410, %broadcast_in_dim3A_399 : vector<8x1xf32>
      %eq3A_412 = arith.constant 0xFF800000 : f32
      %eq3A_413 = vector.broadcast %eq3A_412 : f32 to vector<8x1xf32>
      %eq3A_414 = arith.cmpf oeq, %max3A_411, %eq3A_413 : vector<8x1xf32>
      %jit3A_415 = arith.constant 0.000000e+00 : f32
      %broadcast_in_dim3A_416 = vector.broadcast %jit3A_415 : f32 to vector<8x1xf32>
      %select_n3A_417 = arith.select %eq3A_414, %broadcast_in_dim3A_416, %max3A_411 : vector<8x1xi1>, vector<8x1xf32>
      %eq3A_418 = arith.constant 0xFF800000 : f32
      %eq3A_419 = vector.broadcast %eq3A_418 : f32 to vector<8x1xf32>
      %eq3A_420 = arith.cmpf oeq, %broadcast_in_dim3A_410, %eq3A_419 : vector<8x1xf32>
      %sub3A_421 = arith.subf %broadcast_in_dim3A_410, %select_n3A_417 : vector<8x1xf32>
      %exp3A_422 = math.exp %sub3A_421 : vector<8x1xf32>
      %jit3A_423 = arith.constant 0.000000e+00 : f32
      %broadcast_in_dim3A_424 = vector.broadcast %jit3A_423 : f32 to vector<8x1xf32>
      %select_n3A_425 = arith.select %eq3A_420, %broadcast_in_dim3A_424, %exp3A_422 : vector<8x1xi1>, vector<8x1xf32>
      %get3A_426 = arith.constant 0 : index
      %get3A_427 = arith.constant 0 : index
      %get3A_428 = vector.load %arg9[%get3A_426, %get3A_427] : memref<8x256xf32, #tpu.memory_space<vmem>>, vector<8x256xf32>
      %broadcast_in_dim3A_429 = vector.shape_cast %eq3A_387 : vector<1x256xi1> to vector<1x256xi1>
      %broadcast_in_dim3A_430 = vector.broadcast %broadcast_in_dim3A_429 : vector<1x256xi1> to vector<8x256xi1>
      %broadcast_in_dim3A_431 = vector.shape_cast %max3A_411 : vector<8x1xf32> to vector<8x1xf32>
      %broadcast_in_dim3A_432 = vector.broadcast %broadcast_in_dim3A_431 : vector<8x1xf32> to vector<8x256xf32>
      %select_n3A_433 = arith.select %broadcast_in_dim3A_430, %broadcast_in_dim3A_432, %get3A_428 : vector<8x256xi1>, vector<8x256xf32>
      %swap3A_434 = arith.constant 0 : index
      %swap3A_435 = arith.constant 0 : index
      %swap3A_436 = vector.load %arg9[%swap3A_434, %swap3A_435] : memref<8x256xf32, #tpu.memory_space<vmem>>, vector<8x256xf32>
      tpu.vector_store %arg9[%swap3A_434, %swap3A_435], %select_n3A_433 {strides = array<i32>} : memref<8x256xf32, #tpu.memory_space<vmem>>, vector<8x256xf32>,
      %get3A_437 = arith.constant 0 : index
      %get3A_438 = arith.constant 0 : index
      %get3A_439 = vector.load %arg10[%get3A_437, %get3A_438] : memref<8x256xf32, #tpu.memory_space<vmem>>, vector<8x256xf32>
      %mul3A_440 = vector.broadcast %select_n3A_425 : vector<8x1xf32> to vector<8x256xf32>
      %mul3A_441 = arith.mulf %get3A_439, %mul3A_440 : vector<8x256xf32>
      %get3A_442 = arith.constant 0 : index
      %get3A_443 = arith.constant 0 : index
      %get3A_444 = vector.load %arg10[%get3A_442, %get3A_443] : memref<8x256xf32, #tpu.memory_space<vmem>>, vector<8x256xf32>
      %broadcast_in_dim3A_445 = vector.shape_cast %eq3A_387 : vector<1x256xi1> to vector<1x256xi1>
      %broadcast_in_dim3A_446 = vector.broadcast %broadcast_in_dim3A_445 : vector<1x256xi1> to vector<8x256xi1>
      %select_n3A_447 = arith.select %broadcast_in_dim3A_446, %mul3A_441, %get3A_444 : vector<8x256xi1>, vector<8x256xf32>
      %swap3A_448 = arith.constant 0 : index
      %swap3A_449 = arith.constant 0 : index
      %swap3A_450 = vector.load %arg10[%swap3A_448, %swap3A_449] : memref<8x256xf32, #tpu.memory_space<vmem>>, vector<8x256xf32>
      tpu.vector_store %arg10[%swap3A_448, %swap3A_449], %select_n3A_447 {strides = array<i32>} : memref<8x256xf32, #tpu.memory_space<vmem>>, vector<8x256xf32>,
      %jit3A_451 = arith.constant 1.000000e+00 : f32
      %jit3A_452 = arith.constant 0.000000e+00 : f32
      %broadcast_in_dim3A_453 = vector.broadcast %jit3A_451 : f32 to vector<1x8192xf32>
      %broadcast_in_dim3A_454 = vector.broadcast %jit3A_452 : f32 to vector<1x8192xf32>
      %select_n3A_455 = arith.select %and3A_383, %broadcast_in_dim3A_453, %broadcast_in_dim3A_454 : vector<1x8192xi1>, vector<1x8192xf32>
      %reduce_sum3A_456 = vector.shape_cast %select_n3A_455 : vector<1x8192xf32> to vector<1x1x8192xf32>
      %reduce_sum3A_457 = arith.constant dense<0.000000e+00> : vector<1xf32>
      %reduce_sum3A_458 = vector.multi_reduction <add>, %reduce_sum3A_456, %reduce_sum3A_457 [1, 2] : vector<1x1x8192xf32> to vector<1xf32>
      %reduce_sum3A_459 = vector.shape_cast %reduce_sum3A_458 : vector<1xf32> to vector<1x1x1xf32>
      %reduce_sum3A_460 = vector.extract %reduce_sum3A_459[0, 0, 0] : f32 from vector<1x1x1xf32>
      %get3A_461 = arith.constant 0 : index
      %get3A_462 = arith.constant 0 : index
      %get3A_463 = vector.load %arg11[%get3A_461, %get3A_462] : memref<8x256xf32, #tpu.memory_space<vmem>>, vector<8x256xf32>
      %add3A_464 = vector.broadcast %reduce_sum3A_460 : f32 to vector<8x256xf32>
      %add3A_465 = arith.addf %get3A_463, %add3A_464 : vector<8x256xf32>
      %get3A_466 = arith.constant 0 : index
      %get3A_467 = arith.constant 0 : index
      %get3A_468 = vector.load %arg11[%get3A_466, %get3A_467] : memref<8x256xf32, #tpu.memory_space<vmem>>, vector<8x256xf32>
      %broadcast_in_dim3A_469 = vector.shape_cast %eq3A_387 : vector<1x256xi1> to vector<1x256xi1>
      %broadcast_in_dim3A_470 = vector.broadcast %broadcast_in_dim3A_469 : vector<1x256xi1> to vector<8x256xi1>
      %select_n3A_471 = arith.select %broadcast_in_dim3A_470, %add3A_465, %get3A_468 : vector<8x256xi1>, vector<8x256xf32>
      %swap3A_472 = arith.constant 0 : index
      %swap3A_473 = arith.constant 0 : index
      %swap3A_474 = vector.load %arg11[%swap3A_472, %swap3A_473] : memref<8x256xf32, #tpu.memory_space<vmem>>, vector<8x256xf32>
      tpu.vector_store %arg11[%swap3A_472, %swap3A_473], %select_n3A_471 {strides = array<i32>} : memref<8x256xf32, #tpu.memory_space<vmem>>, vector<8x256xf32>,
      %broadcast_in_dim3A_475 = vector.shape_cast %and3A_383 : vector<1x8192xi1> to vector<1x8192xi1>
      %broadcast_in_dim3A_476 = vector.broadcast %broadcast_in_dim3A_475 : vector<1x8192xi1> to vector<8x8192xi1>
      %broadcast_in_dim3A_477 = vector.shape_cast %select_n3A_417 : vector<8x1xf32> to vector<8x1xf32>
      %broadcast_in_dim3A_478 = vector.broadcast %broadcast_in_dim3A_477 : vector<8x1xf32> to vector<8x8192xf32>
      %select_n3A_479 = arith.select %broadcast_in_dim3A_476, %broadcast_in_dim3A_478, %select_n3A_378 : vector<8x8192xi1>, vector<8x8192xf32>
      %add3A_480 = arith.constant 4 : i32
      %add3A_481 = arith.addi %while3A_70, %add3A_480 : i32
      %eq3A_482 = vector.broadcast %add3A_481 : i32 to vector<1x8192xi32>
      %eq3A_483 = arith.cmpi eq, %get3A_5, %eq3A_482 : vector<1x8192xi32>
      %and3A_484 = arith.andi %eq3A_483, %lt3A_9 : vector<1x8192xi1>
      %add3A_485 = arith.constant 4 : i32
      %add3A_486 = arith.addi %while3A_70, %add3A_485 : i32
      %eq3A_487 = vector.broadcast %add3A_486 : i32 to vector<1x256xi32>
      %eq3A_488 = arith.cmpi eq, %iota3A_10, %eq3A_487 : vector<1x256xi32>
      %slice3A_489 = vector.extract_strided_slice %dot_general3A_79 {offsets = [32, 0], sizes = [8, 8192], strides = [1, 1]} : vector<128x8192xf32> to vector<8x8192xf32>
      %broadcast_in_dim3A_490 = vector.shape_cast %and3A_484 : vector<1x8192xi1> to vector<1x8192xi1>
      %broadcast_in_dim3A_491 = vector.broadcast %broadcast_in_dim3A_490 : vector<1x8192xi1> to vector<8x8192xi1>
      %select_n3A_492 = arith.select %broadcast_in_dim3A_491, %slice3A_489, %select_n3A_391 : vector<8x8192xi1>, vector<8x8192xf32>
      %jit3A_493 = arith.constant 0xFF800000 : f32
      %broadcast_in_dim3A_494 = vector.shape_cast %and3A_484 : vector<1x8192xi1> to vector<1x8192xi1>
      %broadcast_in_dim3A_495 = vector.broadcast %broadcast_in_dim3A_494 : vector<1x8192xi1> to vector<8x8192xi1>
      %broadcast_in_dim3A_496 = vector.broadcast %jit3A_493 : f32 to vector<8x8192xf32>
      %select_n3A_497 = arith.select %broadcast_in_dim3A_495, %slice3A_489, %broadcast_in_dim3A_496 : vector<8x8192xi1>, vector<8x8192xf32>
      %reduce_max3A_498 = arith.constant dense<0xFF800000> : vector<8xf32>
      %reduce_max3A_499 = vector.multi_reduction <maximumf>, %select_n3A_497, %reduce_max3A_498 [1] : vector<8x8192xf32> to vector<8xf32>
      %broadcast_in_dim3A_500 = vector.shape_cast %reduce_max3A_499 : vector<8xf32> to vector<8x1xf32>
      %get3A_501 = arith.constant 0 : index
      %get3A_502 = arith.constant 0 : index
      %get3A_503 = vector.load %arg9[%get3A_501, %get3A_502] : memref<8x256xf32, #tpu.memory_space<vmem>>, vector<8x256xf32>
      %jit3A_504 = arith.constant 0xFF800000 : f32
      %broadcast_in_dim3A_505 = vector.shape_cast %eq3A_488 : vector<1x256xi1> to vector<1x256xi1>
      %broadcast_in_dim3A_506 = vector.broadcast %broadcast_in_dim3A_505 : vector<1x256xi1> to vector<8x256xi1>
      %broadcast_in_dim3A_507 = vector.broadcast %jit3A_504 : f32 to vector<8x256xf32>
      %select_n3A_508 = arith.select %broadcast_in_dim3A_506, %get3A_503, %broadcast_in_dim3A_507 : vector<8x256xi1>, vector<8x256xf32>
      %reduce_max3A_509 = arith.constant dense<0xFF800000> : vector<8xf32>
      %reduce_max3A_510 = vector.multi_reduction <maximumf>, %select_n3A_508, %reduce_max3A_509 [1] : vector<8x256xf32> to vector<8xf32>
      %broadcast_in_dim3A_511 = vector.shape_cast %reduce_max3A_510 : vector<8xf32> to vector<8x1xf32>
      %max3A_512 = arith.maximumf %broadcast_in_dim3A_511, %broadcast_in_dim3A_500 : vector<8x1xf32>
      %eq3A_513 = arith.constant 0xFF800000 : f32
      %eq3A_514 = vector.broadcast %eq3A_513 : f32 to vector<8x1xf32>
      %eq3A_515 = arith.cmpf oeq, %max3A_512, %eq3A_514 : vector<8x1xf32>
      %jit3A_516 = arith.constant 0.000000e+00 : f32
      %broadcast_in_dim3A_517 = vector.broadcast %jit3A_516 : f32 to vector<8x1xf32>
      %select_n3A_518 = arith.select %eq3A_515, %broadcast_in_dim3A_517, %max3A_512 : vector<8x1xi1>, vector<8x1xf32>
      %eq3A_519 = arith.constant 0xFF800000 : f32
      %eq3A_520 = vector.broadcast %eq3A_519 : f32 to vector<8x1xf32>
      %eq3A_521 = arith.cmpf oeq, %broadcast_in_dim3A_511, %eq3A_520 : vector<8x1xf32>
      %sub3A_522 = arith.subf %broadcast_in_dim3A_511, %select_n3A_518 : vector<8x1xf32>
      %exp3A_523 = math.exp %sub3A_522 : vector<8x1xf32>
      %jit3A_524 = arith.constant 0.000000e+00 : f32
      %broadcast_in_dim3A_525 = vector.broadcast %jit3A_524 : f32 to vector<8x1xf32>
      %select_n3A_526 = arith.select %eq3A_521, %broadcast_in_dim3A_525, %exp3A_523 : vector<8x1xi1>, vector<8x1xf32>
      %get3A_527 = arith.constant 0 : index
      %get3A_528 = arith.constant 0 : index
      %get3A_529 = vector.load %arg9[%get3A_527, %get3A_528] : memref<8x256xf32, #tpu.memory_space<vmem>>, vector<8x256xf32>
      %broadcast_in_dim3A_530 = vector.shape_cast %eq3A_488 : vector<1x256xi1> to vector<1x256xi1>
      %broadcast_in_dim3A_531 = vector.broadcast %broadcast_in_dim3A_530 : vector<1x256xi1> to vector<8x256xi1>
      %broadcast_in_dim3A_532 = vector.shape_cast %max3A_512 : vector<8x1xf32> to vector<8x1xf32>
      %broadcast_in_dim3A_533 = vector.broadcast %broadcast_in_dim3A_532 : vector<8x1xf32> to vector<8x256xf32>
      %select_n3A_534 = arith.select %broadcast_in_dim3A_531, %broadcast_in_dim3A_533, %get3A_529 : vector<8x256xi1>, vector<8x256xf32>
      %swap3A_535 = arith.constant 0 : index
      %swap3A_536 = arith.constant 0 : index
      %swap3A_537 = vector.load %arg9[%swap3A_535, %swap3A_536] : memref<8x256xf32, #tpu.memory_space<vmem>>, vector<8x256xf32>
      tpu.vector_store %arg9[%swap3A_535, %swap3A_536], %select_n3A_534 {strides = array<i32>} : memref<8x256xf32, #tpu.memory_space<vmem>>, vector<8x256xf32>,
      %get3A_538 = arith.constant 0 : index
      %get3A_539 = arith.constant 0 : index
      %get3A_540 = vector.load %arg10[%get3A_538, %get3A_539] : memref<8x256xf32, #tpu.memory_space<vmem>>, vector<8x256xf32>
      %mul3A_541 = vector.broadcast %select_n3A_526 : vector<8x1xf32> to vector<8x256xf32>
      %mul3A_542 = arith.mulf %get3A_540, %mul3A_541 : vector<8x256xf32>
      %get3A_543 = arith.constant 0 : index
      %get3A_544 = arith.constant 0 : index
      %get3A_545 = vector.load %arg10[%get3A_543, %get3A_544] : memref<8x256xf32, #tpu.memory_space<vmem>>, vector<8x256xf32>
      %broadcast_in_dim3A_546 = vector.shape_cast %eq3A_488 : vector<1x256xi1> to vector<1x256xi1>
      %broadcast_in_dim3A_547 = vector.broadcast %broadcast_in_dim3A_546 : vector<1x256xi1> to vector<8x256xi1>
      %select_n3A_548 = arith.select %broadcast_in_dim3A_547, %mul3A_542, %get3A_545 : vector<8x256xi1>, vector<8x256xf32>
      %swap3A_549 = arith.constant 0 : index
      %swap3A_550 = arith.constant 0 : index
      %swap3A_551 = vector.load %arg10[%swap3A_549, %swap3A_550] : memref<8x256xf32, #tpu.memory_space<vmem>>, vector<8x256xf32>
      tpu.vector_store %arg10[%swap3A_549, %swap3A_550], %select_n3A_548 {strides = array<i32>} : memref<8x256xf32, #tpu.memory_space<vmem>>, vector<8x256xf32>,
      %jit3A_552 = arith.constant 1.000000e+00 : f32
      %jit3A_553 = arith.constant 0.000000e+00 : f32
      %broadcast_in_dim3A_554 = vector.broadcast %jit3A_552 : f32 to vector<1x8192xf32>
      %broadcast_in_dim3A_555 = vector.broadcast %jit3A_553 : f32 to vector<1x8192xf32>
      %select_n3A_556 = arith.select %and3A_484, %broadcast_in_dim3A_554, %broadcast_in_dim3A_555 : vector<1x8192xi1>, vector<1x8192xf32>
      %reduce_sum3A_557 = vector.shape_cast %select_n3A_556 : vector<1x8192xf32> to vector<1x1x8192xf32>
      %reduce_sum3A_558 = arith.constant dense<0.000000e+00> : vector<1xf32>
      %reduce_sum3A_559 = vector.multi_reduction <add>, %reduce_sum3A_557, %reduce_sum3A_558 [1, 2] : vector<1x1x8192xf32> to vector<1xf32>
      %reduce_sum3A_560 = vector.shape_cast %reduce_sum3A_559 : vector<1xf32> to vector<1x1x1xf32>
      %reduce_sum3A_561 = vector.extract %reduce_sum3A_560[0, 0, 0] : f32 from vector<1x1x1xf32>
      %get3A_562 = arith.constant 0 : index
      %get3A_563 = arith.constant 0 : index
      %get3A_564 = vector.load %arg11[%get3A_562, %get3A_563] : memref<8x256xf32, #tpu.memory_space<vmem>>, vector<8x256xf32>
      %add3A_565 = vector.broadcast %reduce_sum3A_561 : f32 to vector<8x256xf32>
      %add3A_566 = arith.addf %get3A_564, %add3A_565 : vector<8x256xf32>
      %get3A_567 = arith.constant 0 : index
      %get3A_568 = arith.constant 0 : index
      %get3A_569 = vector.load %arg11[%get3A_567, %get3A_568] : memref<8x256xf32, #tpu.memory_space<vmem>>, vector<8x256xf32>
      %broadcast_in_dim3A_570 = vector.shape_cast %eq3A_488 : vector<1x256xi1> to vector<1x256xi1>
      %broadcast_in_dim3A_571 = vector.broadcast %broadcast_in_dim3A_570 : vector<1x256xi1> to vector<8x256xi1>
      %select_n3A_572 = arith.select %broadcast_in_dim3A_571, %add3A_566, %get3A_569 : vector<8x256xi1>, vector<8x256xf32>
      %swap3A_573 = arith.constant 0 : index
      %swap3A_574 = arith.constant 0 : index
      %swap3A_575 = vector.load %arg11[%swap3A_573, %swap3A_574] : memref<8x256xf32, #tpu.memory_space<vmem>>, vector<8x256xf32>
      tpu.vector_store %arg11[%swap3A_573, %swap3A_574], %select_n3A_572 {strides = array<i32>} : memref<8x256xf32, #tpu.memory_space<vmem>>, vector<8x256xf32>,
      %broadcast_in_dim3A_576 = vector.shape_cast %and3A_484 : vector<1x8192xi1> to vector<1x8192xi1>
      %broadcast_in_dim3A_577 = vector.broadcast %broadcast_in_dim3A_576 : vector<1x8192xi1> to vector<8x8192xi1>
      %broadcast_in_dim3A_578 = vector.shape_cast %select_n3A_518 : vector<8x1xf32> to vector<8x1xf32>
      %broadcast_in_dim3A_579 = vector.broadcast %broadcast_in_dim3A_578 : vector<8x1xf32> to vector<8x8192xf32>
      %select_n3A_580 = arith.select %broadcast_in_dim3A_577, %broadcast_in_dim3A_579, %select_n3A_479 : vector<8x8192xi1>, vector<8x8192xf32>
      %add3A_581 = arith.constant 5 : i32
      %add3A_582 = arith.addi %while3A_70, %add3A_581 : i32
      %eq3A_583 = vector.broadcast %add3A_582 : i32 to vector<1x8192xi32>
      %eq3A_584 = arith.cmpi eq, %get3A_5, %eq3A_583 : vector<1x8192xi32>
      %and3A_585 = arith.andi %eq3A_584, %lt3A_9 : vector<1x8192xi1>
      %add3A_586 = arith.constant 5 : i32
      %add3A_587 = arith.addi %while3A_70, %add3A_586 : i32
      %eq3A_588 = vector.broadcast %add3A_587 : i32 to vector<1x256xi32>
      %eq3A_589 = arith.cmpi eq, %iota3A_10, %eq3A_588 : vector<1x256xi32>
      %slice3A_590 = vector.extract_strided_slice %dot_general3A_79 {offsets = [40, 0], sizes = [8, 8192], strides = [1, 1]} : vector<128x8192xf32> to vector<8x8192xf32>
      %broadcast_in_dim3A_591 = vector.shape_cast %and3A_585 : vector<1x8192xi1> to vector<1x8192xi1>
      %broadcast_in_dim3A_592 = vector.broadcast %broadcast_in_dim3A_591 : vector<1x8192xi1> to vector<8x8192xi1>
      %select_n3A_593 = arith.select %broadcast_in_dim3A_592, %slice3A_590, %select_n3A_492 : vector<8x8192xi1>, vector<8x8192xf32>
      %jit3A_594 = arith.constant 0xFF800000 : f32
      %broadcast_in_dim3A_595 = vector.shape_cast %and3A_585 : vector<1x8192xi1> to vector<1x8192xi1>
      %broadcast_in_dim3A_596 = vector.broadcast %broadcast_in_dim3A_595 : vector<1x8192xi1> to vector<8x8192xi1>
      %broadcast_in_dim3A_597 = vector.broadcast %jit3A_594 : f32 to vector<8x8192xf32>
      %select_n3A_598 = arith.select %broadcast_in_dim3A_596, %slice3A_590, %broadcast_in_dim3A_597 : vector<8x8192xi1>, vector<8x8192xf32>
      %reduce_max3A_599 = arith.constant dense<0xFF800000> : vector<8xf32>
      %reduce_max3A_600 = vector.multi_reduction <maximumf>, %select_n3A_598, %reduce_max3A_599 [1] : vector<8x8192xf32> to vector<8xf32>
      %broadcast_in_dim3A_601 = vector.shape_cast %reduce_max3A_600 : vector<8xf32> to vector<8x1xf32>
      %get3A_602 = arith.constant 0 : index
      %get3A_603 = arith.constant 0 : index
      %get3A_604 = vector.load %arg9[%get3A_602, %get3A_603] : memref<8x256xf32, #tpu.memory_space<vmem>>, vector<8x256xf32>
      %jit3A_605 = arith.constant 0xFF800000 : f32
      %broadcast_in_dim3A_606 = vector.shape_cast %eq3A_589 : vector<1x256xi1> to vector<1x256xi1>
      %broadcast_in_dim3A_607 = vector.broadcast %broadcast_in_dim3A_606 : vector<1x256xi1> to vector<8x256xi1>
      %broadcast_in_dim3A_608 = vector.broadcast %jit3A_605 : f32 to vector<8x256xf32>
      %select_n3A_609 = arith.select %broadcast_in_dim3A_607, %get3A_604, %broadcast_in_dim3A_608 : vector<8x256xi1>, vector<8x256xf32>
      %reduce_max3A_610 = arith.constant dense<0xFF800000> : vector<8xf32>
      %reduce_max3A_611 = vector.multi_reduction <maximumf>, %select_n3A_609, %reduce_max3A_610 [1] : vector<8x256xf32> to vector<8xf32>
      %broadcast_in_dim3A_612 = vector.shape_cast %reduce_max3A_611 : vector<8xf32> to vector<8x1xf32>
      %max3A_613 = arith.maximumf %broadcast_in_dim3A_612, %broadcast_in_dim3A_601 : vector<8x1xf32>
      %eq3A_614 = arith.constant 0xFF800000 : f32
      %eq3A_615 = vector.broadcast %eq3A_614 : f32 to vector<8x1xf32>
      %eq3A_616 = arith.cmpf oeq, %max3A_613, %eq3A_615 : vector<8x1xf32>
      %jit3A_617 = arith.constant 0.000000e+00 : f32
      %broadcast_in_dim3A_618 = vector.broadcast %jit3A_617 : f32 to vector<8x1xf32>
      %select_n3A_619 = arith.select %eq3A_616, %broadcast_in_dim3A_618, %max3A_613 : vector<8x1xi1>, vector<8x1xf32>
      %eq3A_620 = arith.constant 0xFF800000 : f32
      %eq3A_621 = vector.broadcast %eq3A_620 : f32 to vector<8x1xf32>
      %eq3A_622 = arith.cmpf oeq, %broadcast_in_dim3A_612, %eq3A_621 : vector<8x1xf32>
      %sub3A_623 = arith.subf %broadcast_in_dim3A_612, %select_n3A_619 : vector<8x1xf32>
      %exp3A_624 = math.exp %sub3A_623 : vector<8x1xf32>
      %jit3A_625 = arith.constant 0.000000e+00 : f32
      %broadcast_in_dim3A_626 = vector.broadcast %jit3A_625 : f32 to vector<8x1xf32>
      %select_n3A_627 = arith.select %eq3A_622, %broadcast_in_dim3A_626, %exp3A_624 : vector<8x1xi1>, vector<8x1xf32>
      %get3A_628 = arith.constant 0 : index
      %get3A_629 = arith.constant 0 : index
      %get3A_630 = vector.load %arg9[%get3A_628, %get3A_629] : memref<8x256xf32, #tpu.memory_space<vmem>>, vector<8x256xf32>
      %broadcast_in_dim3A_631 = vector.shape_cast %eq3A_589 : vector<1x256xi1> to vector<1x256xi1>
      %broadcast_in_dim3A_632 = vector.broadcast %broadcast_in_dim3A_631 : vector<1x256xi1> to vector<8x256xi1>
      %broadcast_in_dim3A_633 = vector.shape_cast %max3A_613 : vector<8x1xf32> to vector<8x1xf32>
      %broadcast_in_dim3A_634 = vector.broadcast %broadcast_in_dim3A_633 : vector<8x1xf32> to vector<8x256xf32>
      %select_n3A_635 = arith.select %broadcast_in_dim3A_632, %broadcast_in_dim3A_634, %get3A_630 : vector<8x256xi1>, vector<8x256xf32>
      %swap3A_636 = arith.constant 0 : index
      %swap3A_637 = arith.constant 0 : index
      %swap3A_638 = vector.load %arg9[%swap3A_636, %swap3A_637] : memref<8x256xf32, #tpu.memory_space<vmem>>, vector<8x256xf32>
      tpu.vector_store %arg9[%swap3A_636, %swap3A_637], %select_n3A_635 {strides = array<i32>} : memref<8x256xf32, #tpu.memory_space<vmem>>, vector<8x256xf32>,
      %get3A_639 = arith.constant 0 : index
      %get3A_640 = arith.constant 0 : index
      %get3A_641 = vector.load %arg10[%get3A_639, %get3A_640] : memref<8x256xf32, #tpu.memory_space<vmem>>, vector<8x256xf32>
      %mul3A_642 = vector.broadcast %select_n3A_627 : vector<8x1xf32> to vector<8x256xf32>
      %mul3A_643 = arith.mulf %get3A_641, %mul3A_642 : vector<8x256xf32>
      %get3A_644 = arith.constant 0 : index
      %get3A_645 = arith.constant 0 : index
      %get3A_646 = vector.load %arg10[%get3A_644, %get3A_645] : memref<8x256xf32, #tpu.memory_space<vmem>>, vector<8x256xf32>
      %broadcast_in_dim3A_647 = vector.shape_cast %eq3A_589 : vector<1x256xi1> to vector<1x256xi1>
      %broadcast_in_dim3A_648 = vector.broadcast %broadcast_in_dim3A_647 : vector<1x256xi1> to vector<8x256xi1>
      %select_n3A_649 = arith.select %broadcast_in_dim3A_648, %mul3A_643, %get3A_646 : vector<8x256xi1>, vector<8x256xf32>
      %swap3A_650 = arith.constant 0 : index
      %swap3A_651 = arith.constant 0 : index
      %swap3A_652 = vector.load %arg10[%swap3A_650, %swap3A_651] : memref<8x256xf32, #tpu.memory_space<vmem>>, vector<8x256xf32>
      tpu.vector_store %arg10[%swap3A_650, %swap3A_651], %select_n3A_649 {strides = array<i32>} : memref<8x256xf32, #tpu.memory_space<vmem>>, vector<8x256xf32>,
      %jit3A_653 = arith.constant 1.000000e+00 : f32
      %jit3A_654 = arith.constant 0.000000e+00 : f32
      %broadcast_in_dim3A_655 = vector.broadcast %jit3A_653 : f32 to vector<1x8192xf32>
      %broadcast_in_dim3A_656 = vector.broadcast %jit3A_654 : f32 to vector<1x8192xf32>
      %select_n3A_657 = arith.select %and3A_585, %broadcast_in_dim3A_655, %broadcast_in_dim3A_656 : vector<1x8192xi1>, vector<1x8192xf32>
      %reduce_sum3A_658 = vector.shape_cast %select_n3A_657 : vector<1x8192xf32> to vector<1x1x8192xf32>
      %reduce_sum3A_659 = arith.constant dense<0.000000e+00> : vector<1xf32>
      %reduce_sum3A_660 = vector.multi_reduction <add>, %reduce_sum3A_658, %reduce_sum3A_659 [1, 2] : vector<1x1x8192xf32> to vector<1xf32>
      %reduce_sum3A_661 = vector.shape_cast %reduce_sum3A_660 : vector<1xf32> to vector<1x1x1xf32>
      %reduce_sum3A_662 = vector.extract %reduce_sum3A_661[0, 0, 0] : f32 from vector<1x1x1xf32>
      %get3A_663 = arith.constant 0 : index
      %get3A_664 = arith.constant 0 : index
      %get3A_665 = vector.load %arg11[%get3A_663, %get3A_664] : memref<8x256xf32, #tpu.memory_space<vmem>>, vector<8x256xf32>
      %add3A_666 = vector.broadcast %reduce_sum3A_662 : f32 to vector<8x256xf32>
      %add3A_667 = arith.addf %get3A_665, %add3A_666 : vector<8x256xf32>
      %get3A_668 = arith.constant 0 : index
      %get3A_669 = arith.constant 0 : index
      %get3A_670 = vector.load %arg11[%get3A_668, %get3A_669] : memref<8x256xf32, #tpu.memory_space<vmem>>, vector<8x256xf32>
      %broadcast_in_dim3A_671 = vector.shape_cast %eq3A_589 : vector<1x256xi1> to vector<1x256xi1>
      %broadcast_in_dim3A_672 = vector.broadcast %broadcast_in_dim3A_671 : vector<1x256xi1> to vector<8x256xi1>
      %select_n3A_673 = arith.select %broadcast_in_dim3A_672, %add3A_667, %get3A_670 : vector<8x256xi1>, vector<8x256xf32>
      %swap3A_674 = arith.constant 0 : index
      %swap3A_675 = arith.constant 0 : index
      %swap3A_676 = vector.load %arg11[%swap3A_674, %swap3A_675] : memref<8x256xf32, #tpu.memory_space<vmem>>, vector<8x256xf32>
      tpu.vector_store %arg11[%swap3A_674, %swap3A_675], %select_n3A_673 {strides = array<i32>} : memref<8x256xf32, #tpu.memory_space<vmem>>, vector<8x256xf32>,
      %broadcast_in_dim3A_677 = vector.shape_cast %and3A_585 : vector<1x8192xi1> to vector<1x8192xi1>
      %broadcast_in_dim3A_678 = vector.broadcast %broadcast_in_dim3A_677 : vector<1x8192xi1> to vector<8x8192xi1>
      %broadcast_in_dim3A_679 = vector.shape_cast %select_n3A_619 : vector<8x1xf32> to vector<8x1xf32>
      %broadcast_in_dim3A_680 = vector.broadcast %broadcast_in_dim3A_679 : vector<8x1xf32> to vector<8x8192xf32>
      %select_n3A_681 = arith.select %broadcast_in_dim3A_678, %broadcast_in_dim3A_680, %select_n3A_580 : vector<8x8192xi1>, vector<8x8192xf32>
      %add3A_682 = arith.constant 6 : i32
      %add3A_683 = arith.addi %while3A_70, %add3A_682 : i32
      %eq3A_684 = vector.broadcast %add3A_683 : i32 to vector<1x8192xi32>
      %eq3A_685 = arith.cmpi eq, %get3A_5, %eq3A_684 : vector<1x8192xi32>
      %and3A_686 = arith.andi %eq3A_685, %lt3A_9 : vector<1x8192xi1>
      %add3A_687 = arith.constant 6 : i32
      %add3A_688 = arith.addi %while3A_70, %add3A_687 : i32
      %eq3A_689 = vector.broadcast %add3A_688 : i32 to vector<1x256xi32>
      %eq3A_690 = arith.cmpi eq, %iota3A_10, %eq3A_689 : vector<1x256xi32>
      %slice3A_691 = vector.extract_strided_slice %dot_general3A_79 {offsets = [48, 0], sizes = [8, 8192], strides = [1, 1]} : vector<128x8192xf32> to vector<8x8192xf32>
      %broadcast_in_dim3A_692 = vector.shape_cast %and3A_686 : vector<1x8192xi1> to vector<1x8192xi1>
      %broadcast_in_dim3A_693 = vector.broadcast %broadcast_in_dim3A_692 : vector<1x8192xi1> to vector<8x8192xi1>
      %select_n3A_694 = arith.select %broadcast_in_dim3A_693, %slice3A_691, %select_n3A_593 : vector<8x8192xi1>, vector<8x8192xf32>
      %jit3A_695 = arith.constant 0xFF800000 : f32
      %broadcast_in_dim3A_696 = vector.shape_cast %and3A_686 : vector<1x8192xi1> to vector<1x8192xi1>
      %broadcast_in_dim3A_697 = vector.broadcast %broadcast_in_dim3A_696 : vector<1x8192xi1> to vector<8x8192xi1>
      %broadcast_in_dim3A_698 = vector.broadcast %jit3A_695 : f32 to vector<8x8192xf32>
      %select_n3A_699 = arith.select %broadcast_in_dim3A_697, %slice3A_691, %broadcast_in_dim3A_698 : vector<8x8192xi1>, vector<8x8192xf32>
      %reduce_max3A_700 = arith.constant dense<0xFF800000> : vector<8xf32>
      %reduce_max3A_701 = vector.multi_reduction <maximumf>, %select_n3A_699, %reduce_max3A_700 [1] : vector<8x8192xf32> to vector<8xf32>
      %broadcast_in_dim3A_702 = vector.shape_cast %reduce_max3A_701 : vector<8xf32> to vector<8x1xf32>
      %get3A_703 = arith.constant 0 : index
      %get3A_704 = arith.constant 0 : index
      %get3A_705 = vector.load %arg9[%get3A_703, %get3A_704] : memref<8x256xf32, #tpu.memory_space<vmem>>, vector<8x256xf32>
      %jit3A_706 = arith.constant 0xFF800000 : f32
      %broadcast_in_dim3A_707 = vector.shape_cast %eq3A_690 : vector<1x256xi1> to vector<1x256xi1>
      %broadcast_in_dim3A_708 = vector.broadcast %broadcast_in_dim3A_707 : vector<1x256xi1> to vector<8x256xi1>
      %broadcast_in_dim3A_709 = vector.broadcast %jit3A_706 : f32 to vector<8x256xf32>
      %select_n3A_710 = arith.select %broadcast_in_dim3A_708, %get3A_705, %broadcast_in_dim3A_709 : vector<8x256xi1>, vector<8x256xf32>
      %reduce_max3A_711 = arith.constant dense<0xFF800000> : vector<8xf32>
      %reduce_max3A_712 = vector.multi_reduction <maximumf>, %select_n3A_710, %reduce_max3A_711 [1] : vector<8x256xf32> to vector<8xf32>
      %broadcast_in_dim3A_713 = vector.shape_cast %reduce_max3A_712 : vector<8xf32> to vector<8x1xf32>
      %max3A_714 = arith.maximumf %broadcast_in_dim3A_713, %broadcast_in_dim3A_702 : vector<8x1xf32>
      %eq3A_715 = arith.constant 0xFF800000 : f32
      %eq3A_716 = vector.broadcast %eq3A_715 : f32 to vector<8x1xf32>
      %eq3A_717 = arith.cmpf oeq, %max3A_714, %eq3A_716 : vector<8x1xf32>
      %jit3A_718 = arith.constant 0.000000e+00 : f32
      %broadcast_in_dim3A_719 = vector.broadcast %jit3A_718 : f32 to vector<8x1xf32>
      %select_n3A_720 = arith.select %eq3A_717, %broadcast_in_dim3A_719, %max3A_714 : vector<8x1xi1>, vector<8x1xf32>
      %eq3A_721 = arith.constant 0xFF800000 : f32
      %eq3A_722 = vector.broadcast %eq3A_721 : f32 to vector<8x1xf32>
      %eq3A_723 = arith.cmpf oeq, %broadcast_in_dim3A_713, %eq3A_722 : vector<8x1xf32>
      %sub3A_724 = arith.subf %broadcast_in_dim3A_713, %select_n3A_720 : vector<8x1xf32>
      %exp3A_725 = math.exp %sub3A_724 : vector<8x1xf32>
      %jit3A_726 = arith.constant 0.000000e+00 : f32
      %broadcast_in_dim3A_727 = vector.broadcast %jit3A_726 : f32 to vector<8x1xf32>
      %select_n3A_728 = arith.select %eq3A_723, %broadcast_in_dim3A_727, %exp3A_725 : vector<8x1xi1>, vector<8x1xf32>
      %get3A_729 = arith.constant 0 : index
      %get3A_730 = arith.constant 0 : index
      %get3A_731 = vector.load %arg9[%get3A_729, %get3A_730] : memref<8x256xf32, #tpu.memory_space<vmem>>, vector<8x256xf32>
      %broadcast_in_dim3A_732 = vector.shape_cast %eq3A_690 : vector<1x256xi1> to vector<1x256xi1>
      %broadcast_in_dim3A_733 = vector.broadcast %broadcast_in_dim3A_732 : vector<1x256xi1> to vector<8x256xi1>
      %broadcast_in_dim3A_734 = vector.shape_cast %max3A_714 : vector<8x1xf32> to vector<8x1xf32>
      %broadcast_in_dim3A_735 = vector.broadcast %broadcast_in_dim3A_734 : vector<8x1xf32> to vector<8x256xf32>
      %select_n3A_736 = arith.select %broadcast_in_dim3A_733, %broadcast_in_dim3A_735, %get3A_731 : vector<8x256xi1>, vector<8x256xf32>
      %swap3A_737 = arith.constant 0 : index
      %swap3A_738 = arith.constant 0 : index
      %swap3A_739 = vector.load %arg9[%swap3A_737, %swap3A_738] : memref<8x256xf32, #tpu.memory_space<vmem>>, vector<8x256xf32>
      tpu.vector_store %arg9[%swap3A_737, %swap3A_738], %select_n3A_736 {strides = array<i32>} : memref<8x256xf32, #tpu.memory_space<vmem>>, vector<8x256xf32>,
      %get3A_740 = arith.constant 0 : index
      %get3A_741 = arith.constant 0 : index
      %get3A_742 = vector.load %arg10[%get3A_740, %get3A_741] : memref<8x256xf32, #tpu.memory_space<vmem>>, vector<8x256xf32>
      %mul3A_743 = vector.broadcast %select_n3A_728 : vector<8x1xf32> to vector<8x256xf32>
      %mul3A_744 = arith.mulf %get3A_742, %mul3A_743 : vector<8x256xf32>
      %get3A_745 = arith.constant 0 : index
      %get3A_746 = arith.constant 0 : index
      %get3A_747 = vector.load %arg10[%get3A_745, %get3A_746] : memref<8x256xf32, #tpu.memory_space<vmem>>, vector<8x256xf32>
      %broadcast_in_dim3A_748 = vector.shape_cast %eq3A_690 : vector<1x256xi1> to vector<1x256xi1>
      %broadcast_in_dim3A_749 = vector.broadcast %broadcast_in_dim3A_748 : vector<1x256xi1> to vector<8x256xi1>
      %select_n3A_750 = arith.select %broadcast_in_dim3A_749, %mul3A_744, %get3A_747 : vector<8x256xi1>, vector<8x256xf32>
      %swap3A_751 = arith.constant 0 : index
      %swap3A_752 = arith.constant 0 : index
      %swap3A_753 = vector.load %arg10[%swap3A_751, %swap3A_752] : memref<8x256xf32, #tpu.memory_space<vmem>>, vector<8x256xf32>
      tpu.vector_store %arg10[%swap3A_751, %swap3A_752], %select_n3A_750 {strides = array<i32>} : memref<8x256xf32, #tpu.memory_space<vmem>>, vector<8x256xf32>,
      %jit3A_754 = arith.constant 1.000000e+00 : f32
      %jit3A_755 = arith.constant 0.000000e+00 : f32
      %broadcast_in_dim3A_756 = vector.broadcast %jit3A_754 : f32 to vector<1x8192xf32>
      %broadcast_in_dim3A_757 = vector.broadcast %jit3A_755 : f32 to vector<1x8192xf32>
      %select_n3A_758 = arith.select %and3A_686, %broadcast_in_dim3A_756, %broadcast_in_dim3A_757 : vector<1x8192xi1>, vector<1x8192xf32>
      %reduce_sum3A_759 = vector.shape_cast %select_n3A_758 : vector<1x8192xf32> to vector<1x1x8192xf32>
      %reduce_sum3A_760 = arith.constant dense<0.000000e+00> : vector<1xf32>
      %reduce_sum3A_761 = vector.multi_reduction <add>, %reduce_sum3A_759, %reduce_sum3A_760 [1, 2] : vector<1x1x8192xf32> to vector<1xf32>
      %reduce_sum3A_762 = vector.shape_cast %reduce_sum3A_761 : vector<1xf32> to vector<1x1x1xf32>
      %reduce_sum3A_763 = vector.extract %reduce_sum3A_762[0, 0, 0] : f32 from vector<1x1x1xf32>
      %get3A_764 = arith.constant 0 : index
      %get3A_765 = arith.constant 0 : index
      %get3A_766 = vector.load %arg11[%get3A_764, %get3A_765] : memref<8x256xf32, #tpu.memory_space<vmem>>, vector<8x256xf32>
      %add3A_767 = vector.broadcast %reduce_sum3A_763 : f32 to vector<8x256xf32>
      %add3A_768 = arith.addf %get3A_766, %add3A_767 : vector<8x256xf32>
      %get3A_769 = arith.constant 0 : index
      %get3A_770 = arith.constant 0 : index
      %get3A_771 = vector.load %arg11[%get3A_769, %get3A_770] : memref<8x256xf32, #tpu.memory_space<vmem>>, vector<8x256xf32>
      %broadcast_in_dim3A_772 = vector.shape_cast %eq3A_690 : vector<1x256xi1> to vector<1x256xi1>
      %broadcast_in_dim3A_773 = vector.broadcast %broadcast_in_dim3A_772 : vector<1x256xi1> to vector<8x256xi1>
      %select_n3A_774 = arith.select %broadcast_in_dim3A_773, %add3A_768, %get3A_771 : vector<8x256xi1>, vector<8x256xf32>
      %swap3A_775 = arith.constant 0 : index
      %swap3A_776 = arith.constant 0 : index
      %swap3A_777 = vector.load %arg11[%swap3A_775, %swap3A_776] : memref<8x256xf32, #tpu.memory_space<vmem>>, vector<8x256xf32>
      tpu.vector_store %arg11[%swap3A_775, %swap3A_776], %select_n3A_774 {strides = array<i32>} : memref<8x256xf32, #tpu.memory_space<vmem>>, vector<8x256xf32>,
      %broadcast_in_dim3A_778 = vector.shape_cast %and3A_686 : vector<1x8192xi1> to vector<1x8192xi1>
      %broadcast_in_dim3A_779 = vector.broadcast %broadcast_in_dim3A_778 : vector<1x8192xi1> to vector<8x8192xi1>
      %broadcast_in_dim3A_780 = vector.shape_cast %select_n3A_720 : vector<8x1xf32> to vector<8x1xf32>
      %broadcast_in_dim3A_781 = vector.broadcast %broadcast_in_dim3A_780 : vector<8x1xf32> to vector<8x8192xf32>
      %select_n3A_782 = arith.select %broadcast_in_dim3A_779, %broadcast_in_dim3A_781, %select_n3A_681 : vector<8x8192xi1>, vector<8x8192xf32>
      %add3A_783 = arith.constant 7 : i32
      %add3A_784 = arith.addi %while3A_70, %add3A_783 : i32
      %eq3A_785 = vector.broadcast %add3A_784 : i32 to vector<1x8192xi32>
      %eq3A_786 = arith.cmpi eq, %get3A_5, %eq3A_785 : vector<1x8192xi32>
      %and3A_787 = arith.andi %eq3A_786, %lt3A_9 : vector<1x8192xi1>
      %add3A_788 = arith.constant 7 : i32
      %add3A_789 = arith.addi %while3A_70, %add3A_788 : i32
      %eq3A_790 = vector.broadcast %add3A_789 : i32 to vector<1x256xi32>
      %eq3A_791 = arith.cmpi eq, %iota3A_10, %eq3A_790 : vector<1x256xi32>
      %slice3A_792 = vector.extract_strided_slice %dot_general3A_79 {offsets = [56, 0], sizes = [8, 8192], strides = [1, 1]} : vector<128x8192xf32> to vector<8x8192xf32>
      %broadcast_in_dim3A_793 = vector.shape_cast %and3A_787 : vector<1x8192xi1> to vector<1x8192xi1>
      %broadcast_in_dim3A_794 = vector.broadcast %broadcast_in_dim3A_793 : vector<1x8192xi1> to vector<8x8192xi1>
      %select_n3A_795 = arith.select %broadcast_in_dim3A_794, %slice3A_792, %select_n3A_694 : vector<8x8192xi1>, vector<8x8192xf32>
      %jit3A_796 = arith.constant 0xFF800000 : f32
      %broadcast_in_dim3A_797 = vector.shape_cast %and3A_787 : vector<1x8192xi1> to vector<1x8192xi1>
      %broadcast_in_dim3A_798 = vector.broadcast %broadcast_in_dim3A_797 : vector<1x8192xi1> to vector<8x8192xi1>
      %broadcast_in_dim3A_799 = vector.broadcast %jit3A_796 : f32 to vector<8x8192xf32>
      %select_n3A_800 = arith.select %broadcast_in_dim3A_798, %slice3A_792, %broadcast_in_dim3A_799 : vector<8x8192xi1>, vector<8x8192xf32>
      %reduce_max3A_801 = arith.constant dense<0xFF800000> : vector<8xf32>
      %reduce_max3A_802 = vector.multi_reduction <maximumf>, %select_n3A_800, %reduce_max3A_801 [1] : vector<8x8192xf32> to vector<8xf32>
      %broadcast_in_dim3A_803 = vector.shape_cast %reduce_max3A_802 : vector<8xf32> to vector<8x1xf32>
      %get3A_804 = arith.constant 0 : index
      %get3A_805 = arith.constant 0 : index
      %get3A_806 = vector.load %arg9[%get3A_804, %get3A_805] : memref<8x256xf32, #tpu.memory_space<vmem>>, vector<8x256xf32>
      %jit3A_807 = arith.constant 0xFF800000 : f32
      %broadcast_in_dim3A_808 = vector.shape_cast %eq3A_791 : vector<1x256xi1> to vector<1x256xi1>
      %broadcast_in_dim3A_809 = vector.broadcast %broadcast_in_dim3A_808 : vector<1x256xi1> to vector<8x256xi1>
      %broadcast_in_dim3A_810 = vector.broadcast %jit3A_807 : f32 to vector<8x256xf32>
      %select_n3A_811 = arith.select %broadcast_in_dim3A_809, %get3A_806, %broadcast_in_dim3A_810 : vector<8x256xi1>, vector<8x256xf32>
      %reduce_max3A_812 = arith.constant dense<0xFF800000> : vector<8xf32>
      %reduce_max3A_813 = vector.multi_reduction <maximumf>, %select_n3A_811, %reduce_max3A_812 [1] : vector<8x256xf32> to vector<8xf32>
      %broadcast_in_dim3A_814 = vector.shape_cast %reduce_max3A_813 : vector<8xf32> to vector<8x1xf32>
      %max3A_815 = arith.maximumf %broadcast_in_dim3A_814, %broadcast_in_dim3A_803 : vector<8x1xf32>
      %eq3A_816 = arith.constant 0xFF800000 : f32
      %eq3A_817 = vector.broadcast %eq3A_816 : f32 to vector<8x1xf32>
      %eq3A_818 = arith.cmpf oeq, %max3A_815, %eq3A_817 : vector<8x1xf32>
      %jit3A_819 = arith.constant 0.000000e+00 : f32
      %broadcast_in_dim3A_820 = vector.broadcast %jit3A_819 : f32 to vector<8x1xf32>
      %select_n3A_821 = arith.select %eq3A_818, %broadcast_in_dim3A_820, %max3A_815 : vector<8x1xi1>, vector<8x1xf32>
      %eq3A_822 = arith.constant 0xFF800000 : f32
      %eq3A_823 = vector.broadcast %eq3A_822 : f32 to vector<8x1xf32>
      %eq3A_824 = arith.cmpf oeq, %broadcast_in_dim3A_814, %eq3A_823 : vector<8x1xf32>
      %sub3A_825 = arith.subf %broadcast_in_dim3A_814, %select_n3A_821 : vector<8x1xf32>
      %exp3A_826 = math.exp %sub3A_825 : vector<8x1xf32>
      %jit3A_827 = arith.constant 0.000000e+00 : f32
      %broadcast_in_dim3A_828 = vector.broadcast %jit3A_827 : f32 to vector<8x1xf32>
      %select_n3A_829 = arith.select %eq3A_824, %broadcast_in_dim3A_828, %exp3A_826 : vector<8x1xi1>, vector<8x1xf32>
      %get3A_830 = arith.constant 0 : index
      %get3A_831 = arith.constant 0 : index
      %get3A_832 = vector.load %arg9[%get3A_830, %get3A_831] : memref<8x256xf32, #tpu.memory_space<vmem>>, vector<8x256xf32>
      %broadcast_in_dim3A_833 = vector.shape_cast %eq3A_791 : vector<1x256xi1> to vector<1x256xi1>
      %broadcast_in_dim3A_834 = vector.broadcast %broadcast_in_dim3A_833 : vector<1x256xi1> to vector<8x256xi1>
      %broadcast_in_dim3A_835 = vector.shape_cast %max3A_815 : vector<8x1xf32> to vector<8x1xf32>
      %broadcast_in_dim3A_836 = vector.broadcast %broadcast_in_dim3A_835 : vector<8x1xf32> to vector<8x256xf32>
      %select_n3A_837 = arith.select %broadcast_in_dim3A_834, %broadcast_in_dim3A_836, %get3A_832 : vector<8x256xi1>, vector<8x256xf32>
      %swap3A_838 = arith.constant 0 : index
      %swap3A_839 = arith.constant 0 : index
      %swap3A_840 = vector.load %arg9[%swap3A_838, %swap3A_839] : memref<8x256xf32, #tpu.memory_space<vmem>>, vector<8x256xf32>
      tpu.vector_store %arg9[%swap3A_838, %swap3A_839], %select_n3A_837 {strides = array<i32>} : memref<8x256xf32, #tpu.memory_space<vmem>>, vector<8x256xf32>,
      %get3A_841 = arith.constant 0 : index
      %get3A_842 = arith.constant 0 : index
      %get3A_843 = vector.load %arg10[%get3A_841, %get3A_842] : memref<8x256xf32, #tpu.memory_space<vmem>>, vector<8x256xf32>
      %mul3A_844 = vector.broadcast %select_n3A_829 : vector<8x1xf32> to vector<8x256xf32>
      %mul3A_845 = arith.mulf %get3A_843, %mul3A_844 : vector<8x256xf32>
      %get3A_846 = arith.constant 0 : index
      %get3A_847 = arith.constant 0 : index
      %get3A_848 = vector.load %arg10[%get3A_846, %get3A_847] : memref<8x256xf32, #tpu.memory_space<vmem>>, vector<8x256xf32>
      %broadcast_in_dim3A_849 = vector.shape_cast %eq3A_791 : vector<1x256xi1> to vector<1x256xi1>
      %broadcast_in_dim3A_850 = vector.broadcast %broadcast_in_dim3A_849 : vector<1x256xi1> to vector<8x256xi1>
      %select_n3A_851 = arith.select %broadcast_in_dim3A_850, %mul3A_845, %get3A_848 : vector<8x256xi1>, vector<8x256xf32>
      %swap3A_852 = arith.constant 0 : index
      %swap3A_853 = arith.constant 0 : index
      %swap3A_854 = vector.load %arg10[%swap3A_852, %swap3A_853] : memref<8x256xf32, #tpu.memory_space<vmem>>, vector<8x256xf32>
      tpu.vector_store %arg10[%swap3A_852, %swap3A_853], %select_n3A_851 {strides = array<i32>} : memref<8x256xf32, #tpu.memory_space<vmem>>, vector<8x256xf32>,
      %jit3A_855 = arith.constant 1.000000e+00 : f32
      %jit3A_856 = arith.constant 0.000000e+00 : f32
      %broadcast_in_dim3A_857 = vector.broadcast %jit3A_855 : f32 to vector<1x8192xf32>
      %broadcast_in_dim3A_858 = vector.broadcast %jit3A_856 : f32 to vector<1x8192xf32>
      %select_n3A_859 = arith.select %and3A_787, %broadcast_in_dim3A_857, %broadcast_in_dim3A_858 : vector<1x8192xi1>, vector<1x8192xf32>
      %reduce_sum3A_860 = vector.shape_cast %select_n3A_859 : vector<1x8192xf32> to vector<1x1x8192xf32>
      %reduce_sum3A_861 = arith.constant dense<0.000000e+00> : vector<1xf32>
      %reduce_sum3A_862 = vector.multi_reduction <add>, %reduce_sum3A_860, %reduce_sum3A_861 [1, 2] : vector<1x1x8192xf32> to vector<1xf32>
      %reduce_sum3A_863 = vector.shape_cast %reduce_sum3A_862 : vector<1xf32> to vector<1x1x1xf32>
      %reduce_sum3A_864 = vector.extract %reduce_sum3A_863[0, 0, 0] : f32 from vector<1x1x1xf32>
      %get3A_865 = arith.constant 0 : index
      %get3A_866 = arith.constant 0 : index
      %get3A_867 = vector.load %arg11[%get3A_865, %get3A_866] : memref<8x256xf32, #tpu.memory_space<vmem>>, vector<8x256xf32>
      %add3A_868 = vector.broadcast %reduce_sum3A_864 : f32 to vector<8x256xf32>
      %add3A_869 = arith.addf %get3A_867, %add3A_868 : vector<8x256xf32>
      %get3A_870 = arith.constant 0 : index
      %get3A_871 = arith.constant 0 : index
      %get3A_872 = vector.load %arg11[%get3A_870, %get3A_871] : memref<8x256xf32, #tpu.memory_space<vmem>>, vector<8x256xf32>
      %broadcast_in_dim3A_873 = vector.shape_cast %eq3A_791 : vector<1x256xi1> to vector<1x256xi1>
      %broadcast_in_dim3A_874 = vector.broadcast %broadcast_in_dim3A_873 : vector<1x256xi1> to vector<8x256xi1>
      %select_n3A_875 = arith.select %broadcast_in_dim3A_874, %add3A_869, %get3A_872 : vector<8x256xi1>, vector<8x256xf32>
      %swap3A_876 = arith.constant 0 : index
      %swap3A_877 = arith.constant 0 : index
      %swap3A_878 = vector.load %arg11[%swap3A_876, %swap3A_877] : memref<8x256xf32, #tpu.memory_space<vmem>>, vector<8x256xf32>
      tpu.vector_store %arg11[%swap3A_876, %swap3A_877], %select_n3A_875 {strides = array<i32>} : memref<8x256xf32, #tpu.memory_space<vmem>>, vector<8x256xf32>,
      %broadcast_in_dim3A_879 = vector.shape_cast %and3A_787 : vector<1x8192xi1> to vector<1x8192xi1>
      %broadcast_in_dim3A_880 = vector.broadcast %broadcast_in_dim3A_879 : vector<1x8192xi1> to vector<8x8192xi1>
      %broadcast_in_dim3A_881 = vector.shape_cast %select_n3A_821 : vector<8x1xf32> to vector<8x1xf32>
      %broadcast_in_dim3A_882 = vector.broadcast %broadcast_in_dim3A_881 : vector<8x1xf32> to vector<8x8192xf32>
      %select_n3A_883 = arith.select %broadcast_in_dim3A_880, %broadcast_in_dim3A_882, %select_n3A_782 : vector<8x8192xi1>, vector<8x8192xf32>
      %add3A_884 = arith.constant 8 : i32
      %add3A_885 = arith.addi %while3A_70, %add3A_884 : i32
      %eq3A_886 = vector.broadcast %add3A_885 : i32 to vector<1x8192xi32>
      %eq3A_887 = arith.cmpi eq, %get3A_5, %eq3A_886 : vector<1x8192xi32>
      %and3A_888 = arith.andi %eq3A_887, %lt3A_9 : vector<1x8192xi1>
      %add3A_889 = arith.constant 8 : i32
      %add3A_890 = arith.addi %while3A_70, %add3A_889 : i32
      %eq3A_891 = vector.broadcast %add3A_890 : i32 to vector<1x256xi32>
      %eq3A_892 = arith.cmpi eq, %iota3A_10, %eq3A_891 : vector<1x256xi32>
      %slice3A_893 = vector.extract_strided_slice %dot_general3A_79 {offsets = [64, 0], sizes = [8, 8192], strides = [1, 1]} : vector<128x8192xf32> to vector<8x8192xf32>
      %broadcast_in_dim3A_894 = vector.shape_cast %and3A_888 : vector<1x8192xi1> to vector<1x8192xi1>
      %broadcast_in_dim3A_895 = vector.broadcast %broadcast_in_dim3A_894 : vector<1x8192xi1> to vector<8x8192xi1>
      %select_n3A_896 = arith.select %broadcast_in_dim3A_895, %slice3A_893, %select_n3A_795 : vector<8x8192xi1>, vector<8x8192xf32>
      %jit3A_897 = arith.constant 0xFF800000 : f32
      %broadcast_in_dim3A_898 = vector.shape_cast %and3A_888 : vector<1x8192xi1> to vector<1x8192xi1>
      %broadcast_in_dim3A_899 = vector.broadcast %broadcast_in_dim3A_898 : vector<1x8192xi1> to vector<8x8192xi1>
      %broadcast_in_dim3A_900 = vector.broadcast %jit3A_897 : f32 to vector<8x8192xf32>
      %select_n3A_901 = arith.select %broadcast_in_dim3A_899, %slice3A_893, %broadcast_in_dim3A_900 : vector<8x8192xi1>, vector<8x8192xf32>
      %reduce_max3A_902 = arith.constant dense<0xFF800000> : vector<8xf32>
      %reduce_max3A_903 = vector.multi_reduction <maximumf>, %select_n3A_901, %reduce_max3A_902 [1] : vector<8x8192xf32> to vector<8xf32>
      %broadcast_in_dim3A_904 = vector.shape_cast %reduce_max3A_903 : vector<8xf32> to vector<8x1xf32>
      %get3A_905 = arith.constant 0 : index
      %get3A_906 = arith.constant 0 : index
      %get3A_907 = vector.load %arg9[%get3A_905, %get3A_906] : memref<8x256xf32, #tpu.memory_space<vmem>>, vector<8x256xf32>
      %jit3A_908 = arith.constant 0xFF800000 : f32
      %broadcast_in_dim3A_909 = vector.shape_cast %eq3A_892 : vector<1x256xi1> to vector<1x256xi1>
      %broadcast_in_dim3A_910 = vector.broadcast %broadcast_in_dim3A_909 : vector<1x256xi1> to vector<8x256xi1>
      %broadcast_in_dim3A_911 = vector.broadcast %jit3A_908 : f32 to vector<8x256xf32>
      %select_n3A_912 = arith.select %broadcast_in_dim3A_910, %get3A_907, %broadcast_in_dim3A_911 : vector<8x256xi1>, vector<8x256xf32>
      %reduce_max3A_913 = arith.constant dense<0xFF800000> : vector<8xf32>
      %reduce_max3A_914 = vector.multi_reduction <maximumf>, %select_n3A_912, %reduce_max3A_913 [1] : vector<8x256xf32> to vector<8xf32>
      %broadcast_in_dim3A_915 = vector.shape_cast %reduce_max3A_914 : vector<8xf32> to vector<8x1xf32>
      %max3A_916 = arith.maximumf %broadcast_in_dim3A_915, %broadcast_in_dim3A_904 : vector<8x1xf32>
      %eq3A_917 = arith.constant 0xFF800000 : f32
      %eq3A_918 = vector.broadcast %eq3A_917 : f32 to vector<8x1xf32>
      %eq3A_919 = arith.cmpf oeq, %max3A_916, %eq3A_918 : vector<8x1xf32>
      %jit3A_920 = arith.constant 0.000000e+00 : f32
      %broadcast_in_dim3A_921 = vector.broadcast %jit3A_920 : f32 to vector<8x1xf32>
      %select_n3A_922 = arith.select %eq3A_919, %broadcast_in_dim3A_921, %max3A_916 : vector<8x1xi1>, vector<8x1xf32>
      %eq3A_923 = arith.constant 0xFF800000 : f32
      %eq3A_924 = vector.broadcast %eq3A_923 : f32 to vector<8x1xf32>
      %eq3A_925 = arith.cmpf oeq, %broadcast_in_dim3A_915, %eq3A_924 : vector<8x1xf32>
      %sub3A_926 = arith.subf %broadcast_in_dim3A_915, %select_n3A_922 : vector<8x1xf32>
      %exp3A_927 = math.exp %sub3A_926 : vector<8x1xf32>
      %jit3A_928 = arith.constant 0.000000e+00 : f32
      %broadcast_in_dim3A_929 = vector.broadcast %jit3A_928 : f32 to vector<8x1xf32>
      %select_n3A_930 = arith.select %eq3A_925, %broadcast_in_dim3A_929, %exp3A_927 : vector<8x1xi1>, vector<8x1xf32>
      %get3A_931 = arith.constant 0 : index
      %get3A_932 = arith.constant 0 : index
      %get3A_933 = vector.load %arg9[%get3A_931, %get3A_932] : memref<8x256xf32, #tpu.memory_space<vmem>>, vector<8x256xf32>
      %broadcast_in_dim3A_934 = vector.shape_cast %eq3A_892 : vector<1x256xi1> to vector<1x256xi1>
      %broadcast_in_dim3A_935 = vector.broadcast %broadcast_in_dim3A_934 : vector<1x256xi1> to vector<8x256xi1>
      %broadcast_in_dim3A_936 = vector.shape_cast %max3A_916 : vector<8x1xf32> to vector<8x1xf32>
      %broadcast_in_dim3A_937 = vector.broadcast %broadcast_in_dim3A_936 : vector<8x1xf32> to vector<8x256xf32>
      %select_n3A_938 = arith.select %broadcast_in_dim3A_935, %broadcast_in_dim3A_937, %get3A_933 : vector<8x256xi1>, vector<8x256xf32>
      %swap3A_939 = arith.constant 0 : index
      %swap3A_940 = arith.constant 0 : index
      %swap3A_941 = vector.load %arg9[%swap3A_939, %swap3A_940] : memref<8x256xf32, #tpu.memory_space<vmem>>, vector<8x256xf32>
      tpu.vector_store %arg9[%swap3A_939, %swap3A_940], %select_n3A_938 {strides = array<i32>} : memref<8x256xf32, #tpu.memory_space<vmem>>, vector<8x256xf32>,
      %get3A_942 = arith.constant 0 : index
      %get3A_943 = arith.constant 0 : index
      %get3A_944 = vector.load %arg10[%get3A_942, %get3A_943] : memref<8x256xf32, #tpu.memory_space<vmem>>, vector<8x256xf32>
      %mul3A_945 = vector.broadcast %select_n3A_930 : vector<8x1xf32> to vector<8x256xf32>
      %mul3A_946 = arith.mulf %get3A_944, %mul3A_945 : vector<8x256xf32>
      %get3A_947 = arith.constant 0 : index
      %get3A_948 = arith.constant 0 : index
      %get3A_949 = vector.load %arg10[%get3A_947, %get3A_948] : memref<8x256xf32, #tpu.memory_space<vmem>>, vector<8x256xf32>
      %broadcast_in_dim3A_950 = vector.shape_cast %eq3A_892 : vector<1x256xi1> to vector<1x256xi1>
      %broadcast_in_dim3A_951 = vector.broadcast %broadcast_in_dim3A_950 : vector<1x256xi1> to vector<8x256xi1>
      %select_n3A_952 = arith.select %broadcast_in_dim3A_951, %mul3A_946, %get3A_949 : vector<8x256xi1>, vector<8x256xf32>
      %swap3A_953 = arith.constant 0 : index
      %swap3A_954 = arith.constant 0 : index
      %swap3A_955 = vector.load %arg10[%swap3A_953, %swap3A_954] : memref<8x256xf32, #tpu.memory_space<vmem>>, vector<8x256xf32>
      tpu.vector_store %arg10[%swap3A_953, %swap3A_954], %select_n3A_952 {strides = array<i32>} : memref<8x256xf32, #tpu.memory_space<vmem>>, vector<8x256xf32>,
      %jit3A_956 = arith.constant 1.000000e+00 : f32
      %jit3A_957 = arith.constant 0.000000e+00 : f32
      %broadcast_in_dim3A_958 = vector.broadcast %jit3A_956 : f32 to vector<1x8192xf32>
      %broadcast_in_dim3A_959 = vector.broadcast %jit3A_957 : f32 to vector<1x8192xf32>
      %select_n3A_960 = arith.select %and3A_888, %broadcast_in_dim3A_958, %broadcast_in_dim3A_959 : vector<1x8192xi1>, vector<1x8192xf32>
      %reduce_sum3A_961 = vector.shape_cast %select_n3A_960 : vector<1x8192xf32> to vector<1x1x8192xf32>
      %reduce_sum3A_962 = arith.constant dense<0.000000e+00> : vector<1xf32>
      %reduce_sum3A_963 = vector.multi_reduction <add>, %reduce_sum3A_961, %reduce_sum3A_962 [1, 2] : vector<1x1x8192xf32> to vector<1xf32>
      %reduce_sum3A_964 = vector.shape_cast %reduce_sum3A_963 : vector<1xf32> to vector<1x1x1xf32>
      %reduce_sum3A_965 = vector.extract %reduce_sum3A_964[0, 0, 0] : f32 from vector<1x1x1xf32>
      %get3A_966 = arith.constant 0 : index
      %get3A_967 = arith.constant 0 : index
      %get3A_968 = vector.load %arg11[%get3A_966, %get3A_967] : memref<8x256xf32, #tpu.memory_space<vmem>>, vector<8x256xf32>
      %add3A_969 = vector.broadcast %reduce_sum3A_965 : f32 to vector<8x256xf32>
      %add3A_970 = arith.addf %get3A_968, %add3A_969 : vector<8x256xf32>
      %get3A_971 = arith.constant 0 : index
      %get3A_972 = arith.constant 0 : index
      %get3A_973 = vector.load %arg11[%get3A_971, %get3A_972] : memref<8x256xf32, #tpu.memory_space<vmem>>, vector<8x256xf32>
      %broadcast_in_dim3A_974 = vector.shape_cast %eq3A_892 : vector<1x256xi1> to vector<1x256xi1>
      %broadcast_in_dim3A_975 = vector.broadcast %broadcast_in_dim3A_974 : vector<1x256xi1> to vector<8x256xi1>
      %select_n3A_976 = arith.select %broadcast_in_dim3A_975, %add3A_970, %get3A_973 : vector<8x256xi1>, vector<8x256xf32>
      %swap3A_977 = arith.constant 0 : index
      %swap3A_978 = arith.constant 0 : index
      %swap3A_979 = vector.load %arg11[%swap3A_977, %swap3A_978] : memref<8x256xf32, #tpu.memory_space<vmem>>, vector<8x256xf32>
      tpu.vector_store %arg11[%swap3A_977, %swap3A_978], %select_n3A_976 {strides = array<i32>} : memref<8x256xf32, #tpu.memory_space<vmem>>, vector<8x256xf32>,
      %broadcast_in_dim3A_980 = vector.shape_cast %and3A_888 : vector<1x8192xi1> to vector<1x8192xi1>
      %broadcast_in_dim3A_981 = vector.broadcast %broadcast_in_dim3A_980 : vector<1x8192xi1> to vector<8x8192xi1>
      %broadcast_in_dim3A_982 = vector.shape_cast %select_n3A_922 : vector<8x1xf32> to vector<8x1xf32>
      %broadcast_in_dim3A_983 = vector.broadcast %broadcast_in_dim3A_982 : vector<8x1xf32> to vector<8x8192xf32>
      %select_n3A_984 = arith.select %broadcast_in_dim3A_981, %broadcast_in_dim3A_983, %select_n3A_883 : vector<8x8192xi1>, vector<8x8192xf32>
      %add3A_985 = arith.constant 9 : i32
      %add3A_986 = arith.addi %while3A_70, %add3A_985 : i32
      %eq3A_987 = vector.broadcast %add3A_986 : i32 to vector<1x8192xi32>
      %eq3A_988 = arith.cmpi eq, %get3A_5, %eq3A_987 : vector<1x8192xi32>
      %and3A_989 = arith.andi %eq3A_988, %lt3A_9 : vector<1x8192xi1>
      %add3A_990 = arith.constant 9 : i32
      %add3A_991 = arith.addi %while3A_70, %add3A_990 : i32
      %eq3A_992 = vector.broadcast %add3A_991 : i32 to vector<1x256xi32>
      %eq3A_993 = arith.cmpi eq, %iota3A_10, %eq3A_992 : vector<1x256xi32>
      %slice3A_994 = vector.extract_strided_slice %dot_general3A_79 {offsets = [72, 0], sizes = [8, 8192], strides = [1, 1]} : vector<128x8192xf32> to vector<8x8192xf32>
      %broadcast_in_dim3A_995 = vector.shape_cast %and3A_989 : vector<1x8192xi1> to vector<1x8192xi1>
      %broadcast_in_dim3A_996 = vector.broadcast %broadcast_in_dim3A_995 : vector<1x8192xi1> to vector<8x8192xi1>
      %select_n3A_997 = arith.select %broadcast_in_dim3A_996, %slice3A_994, %select_n3A_896 : vector<8x8192xi1>, vector<8x8192xf32>
      %jit3A_998 = arith.constant 0xFF800000 : f32
      %broadcast_in_dim3A_999 = vector.shape_cast %and3A_989 : vector<1x8192xi1> to vector<1x8192xi1>
      %broadcast_in_dim3A_1000 = vector.broadcast %broadcast_in_dim3A_999 : vector<1x8192xi1> to vector<8x8192xi1>
      %broadcast_in_dim3A_1001 = vector.broadcast %jit3A_998 : f32 to vector<8x8192xf32>
      %select_n3A_1002 = arith.select %broadcast_in_dim3A_1000, %slice3A_994, %broadcast_in_dim3A_1001 : vector<8x8192xi1>, vector<8x8192xf32>
      %reduce_max3A_1003 = arith.constant dense<0xFF800000> : vector<8xf32>
      %reduce_max3A_1004 = vector.multi_reduction <maximumf>, %select_n3A_1002, %reduce_max3A_1003 [1] : vector<8x8192xf32> to vector<8xf32>
      %broadcast_in_dim3A_1005 = vector.shape_cast %reduce_max3A_1004 : vector<8xf32> to vector<8x1xf32>
      %get3A_1006 = arith.constant 0 : index
      %get3A_1007 = arith.constant 0 : index
      %get3A_1008 = vector.load %arg9[%get3A_1006, %get3A_1007] : memref<8x256xf32, #tpu.memory_space<vmem>>, vector<8x256xf32>
      %jit3A_1009 = arith.constant 0xFF800000 : f32
      %broadcast_in_dim3A_1010 = vector.shape_cast %eq3A_993 : vector<1x256xi1> to vector<1x256xi1>
      %broadcast_in_dim3A_1011 = vector.broadcast %broadcast_in_dim3A_1010 : vector<1x256xi1> to vector<8x256xi1>
      %broadcast_in_dim3A_1012 = vector.broadcast %jit3A_1009 : f32 to vector<8x256xf32>
      %select_n3A_1013 = arith.select %broadcast_in_dim3A_1011, %get3A_1008, %broadcast_in_dim3A_1012 : vector<8x256xi1>, vector<8x256xf32>
      %reduce_max3A_1014 = arith.constant dense<0xFF800000> : vector<8xf32>
      %reduce_max3A_1015 = vector.multi_reduction <maximumf>, %select_n3A_1013, %reduce_max3A_1014 [1] : vector<8x256xf32> to vector<8xf32>
      %broadcast_in_dim3A_1016 = vector.shape_cast %reduce_max3A_1015 : vector<8xf32> to vector<8x1xf32>
      %max3A_1017 = arith.maximumf %broadcast_in_dim3A_1016, %broadcast_in_dim3A_1005 : vector<8x1xf32>
      %eq3A_1018 = arith.constant 0xFF800000 : f32
      %eq3A_1019 = vector.broadcast %eq3A_1018 : f32 to vector<8x1xf32>
      %eq3A_1020 = arith.cmpf oeq, %max3A_1017, %eq3A_1019 : vector<8x1xf32>
      %jit3A_1021 = arith.constant 0.000000e+00 : f32
      %broadcast_in_dim3A_1022 = vector.broadcast %jit3A_1021 : f32 to vector<8x1xf32>
      %select_n3A_1023 = arith.select %eq3A_1020, %broadcast_in_dim3A_1022, %max3A_1017 : vector<8x1xi1>, vector<8x1xf32>
      %eq3A_1024 = arith.constant 0xFF800000 : f32
      %eq3A_1025 = vector.broadcast %eq3A_1024 : f32 to vector<8x1xf32>
      %eq3A_1026 = arith.cmpf oeq, %broadcast_in_dim3A_1016, %eq3A_1025 : vector<8x1xf32>
      %sub3A_1027 = arith.subf %broadcast_in_dim3A_1016, %select_n3A_1023 : vector<8x1xf32>
      %exp3A_1028 = math.exp %sub3A_1027 : vector<8x1xf32>
      %jit3A_1029 = arith.constant 0.000000e+00 : f32
      %broadcast_in_dim3A_1030 = vector.broadcast %jit3A_1029 : f32 to vector<8x1xf32>
      %select_n3A_1031 = arith.select %eq3A_1026, %broadcast_in_dim3A_1030, %exp3A_1028 : vector<8x1xi1>, vector<8x1xf32>
      %get3A_1032 = arith.constant 0 : index
      %get3A_1033 = arith.constant 0 : index
      %get3A_1034 = vector.load %arg9[%get3A_1032, %get3A_1033] : memref<8x256xf32, #tpu.memory_space<vmem>>, vector<8x256xf32>
      %broadcast_in_dim3A_1035 = vector.shape_cast %eq3A_993 : vector<1x256xi1> to vector<1x256xi1>
      %broadcast_in_dim3A_1036 = vector.broadcast %broadcast_in_dim3A_1035 : vector<1x256xi1> to vector<8x256xi1>
      %broadcast_in_dim3A_1037 = vector.shape_cast %max3A_1017 : vector<8x1xf32> to vector<8x1xf32>
      %broadcast_in_dim3A_1038 = vector.broadcast %broadcast_in_dim3A_1037 : vector<8x1xf32> to vector<8x256xf32>
      %select_n3A_1039 = arith.select %broadcast_in_dim3A_1036, %broadcast_in_dim3A_1038, %get3A_1034 : vector<8x256xi1>, vector<8x256xf32>
      %swap3A_1040 = arith.constant 0 : index
      %swap3A_1041 = arith.constant 0 : index
      %swap3A_1042 = vector.load %arg9[%swap3A_1040, %swap3A_1041] : memref<8x256xf32, #tpu.memory_space<vmem>>, vector<8x256xf32>
      tpu.vector_store %arg9[%swap3A_1040, %swap3A_1041], %select_n3A_1039 {strides = array<i32>} : memref<8x256xf32, #tpu.memory_space<vmem>>, vector<8x256xf32>,
      %get3A_1043 = arith.constant 0 : index
      %get3A_1044 = arith.constant 0 : index
      %get3A_1045 = vector.load %arg10[%get3A_1043, %get3A_1044] : memref<8x256xf32, #tpu.memory_space<vmem>>, vector<8x256xf32>
      %mul3A_1046 = vector.broadcast %select_n3A_1031 : vector<8x1xf32> to vector<8x256xf32>
      %mul3A_1047 = arith.mulf %get3A_1045, %mul3A_1046 : vector<8x256xf32>
      %get3A_1048 = arith.constant 0 : index
      %get3A_1049 = arith.constant 0 : index
      %get3A_1050 = vector.load %arg10[%get3A_1048, %get3A_1049] : memref<8x256xf32, #tpu.memory_space<vmem>>, vector<8x256xf32>
      %broadcast_in_dim3A_1051 = vector.shape_cast %eq3A_993 : vector<1x256xi1> to vector<1x256xi1>
      %broadcast_in_dim3A_1052 = vector.broadcast %broadcast_in_dim3A_1051 : vector<1x256xi1> to vector<8x256xi1>
      %select_n3A_1053 = arith.select %broadcast_in_dim3A_1052, %mul3A_1047, %get3A_1050 : vector<8x256xi1>, vector<8x256xf32>
      %swap3A_1054 = arith.constant 0 : index
      %swap3A_1055 = arith.constant 0 : index
      %swap3A_1056 = vector.load %arg10[%swap3A_1054, %swap3A_1055] : memref<8x256xf32, #tpu.memory_space<vmem>>, vector<8x256xf32>
      tpu.vector_store %arg10[%swap3A_1054, %swap3A_1055], %select_n3A_1053 {strides = array<i32>} : memref<8x256xf32, #tpu.memory_space<vmem>>, vector<8x256xf32>,
      %jit3A_1057 = arith.constant 1.000000e+00 : f32
      %jit3A_1058 = arith.constant 0.000000e+00 : f32
      %broadcast_in_dim3A_1059 = vector.broadcast %jit3A_1057 : f32 to vector<1x8192xf32>
      %broadcast_in_dim3A_1060 = vector.broadcast %jit3A_1058 : f32 to vector<1x8192xf32>
      %select_n3A_1061 = arith.select %and3A_989, %broadcast_in_dim3A_1059, %broadcast_in_dim3A_1060 : vector<1x8192xi1>, vector<1x8192xf32>
      %reduce_sum3A_1062 = vector.shape_cast %select_n3A_1061 : vector<1x8192xf32> to vector<1x1x8192xf32>
      %reduce_sum3A_1063 = arith.constant dense<0.000000e+00> : vector<1xf32>
      %reduce_sum3A_1064 = vector.multi_reduction <add>, %reduce_sum3A_1062, %reduce_sum3A_1063 [1, 2] : vector<1x1x8192xf32> to vector<1xf32>
      %reduce_sum3A_1065 = vector.shape_cast %reduce_sum3A_1064 : vector<1xf32> to vector<1x1x1xf32>
      %reduce_sum3A_1066 = vector.extract %reduce_sum3A_1065[0, 0, 0] : f32 from vector<1x1x1xf32>
      %get3A_1067 = arith.constant 0 : index
      %get3A_1068 = arith.constant 0 : index
      %get3A_1069 = vector.load %arg11[%get3A_1067, %get3A_1068] : memref<8x256xf32, #tpu.memory_space<vmem>>, vector<8x256xf32>
      %add3A_1070 = vector.broadcast %reduce_sum3A_1066 : f32 to vector<8x256xf32>
      %add3A_1071 = arith.addf %get3A_1069, %add3A_1070 : vector<8x256xf32>
      %get3A_1072 = arith.constant 0 : index
      %get3A_1073 = arith.constant 0 : index
      %get3A_1074 = vector.load %arg11[%get3A_1072, %get3A_1073] : memref<8x256xf32, #tpu.memory_space<vmem>>, vector<8x256xf32>
      %broadcast_in_dim3A_1075 = vector.shape_cast %eq3A_993 : vector<1x256xi1> to vector<1x256xi1>
      %broadcast_in_dim3A_1076 = vector.broadcast %broadcast_in_dim3A_1075 : vector<1x256xi1> to vector<8x256xi1>
      %select_n3A_1077 = arith.select %broadcast_in_dim3A_1076, %add3A_1071, %get3A_1074 : vector<8x256xi1>, vector<8x256xf32>
      %swap3A_1078 = arith.constant 0 : index
      %swap3A_1079 = arith.constant 0 : index
      %swap3A_1080 = vector.load %arg11[%swap3A_1078, %swap3A_1079] : memref<8x256xf32, #tpu.memory_space<vmem>>, vector<8x256xf32>
      tpu.vector_store %arg11[%swap3A_1078, %swap3A_1079], %select_n3A_1077 {strides = array<i32>} : memref<8x256xf32, #tpu.memory_space<vmem>>, vector<8x256xf32>,
      %broadcast_in_dim3A_1081 = vector.shape_cast %and3A_989 : vector<1x8192xi1> to vector<1x8192xi1>
      %broadcast_in_dim3A_1082 = vector.broadcast %broadcast_in_dim3A_1081 : vector<1x8192xi1> to vector<8x8192xi1>
      %broadcast_in_dim3A_1083 = vector.shape_cast %select_n3A_1023 : vector<8x1xf32> to vector<8x1xf32>
      %broadcast_in_dim3A_1084 = vector.broadcast %broadcast_in_dim3A_1083 : vector<8x1xf32> to vector<8x8192xf32>
      %select_n3A_1085 = arith.select %broadcast_in_dim3A_1082, %broadcast_in_dim3A_1084, %select_n3A_984 : vector<8x8192xi1>, vector<8x8192xf32>
      %add3A_1086 = arith.constant 10 : i32
      %add3A_1087 = arith.addi %while3A_70, %add3A_1086 : i32
      %eq3A_1088 = vector.broadcast %add3A_1087 : i32 to vector<1x8192xi32>
      %eq3A_1089 = arith.cmpi eq, %get3A_5, %eq3A_1088 : vector<1x8192xi32>
      %and3A_1090 = arith.andi %eq3A_1089, %lt3A_9 : vector<1x8192xi1>
      %add3A_1091 = arith.constant 10 : i32
      %add3A_1092 = arith.addi %while3A_70, %add3A_1091 : i32
      %eq3A_1093 = vector.broadcast %add3A_1092 : i32 to vector<1x256xi32>
      %eq3A_1094 = arith.cmpi eq, %iota3A_10, %eq3A_1093 : vector<1x256xi32>
      %slice3A_1095 = vector.extract_strided_slice %dot_general3A_79 {offsets = [80, 0], sizes = [8, 8192], strides = [1, 1]} : vector<128x8192xf32> to vector<8x8192xf32>
      %broadcast_in_dim3A_1096 = vector.shape_cast %and3A_1090 : vector<1x8192xi1> to vector<1x8192xi1>
      %broadcast_in_dim3A_1097 = vector.broadcast %broadcast_in_dim3A_1096 : vector<1x8192xi1> to vector<8x8192xi1>
      %select_n3A_1098 = arith.select %broadcast_in_dim3A_1097, %slice3A_1095, %select_n3A_997 : vector<8x8192xi1>, vector<8x8192xf32>
      %jit3A_1099 = arith.constant 0xFF800000 : f32
      %broadcast_in_dim3A_1100 = vector.shape_cast %and3A_1090 : vector<1x8192xi1> to vector<1x8192xi1>
      %broadcast_in_dim3A_1101 = vector.broadcast %broadcast_in_dim3A_1100 : vector<1x8192xi1> to vector<8x8192xi1>
      %broadcast_in_dim3A_1102 = vector.broadcast %jit3A_1099 : f32 to vector<8x8192xf32>
      %select_n3A_1103 = arith.select %broadcast_in_dim3A_1101, %slice3A_1095, %broadcast_in_dim3A_1102 : vector<8x8192xi1>, vector<8x8192xf32>
      %reduce_max3A_1104 = arith.constant dense<0xFF800000> : vector<8xf32>
      %reduce_max3A_1105 = vector.multi_reduction <maximumf>, %select_n3A_1103, %reduce_max3A_1104 [1] : vector<8x8192xf32> to vector<8xf32>
      %broadcast_in_dim3A_1106 = vector.shape_cast %reduce_max3A_1105 : vector<8xf32> to vector<8x1xf32>
      %get3A_1107 = arith.constant 0 : index
      %get3A_1108 = arith.constant 0 : index
      %get3A_1109 = vector.load %arg9[%get3A_1107, %get3A_1108] : memref<8x256xf32, #tpu.memory_space<vmem>>, vector<8x256xf32>
      %jit3A_1110 = arith.constant 0xFF800000 : f32
      %broadcast_in_dim3A_1111 = vector.shape_cast %eq3A_1094 : vector<1x256xi1> to vector<1x256xi1>
      %broadcast_in_dim3A_1112 = vector.broadcast %broadcast_in_dim3A_1111 : vector<1x256xi1> to vector<8x256xi1>
      %broadcast_in_dim3A_1113 = vector.broadcast %jit3A_1110 : f32 to vector<8x256xf32>
      %select_n3A_1114 = arith.select %broadcast_in_dim3A_1112, %get3A_1109, %broadcast_in_dim3A_1113 : vector<8x256xi1>, vector<8x256xf32>
      %reduce_max3A_1115 = arith.constant dense<0xFF800000> : vector<8xf32>
      %reduce_max3A_1116 = vector.multi_reduction <maximumf>, %select_n3A_1114, %reduce_max3A_1115 [1] : vector<8x256xf32> to vector<8xf32>
      %broadcast_in_dim3A_1117 = vector.shape_cast %reduce_max3A_1116 : vector<8xf32> to vector<8x1xf32>
      %max3A_1118 = arith.maximumf %broadcast_in_dim3A_1117, %broadcast_in_dim3A_1106 : vector<8x1xf32>
      %eq3A_1119 = arith.constant 0xFF800000 : f32
      %eq3A_1120 = vector.broadcast %eq3A_1119 : f32 to vector<8x1xf32>
      %eq3A_1121 = arith.cmpf oeq, %max3A_1118, %eq3A_1120 : vector<8x1xf32>
      %jit3A_1122 = arith.constant 0.000000e+00 : f32
      %broadcast_in_dim3A_1123 = vector.broadcast %jit3A_1122 : f32 to vector<8x1xf32>
      %select_n3A_1124 = arith.select %eq3A_1121, %broadcast_in_dim3A_1123, %max3A_1118 : vector<8x1xi1>, vector<8x1xf32>
      %eq3A_1125 = arith.constant 0xFF800000 : f32
      %eq3A_1126 = vector.broadcast %eq3A_1125 : f32 to vector<8x1xf32>
      %eq3A_1127 = arith.cmpf oeq, %broadcast_in_dim3A_1117, %eq3A_1126 : vector<8x1xf32>
      %sub3A_1128 = arith.subf %broadcast_in_dim3A_1117, %select_n3A_1124 : vector<8x1xf32>
      %exp3A_1129 = math.exp %sub3A_1128 : vector<8x1xf32>
      %jit3A_1130 = arith.constant 0.000000e+00 : f32
      %broadcast_in_dim3A_1131 = vector.broadcast %jit3A_1130 : f32 to vector<8x1xf32>
      %select_n3A_1132 = arith.select %eq3A_1127, %broadcast_in_dim3A_1131, %exp3A_1129 : vector<8x1xi1>, vector<8x1xf32>
      %get3A_1133 = arith.constant 0 : index
      %get3A_1134 = arith.constant 0 : index
      %get3A_1135 = vector.load %arg9[%get3A_1133, %get3A_1134] : memref<8x256xf32, #tpu.memory_space<vmem>>, vector<8x256xf32>
      %broadcast_in_dim3A_1136 = vector.shape_cast %eq3A_1094 : vector<1x256xi1> to vector<1x256xi1>
      %broadcast_in_dim3A_1137 = vector.broadcast %broadcast_in_dim3A_1136 : vector<1x256xi1> to vector<8x256xi1>
      %broadcast_in_dim3A_1138 = vector.shape_cast %max3A_1118 : vector<8x1xf32> to vector<8x1xf32>
      %broadcast_in_dim3A_1139 = vector.broadcast %broadcast_in_dim3A_1138 : vector<8x1xf32> to vector<8x256xf32>
      %select_n3A_1140 = arith.select %broadcast_in_dim3A_1137, %broadcast_in_dim3A_1139, %get3A_1135 : vector<8x256xi1>, vector<8x256xf32>
      %swap3A_1141 = arith.constant 0 : index
      %swap3A_1142 = arith.constant 0 : index
      %swap3A_1143 = vector.load %arg9[%swap3A_1141, %swap3A_1142] : memref<8x256xf32, #tpu.memory_space<vmem>>, vector<8x256xf32>
      tpu.vector_store %arg9[%swap3A_1141, %swap3A_1142], %select_n3A_1140 {strides = array<i32>} : memref<8x256xf32, #tpu.memory_space<vmem>>, vector<8x256xf32>,
      %get3A_1144 = arith.constant 0 : index
      %get3A_1145 = arith.constant 0 : index
      %get3A_1146 = vector.load %arg10[%get3A_1144, %get3A_1145] : memref<8x256xf32, #tpu.memory_space<vmem>>, vector<8x256xf32>
      %mul3A_1147 = vector.broadcast %select_n3A_1132 : vector<8x1xf32> to vector<8x256xf32>
      %mul3A_1148 = arith.mulf %get3A_1146, %mul3A_1147 : vector<8x256xf32>
      %get3A_1149 = arith.constant 0 : index
      %get3A_1150 = arith.constant 0 : index
      %get3A_1151 = vector.load %arg10[%get3A_1149, %get3A_1150] : memref<8x256xf32, #tpu.memory_space<vmem>>, vector<8x256xf32>
      %broadcast_in_dim3A_1152 = vector.shape_cast %eq3A_1094 : vector<1x256xi1> to vector<1x256xi1>
      %broadcast_in_dim3A_1153 = vector.broadcast %broadcast_in_dim3A_1152 : vector<1x256xi1> to vector<8x256xi1>
      %select_n3A_1154 = arith.select %broadcast_in_dim3A_1153, %mul3A_1148, %get3A_1151 : vector<8x256xi1>, vector<8x256xf32>
      %swap3A_1155 = arith.constant 0 : index
      %swap3A_1156 = arith.constant 0 : index
      %swap3A_1157 = vector.load %arg10[%swap3A_1155, %swap3A_1156] : memref<8x256xf32, #tpu.memory_space<vmem>>, vector<8x256xf32>
      tpu.vector_store %arg10[%swap3A_1155, %swap3A_1156], %select_n3A_1154 {strides = array<i32>} : memref<8x256xf32, #tpu.memory_space<vmem>>, vector<8x256xf32>,
      %jit3A_1158 = arith.constant 1.000000e+00 : f32
      %jit3A_1159 = arith.constant 0.000000e+00 : f32
      %broadcast_in_dim3A_1160 = vector.broadcast %jit3A_1158 : f32 to vector<1x8192xf32>
      %broadcast_in_dim3A_1161 = vector.broadcast %jit3A_1159 : f32 to vector<1x8192xf32>
      %select_n3A_1162 = arith.select %and3A_1090, %broadcast_in_dim3A_1160, %broadcast_in_dim3A_1161 : vector<1x8192xi1>, vector<1x8192xf32>
      %reduce_sum3A_1163 = vector.shape_cast %select_n3A_1162 : vector<1x8192xf32> to vector<1x1x8192xf32>
      %reduce_sum3A_1164 = arith.constant dense<0.000000e+00> : vector<1xf32>
      %reduce_sum3A_1165 = vector.multi_reduction <add>, %reduce_sum3A_1163, %reduce_sum3A_1164 [1, 2] : vector<1x1x8192xf32> to vector<1xf32>
      %reduce_sum3A_1166 = vector.shape_cast %reduce_sum3A_1165 : vector<1xf32> to vector<1x1x1xf32>
      %reduce_sum3A_1167 = vector.extract %reduce_sum3A_1166[0, 0, 0] : f32 from vector<1x1x1xf32>
      %get3A_1168 = arith.constant 0 : index
      %get3A_1169 = arith.constant 0 : index
      %get3A_1170 = vector.load %arg11[%get3A_1168, %get3A_1169] : memref<8x256xf32, #tpu.memory_space<vmem>>, vector<8x256xf32>
      %add3A_1171 = vector.broadcast %reduce_sum3A_1167 : f32 to vector<8x256xf32>
      %add3A_1172 = arith.addf %get3A_1170, %add3A_1171 : vector<8x256xf32>
      %get3A_1173 = arith.constant 0 : index
      %get3A_1174 = arith.constant 0 : index
      %get3A_1175 = vector.load %arg11[%get3A_1173, %get3A_1174] : memref<8x256xf32, #tpu.memory_space<vmem>>, vector<8x256xf32>
      %broadcast_in_dim3A_1176 = vector.shape_cast %eq3A_1094 : vector<1x256xi1> to vector<1x256xi1>
      %broadcast_in_dim3A_1177 = vector.broadcast %broadcast_in_dim3A_1176 : vector<1x256xi1> to vector<8x256xi1>
      %select_n3A_1178 = arith.select %broadcast_in_dim3A_1177, %add3A_1172, %get3A_1175 : vector<8x256xi1>, vector<8x256xf32>
      %swap3A_1179 = arith.constant 0 : index
      %swap3A_1180 = arith.constant 0 : index
      %swap3A_1181 = vector.load %arg11[%swap3A_1179, %swap3A_1180] : memref<8x256xf32, #tpu.memory_space<vmem>>, vector<8x256xf32>
      tpu.vector_store %arg11[%swap3A_1179, %swap3A_1180], %select_n3A_1178 {strides = array<i32>} : memref<8x256xf32, #tpu.memory_space<vmem>>, vector<8x256xf32>,
      %broadcast_in_dim3A_1182 = vector.shape_cast %and3A_1090 : vector<1x8192xi1> to vector<1x8192xi1>
      %broadcast_in_dim3A_1183 = vector.broadcast %broadcast_in_dim3A_1182 : vector<1x8192xi1> to vector<8x8192xi1>
      %broadcast_in_dim3A_1184 = vector.shape_cast %select_n3A_1124 : vector<8x1xf32> to vector<8x1xf32>
      %broadcast_in_dim3A_1185 = vector.broadcast %broadcast_in_dim3A_1184 : vector<8x1xf32> to vector<8x8192xf32>
      %select_n3A_1186 = arith.select %broadcast_in_dim3A_1183, %broadcast_in_dim3A_1185, %select_n3A_1085 : vector<8x8192xi1>, vector<8x8192xf32>
      %add3A_1187 = arith.constant 11 : i32
      %add3A_1188 = arith.addi %while3A_70, %add3A_1187 : i32
      %eq3A_1189 = vector.broadcast %add3A_1188 : i32 to vector<1x8192xi32>
      %eq3A_1190 = arith.cmpi eq, %get3A_5, %eq3A_1189 : vector<1x8192xi32>
      %and3A_1191 = arith.andi %eq3A_1190, %lt3A_9 : vector<1x8192xi1>
      %add3A_1192 = arith.constant 11 : i32
      %add3A_1193 = arith.addi %while3A_70, %add3A_1192 : i32
      %eq3A_1194 = vector.broadcast %add3A_1193 : i32 to vector<1x256xi32>
      %eq3A_1195 = arith.cmpi eq, %iota3A_10, %eq3A_1194 : vector<1x256xi32>
      %slice3A_1196 = vector.extract_strided_slice %dot_general3A_79 {offsets = [88, 0], sizes = [8, 8192], strides = [1, 1]} : vector<128x8192xf32> to vector<8x8192xf32>
      %broadcast_in_dim3A_1197 = vector.shape_cast %and3A_1191 : vector<1x8192xi1> to vector<1x8192xi1>
      %broadcast_in_dim3A_1198 = vector.broadcast %broadcast_in_dim3A_1197 : vector<1x8192xi1> to vector<8x8192xi1>
      %select_n3A_1199 = arith.select %broadcast_in_dim3A_1198, %slice3A_1196, %select_n3A_1098 : vector<8x8192xi1>, vector<8x8192xf32>
      %jit3A_1200 = arith.constant 0xFF800000 : f32
      %broadcast_in_dim3A_1201 = vector.shape_cast %and3A_1191 : vector<1x8192xi1> to vector<1x8192xi1>
      %broadcast_in_dim3A_1202 = vector.broadcast %broadcast_in_dim3A_1201 : vector<1x8192xi1> to vector<8x8192xi1>
      %broadcast_in_dim3A_1203 = vector.broadcast %jit3A_1200 : f32 to vector<8x8192xf32>
      %select_n3A_1204 = arith.select %broadcast_in_dim3A_1202, %slice3A_1196, %broadcast_in_dim3A_1203 : vector<8x8192xi1>, vector<8x8192xf32>
      %reduce_max3A_1205 = arith.constant dense<0xFF800000> : vector<8xf32>
      %reduce_max3A_1206 = vector.multi_reduction <maximumf>, %select_n3A_1204, %reduce_max3A_1205 [1] : vector<8x8192xf32> to vector<8xf32>
      %broadcast_in_dim3A_1207 = vector.shape_cast %reduce_max3A_1206 : vector<8xf32> to vector<8x1xf32>
      %get3A_1208 = arith.constant 0 : index
      %get3A_1209 = arith.constant 0 : index
      %get3A_1210 = vector.load %arg9[%get3A_1208, %get3A_1209] : memref<8x256xf32, #tpu.memory_space<vmem>>, vector<8x256xf32>
      %jit3A_1211 = arith.constant 0xFF800000 : f32
      %broadcast_in_dim3A_1212 = vector.shape_cast %eq3A_1195 : vector<1x256xi1> to vector<1x256xi1>
      %broadcast_in_dim3A_1213 = vector.broadcast %broadcast_in_dim3A_1212 : vector<1x256xi1> to vector<8x256xi1>
      %broadcast_in_dim3A_1214 = vector.broadcast %jit3A_1211 : f32 to vector<8x256xf32>
      %select_n3A_1215 = arith.select %broadcast_in_dim3A_1213, %get3A_1210, %broadcast_in_dim3A_1214 : vector<8x256xi1>, vector<8x256xf32>
      %reduce_max3A_1216 = arith.constant dense<0xFF800000> : vector<8xf32>
      %reduce_max3A_1217 = vector.multi_reduction <maximumf>, %select_n3A_1215, %reduce_max3A_1216 [1] : vector<8x256xf32> to vector<8xf32>
      %broadcast_in_dim3A_1218 = vector.shape_cast %reduce_max3A_1217 : vector<8xf32> to vector<8x1xf32>
      %max3A_1219 = arith.maximumf %broadcast_in_dim3A_1218, %broadcast_in_dim3A_1207 : vector<8x1xf32>
      %eq3A_1220 = arith.constant 0xFF800000 : f32
      %eq3A_1221 = vector.broadcast %eq3A_1220 : f32 to vector<8x1xf32>
      %eq3A_1222 = arith.cmpf oeq, %max3A_1219, %eq3A_1221 : vector<8x1xf32>
      %jit3A_1223 = arith.constant 0.000000e+00 : f32
      %broadcast_in_dim3A_1224 = vector.broadcast %jit3A_1223 : f32 to vector<8x1xf32>
      %select_n3A_1225 = arith.select %eq3A_1222, %broadcast_in_dim3A_1224, %max3A_1219 : vector<8x1xi1>, vector<8x1xf32>
      %eq3A_1226 = arith.constant 0xFF800000 : f32
      %eq3A_1227 = vector.broadcast %eq3A_1226 : f32 to vector<8x1xf32>
      %eq3A_1228 = arith.cmpf oeq, %broadcast_in_dim3A_1218, %eq3A_1227 : vector<8x1xf32>
      %sub3A_1229 = arith.subf %broadcast_in_dim3A_1218, %select_n3A_1225 : vector<8x1xf32>
      %exp3A_1230 = math.exp %sub3A_1229 : vector<8x1xf32>
      %jit3A_1231 = arith.constant 0.000000e+00 : f32
      %broadcast_in_dim3A_1232 = vector.broadcast %jit3A_1231 : f32 to vector<8x1xf32>
      %select_n3A_1233 = arith.select %eq3A_1228, %broadcast_in_dim3A_1232, %exp3A_1230 : vector<8x1xi1>, vector<8x1xf32>
      %get3A_1234 = arith.constant 0 : index
      %get3A_1235 = arith.constant 0 : index
      %get3A_1236 = vector.load %arg9[%get3A_1234, %get3A_1235] : memref<8x256xf32, #tpu.memory_space<vmem>>, vector<8x256xf32>
      %broadcast_in_dim3A_1237 = vector.shape_cast %eq3A_1195 : vector<1x256xi1> to vector<1x256xi1>
      %broadcast_in_dim3A_1238 = vector.broadcast %broadcast_in_dim3A_1237 : vector<1x256xi1> to vector<8x256xi1>
      %broadcast_in_dim3A_1239 = vector.shape_cast %max3A_1219 : vector<8x1xf32> to vector<8x1xf32>
      %broadcast_in_dim3A_1240 = vector.broadcast %broadcast_in_dim3A_1239 : vector<8x1xf32> to vector<8x256xf32>
      %select_n3A_1241 = arith.select %broadcast_in_dim3A_1238, %broadcast_in_dim3A_1240, %get3A_1236 : vector<8x256xi1>, vector<8x256xf32>
      %swap3A_1242 = arith.constant 0 : index
      %swap3A_1243 = arith.constant 0 : index
      %swap3A_1244 = vector.load %arg9[%swap3A_1242, %swap3A_1243] : memref<8x256xf32, #tpu.memory_space<vmem>>, vector<8x256xf32>
      tpu.vector_store %arg9[%swap3A_1242, %swap3A_1243], %select_n3A_1241 {strides = array<i32>} : memref<8x256xf32, #tpu.memory_space<vmem>>, vector<8x256xf32>,
      %get3A_1245 = arith.constant 0 : index
      %get3A_1246 = arith.constant 0 : index
      %get3A_1247 = vector.load %arg10[%get3A_1245, %get3A_1246] : memref<8x256xf32, #tpu.memory_space<vmem>>, vector<8x256xf32>
      %mul3A_1248 = vector.broadcast %select_n3A_1233 : vector<8x1xf32> to vector<8x256xf32>
      %mul3A_1249 = arith.mulf %get3A_1247, %mul3A_1248 : vector<8x256xf32>
      %get3A_1250 = arith.constant 0 : index
      %get3A_1251 = arith.constant 0 : index
      %get3A_1252 = vector.load %arg10[%get3A_1250, %get3A_1251] : memref<8x256xf32, #tpu.memory_space<vmem>>, vector<8x256xf32>
      %broadcast_in_dim3A_1253 = vector.shape_cast %eq3A_1195 : vector<1x256xi1> to vector<1x256xi1>
      %broadcast_in_dim3A_1254 = vector.broadcast %broadcast_in_dim3A_1253 : vector<1x256xi1> to vector<8x256xi1>
      %select_n3A_1255 = arith.select %broadcast_in_dim3A_1254, %mul3A_1249, %get3A_1252 : vector<8x256xi1>, vector<8x256xf32>
      %swap3A_1256 = arith.constant 0 : index
      %swap3A_1257 = arith.constant 0 : index
      %swap3A_1258 = vector.load %arg10[%swap3A_1256, %swap3A_1257] : memref<8x256xf32, #tpu.memory_space<vmem>>, vector<8x256xf32>
      tpu.vector_store %arg10[%swap3A_1256, %swap3A_1257], %select_n3A_1255 {strides = array<i32>} : memref<8x256xf32, #tpu.memory_space<vmem>>, vector<8x256xf32>,
      %jit3A_1259 = arith.constant 1.000000e+00 : f32
      %jit3A_1260 = arith.constant 0.000000e+00 : f32
      %broadcast_in_dim3A_1261 = vector.broadcast %jit3A_1259 : f32 to vector<1x8192xf32>
      %broadcast_in_dim3A_1262 = vector.broadcast %jit3A_1260 : f32 to vector<1x8192xf32>
      %select_n3A_1263 = arith.select %and3A_1191, %broadcast_in_dim3A_1261, %broadcast_in_dim3A_1262 : vector<1x8192xi1>, vector<1x8192xf32>
      %reduce_sum3A_1264 = vector.shape_cast %select_n3A_1263 : vector<1x8192xf32> to vector<1x1x8192xf32>
      %reduce_sum3A_1265 = arith.constant dense<0.000000e+00> : vector<1xf32>
      %reduce_sum3A_1266 = vector.multi_reduction <add>, %reduce_sum3A_1264, %reduce_sum3A_1265 [1, 2] : vector<1x1x8192xf32> to vector<1xf32>
      %reduce_sum3A_1267 = vector.shape_cast %reduce_sum3A_1266 : vector<1xf32> to vector<1x1x1xf32>
      %reduce_sum3A_1268 = vector.extract %reduce_sum3A_1267[0, 0, 0] : f32 from vector<1x1x1xf32>
      %get3A_1269 = arith.constant 0 : index
      %get3A_1270 = arith.constant 0 : index
      %get3A_1271 = vector.load %arg11[%get3A_1269, %get3A_1270] : memref<8x256xf32, #tpu.memory_space<vmem>>, vector<8x256xf32>
      %add3A_1272 = vector.broadcast %reduce_sum3A_1268 : f32 to vector<8x256xf32>
      %add3A_1273 = arith.addf %get3A_1271, %add3A_1272 : vector<8x256xf32>
      %get3A_1274 = arith.constant 0 : index
      %get3A_1275 = arith.constant 0 : index
      %get3A_1276 = vector.load %arg11[%get3A_1274, %get3A_1275] : memref<8x256xf32, #tpu.memory_space<vmem>>, vector<8x256xf32>
      %broadcast_in_dim3A_1277 = vector.shape_cast %eq3A_1195 : vector<1x256xi1> to vector<1x256xi1>
      %broadcast_in_dim3A_1278 = vector.broadcast %broadcast_in_dim3A_1277 : vector<1x256xi1> to vector<8x256xi1>
      %select_n3A_1279 = arith.select %broadcast_in_dim3A_1278, %add3A_1273, %get3A_1276 : vector<8x256xi1>, vector<8x256xf32>
      %swap3A_1280 = arith.constant 0 : index
      %swap3A_1281 = arith.constant 0 : index
      %swap3A_1282 = vector.load %arg11[%swap3A_1280, %swap3A_1281] : memref<8x256xf32, #tpu.memory_space<vmem>>, vector<8x256xf32>
      tpu.vector_store %arg11[%swap3A_1280, %swap3A_1281], %select_n3A_1279 {strides = array<i32>} : memref<8x256xf32, #tpu.memory_space<vmem>>, vector<8x256xf32>,
      %broadcast_in_dim3A_1283 = vector.shape_cast %and3A_1191 : vector<1x8192xi1> to vector<1x8192xi1>
      %broadcast_in_dim3A_1284 = vector.broadcast %broadcast_in_dim3A_1283 : vector<1x8192xi1> to vector<8x8192xi1>
      %broadcast_in_dim3A_1285 = vector.shape_cast %select_n3A_1225 : vector<8x1xf32> to vector<8x1xf32>
      %broadcast_in_dim3A_1286 = vector.broadcast %broadcast_in_dim3A_1285 : vector<8x1xf32> to vector<8x8192xf32>
      %select_n3A_1287 = arith.select %broadcast_in_dim3A_1284, %broadcast_in_dim3A_1286, %select_n3A_1186 : vector<8x8192xi1>, vector<8x8192xf32>
      %add3A_1288 = arith.constant 12 : i32
      %add3A_1289 = arith.addi %while3A_70, %add3A_1288 : i32
      %eq3A_1290 = vector.broadcast %add3A_1289 : i32 to vector<1x8192xi32>
      %eq3A_1291 = arith.cmpi eq, %get3A_5, %eq3A_1290 : vector<1x8192xi32>
      %and3A_1292 = arith.andi %eq3A_1291, %lt3A_9 : vector<1x8192xi1>
      %add3A_1293 = arith.constant 12 : i32
      %add3A_1294 = arith.addi %while3A_70, %add3A_1293 : i32
      %eq3A_1295 = vector.broadcast %add3A_1294 : i32 to vector<1x256xi32>
      %eq3A_1296 = arith.cmpi eq, %iota3A_10, %eq3A_1295 : vector<1x256xi32>
      %slice3A_1297 = vector.extract_strided_slice %dot_general3A_79 {offsets = [96, 0], sizes = [8, 8192], strides = [1, 1]} : vector<128x8192xf32> to vector<8x8192xf32>
      %broadcast_in_dim3A_1298 = vector.shape_cast %and3A_1292 : vector<1x8192xi1> to vector<1x8192xi1>
      %broadcast_in_dim3A_1299 = vector.broadcast %broadcast_in_dim3A_1298 : vector<1x8192xi1> to vector<8x8192xi1>
      %select_n3A_1300 = arith.select %broadcast_in_dim3A_1299, %slice3A_1297, %select_n3A_1199 : vector<8x8192xi1>, vector<8x8192xf32>
      %jit3A_1301 = arith.constant 0xFF800000 : f32
      %broadcast_in_dim3A_1302 = vector.shape_cast %and3A_1292 : vector<1x8192xi1> to vector<1x8192xi1>
      %broadcast_in_dim3A_1303 = vector.broadcast %broadcast_in_dim3A_1302 : vector<1x8192xi1> to vector<8x8192xi1>
      %broadcast_in_dim3A_1304 = vector.broadcast %jit3A_1301 : f32 to vector<8x8192xf32>
      %select_n3A_1305 = arith.select %broadcast_in_dim3A_1303, %slice3A_1297, %broadcast_in_dim3A_1304 : vector<8x8192xi1>, vector<8x8192xf32>
      %reduce_max3A_1306 = arith.constant dense<0xFF800000> : vector<8xf32>
      %reduce_max3A_1307 = vector.multi_reduction <maximumf>, %select_n3A_1305, %reduce_max3A_1306 [1] : vector<8x8192xf32> to vector<8xf32>
      %broadcast_in_dim3A_1308 = vector.shape_cast %reduce_max3A_1307 : vector<8xf32> to vector<8x1xf32>
      %get3A_1309 = arith.constant 0 : index
      %get3A_1310 = arith.constant 0 : index
      %get3A_1311 = vector.load %arg9[%get3A_1309, %get3A_1310] : memref<8x256xf32, #tpu.memory_space<vmem>>, vector<8x256xf32>
      %jit3A_1312 = arith.constant 0xFF800000 : f32
      %broadcast_in_dim3A_1313 = vector.shape_cast %eq3A_1296 : vector<1x256xi1> to vector<1x256xi1>
      %broadcast_in_dim3A_1314 = vector.broadcast %broadcast_in_dim3A_1313 : vector<1x256xi1> to vector<8x256xi1>
      %broadcast_in_dim3A_1315 = vector.broadcast %jit3A_1312 : f32 to vector<8x256xf32>
      %select_n3A_1316 = arith.select %broadcast_in_dim3A_1314, %get3A_1311, %broadcast_in_dim3A_1315 : vector<8x256xi1>, vector<8x256xf32>
      %reduce_max3A_1317 = arith.constant dense<0xFF800000> : vector<8xf32>
      %reduce_max3A_1318 = vector.multi_reduction <maximumf>, %select_n3A_1316, %reduce_max3A_1317 [1] : vector<8x256xf32> to vector<8xf32>
      %broadcast_in_dim3A_1319 = vector.shape_cast %reduce_max3A_1318 : vector<8xf32> to vector<8x1xf32>
      %max3A_1320 = arith.maximumf %broadcast_in_dim3A_1319, %broadcast_in_dim3A_1308 : vector<8x1xf32>
      %eq3A_1321 = arith.constant 0xFF800000 : f32
      %eq3A_1322 = vector.broadcast %eq3A_1321 : f32 to vector<8x1xf32>
      %eq3A_1323 = arith.cmpf oeq, %max3A_1320, %eq3A_1322 : vector<8x1xf32>
      %jit3A_1324 = arith.constant 0.000000e+00 : f32
      %broadcast_in_dim3A_1325 = vector.broadcast %jit3A_1324 : f32 to vector<8x1xf32>
      %select_n3A_1326 = arith.select %eq3A_1323, %broadcast_in_dim3A_1325, %max3A_1320 : vector<8x1xi1>, vector<8x1xf32>
      %eq3A_1327 = arith.constant 0xFF800000 : f32
      %eq3A_1328 = vector.broadcast %eq3A_1327 : f32 to vector<8x1xf32>
      %eq3A_1329 = arith.cmpf oeq, %broadcast_in_dim3A_1319, %eq3A_1328 : vector<8x1xf32>
      %sub3A_1330 = arith.subf %broadcast_in_dim3A_1319, %select_n3A_1326 : vector<8x1xf32>
      %exp3A_1331 = math.exp %sub3A_1330 : vector<8x1xf32>
      %jit3A_1332 = arith.constant 0.000000e+00 : f32
      %broadcast_in_dim3A_1333 = vector.broadcast %jit3A_1332 : f32 to vector<8x1xf32>
      %select_n3A_1334 = arith.select %eq3A_1329, %broadcast_in_dim3A_1333, %exp3A_1331 : vector<8x1xi1>, vector<8x1xf32>
      %get3A_1335 = arith.constant 0 : index
      %get3A_1336 = arith.constant 0 : index
      %get3A_1337 = vector.load %arg9[%get3A_1335, %get3A_1336] : memref<8x256xf32, #tpu.memory_space<vmem>>, vector<8x256xf32>
      %broadcast_in_dim3A_1338 = vector.shape_cast %eq3A_1296 : vector<1x256xi1> to vector<1x256xi1>
      %broadcast_in_dim3A_1339 = vector.broadcast %broadcast_in_dim3A_1338 : vector<1x256xi1> to vector<8x256xi1>
      %broadcast_in_dim3A_1340 = vector.shape_cast %max3A_1320 : vector<8x1xf32> to vector<8x1xf32>
      %broadcast_in_dim3A_1341 = vector.broadcast %broadcast_in_dim3A_1340 : vector<8x1xf32> to vector<8x256xf32>
      %select_n3A_1342 = arith.select %broadcast_in_dim3A_1339, %broadcast_in_dim3A_1341, %get3A_1337 : vector<8x256xi1>, vector<8x256xf32>
      %swap3A_1343 = arith.constant 0 : index
      %swap3A_1344 = arith.constant 0 : index
      %swap3A_1345 = vector.load %arg9[%swap3A_1343, %swap3A_1344] : memref<8x256xf32, #tpu.memory_space<vmem>>, vector<8x256xf32>
      tpu.vector_store %arg9[%swap3A_1343, %swap3A_1344], %select_n3A_1342 {strides = array<i32>} : memref<8x256xf32, #tpu.memory_space<vmem>>, vector<8x256xf32>,
      %get3A_1346 = arith.constant 0 : index
      %get3A_1347 = arith.constant 0 : index
      %get3A_1348 = vector.load %arg10[%get3A_1346, %get3A_1347] : memref<8x256xf32, #tpu.memory_space<vmem>>, vector<8x256xf32>
      %mul3A_1349 = vector.broadcast %select_n3A_1334 : vector<8x1xf32> to vector<8x256xf32>
      %mul3A_1350 = arith.mulf %get3A_1348, %mul3A_1349 : vector<8x256xf32>
      %get3A_1351 = arith.constant 0 : index
      %get3A_1352 = arith.constant 0 : index
      %get3A_1353 = vector.load %arg10[%get3A_1351, %get3A_1352] : memref<8x256xf32, #tpu.memory_space<vmem>>, vector<8x256xf32>
      %broadcast_in_dim3A_1354 = vector.shape_cast %eq3A_1296 : vector<1x256xi1> to vector<1x256xi1>
      %broadcast_in_dim3A_1355 = vector.broadcast %broadcast_in_dim3A_1354 : vector<1x256xi1> to vector<8x256xi1>
      %select_n3A_1356 = arith.select %broadcast_in_dim3A_1355, %mul3A_1350, %get3A_1353 : vector<8x256xi1>, vector<8x256xf32>
      %swap3A_1357 = arith.constant 0 : index
      %swap3A_1358 = arith.constant 0 : index
      %swap3A_1359 = vector.load %arg10[%swap3A_1357, %swap3A_1358] : memref<8x256xf32, #tpu.memory_space<vmem>>, vector<8x256xf32>
      tpu.vector_store %arg10[%swap3A_1357, %swap3A_1358], %select_n3A_1356 {strides = array<i32>} : memref<8x256xf32, #tpu.memory_space<vmem>>, vector<8x256xf32>,
      %jit3A_1360 = arith.constant 1.000000e+00 : f32
      %jit3A_1361 = arith.constant 0.000000e+00 : f32
      %broadcast_in_dim3A_1362 = vector.broadcast %jit3A_1360 : f32 to vector<1x8192xf32>
      %broadcast_in_dim3A_1363 = vector.broadcast %jit3A_1361 : f32 to vector<1x8192xf32>
      %select_n3A_1364 = arith.select %and3A_1292, %broadcast_in_dim3A_1362, %broadcast_in_dim3A_1363 : vector<1x8192xi1>, vector<1x8192xf32>
      %reduce_sum3A_1365 = vector.shape_cast %select_n3A_1364 : vector<1x8192xf32> to vector<1x1x8192xf32>
      %reduce_sum3A_1366 = arith.constant dense<0.000000e+00> : vector<1xf32>
      %reduce_sum3A_1367 = vector.multi_reduction <add>, %reduce_sum3A_1365, %reduce_sum3A_1366 [1, 2] : vector<1x1x8192xf32> to vector<1xf32>
      %reduce_sum3A_1368 = vector.shape_cast %reduce_sum3A_1367 : vector<1xf32> to vector<1x1x1xf32>
      %reduce_sum3A_1369 = vector.extract %reduce_sum3A_1368[0, 0, 0] : f32 from vector<1x1x1xf32>
      %get3A_1370 = arith.constant 0 : index
      %get3A_1371 = arith.constant 0 : index
      %get3A_1372 = vector.load %arg11[%get3A_1370, %get3A_1371] : memref<8x256xf32, #tpu.memory_space<vmem>>, vector<8x256xf32>
      %add3A_1373 = vector.broadcast %reduce_sum3A_1369 : f32 to vector<8x256xf32>
      %add3A_1374 = arith.addf %get3A_1372, %add3A_1373 : vector<8x256xf32>
      %get3A_1375 = arith.constant 0 : index
      %get3A_1376 = arith.constant 0 : index
      %get3A_1377 = vector.load %arg11[%get3A_1375, %get3A_1376] : memref<8x256xf32, #tpu.memory_space<vmem>>, vector<8x256xf32>
      %broadcast_in_dim3A_1378 = vector.shape_cast %eq3A_1296 : vector<1x256xi1> to vector<1x256xi1>
      %broadcast_in_dim3A_1379 = vector.broadcast %broadcast_in_dim3A_1378 : vector<1x256xi1> to vector<8x256xi1>
      %select_n3A_1380 = arith.select %broadcast_in_dim3A_1379, %add3A_1374, %get3A_1377 : vector<8x256xi1>, vector<8x256xf32>
      %swap3A_1381 = arith.constant 0 : index
      %swap3A_1382 = arith.constant 0 : index
      %swap3A_1383 = vector.load %arg11[%swap3A_1381, %swap3A_1382] : memref<8x256xf32, #tpu.memory_space<vmem>>, vector<8x256xf32>
      tpu.vector_store %arg11[%swap3A_1381, %swap3A_1382], %select_n3A_1380 {strides = array<i32>} : memref<8x256xf32, #tpu.memory_space<vmem>>, vector<8x256xf32>,
      %broadcast_in_dim3A_1384 = vector.shape_cast %and3A_1292 : vector<1x8192xi1> to vector<1x8192xi1>
      %broadcast_in_dim3A_1385 = vector.broadcast %broadcast_in_dim3A_1384 : vector<1x8192xi1> to vector<8x8192xi1>
      %broadcast_in_dim3A_1386 = vector.shape_cast %select_n3A_1326 : vector<8x1xf32> to vector<8x1xf32>
      %broadcast_in_dim3A_1387 = vector.broadcast %broadcast_in_dim3A_1386 : vector<8x1xf32> to vector<8x8192xf32>
      %select_n3A_1388 = arith.select %broadcast_in_dim3A_1385, %broadcast_in_dim3A_1387, %select_n3A_1287 : vector<8x8192xi1>, vector<8x8192xf32>
      %add3A_1389 = arith.constant 13 : i32
      %add3A_1390 = arith.addi %while3A_70, %add3A_1389 : i32
      %eq3A_1391 = vector.broadcast %add3A_1390 : i32 to vector<1x8192xi32>
      %eq3A_1392 = arith.cmpi eq, %get3A_5, %eq3A_1391 : vector<1x8192xi32>
      %and3A_1393 = arith.andi %eq3A_1392, %lt3A_9 : vector<1x8192xi1>
      %add3A_1394 = arith.constant 13 : i32
      %add3A_1395 = arith.addi %while3A_70, %add3A_1394 : i32
      %eq3A_1396 = vector.broadcast %add3A_1395 : i32 to vector<1x256xi32>
      %eq3A_1397 = arith.cmpi eq, %iota3A_10, %eq3A_1396 : vector<1x256xi32>
      %slice3A_1398 = vector.extract_strided_slice %dot_general3A_79 {offsets = [104, 0], sizes = [8, 8192], strides = [1, 1]} : vector<128x8192xf32> to vector<8x8192xf32>
      %broadcast_in_dim3A_1399 = vector.shape_cast %and3A_1393 : vector<1x8192xi1> to vector<1x8192xi1>
      %broadcast_in_dim3A_1400 = vector.broadcast %broadcast_in_dim3A_1399 : vector<1x8192xi1> to vector<8x8192xi1>
      %select_n3A_1401 = arith.select %broadcast_in_dim3A_1400, %slice3A_1398, %select_n3A_1300 : vector<8x8192xi1>, vector<8x8192xf32>
      %jit3A_1402 = arith.constant 0xFF800000 : f32
      %broadcast_in_dim3A_1403 = vector.shape_cast %and3A_1393 : vector<1x8192xi1> to vector<1x8192xi1>
      %broadcast_in_dim3A_1404 = vector.broadcast %broadcast_in_dim3A_1403 : vector<1x8192xi1> to vector<8x8192xi1>
      %broadcast_in_dim3A_1405 = vector.broadcast %jit3A_1402 : f32 to vector<8x8192xf32>
      %select_n3A_1406 = arith.select %broadcast_in_dim3A_1404, %slice3A_1398, %broadcast_in_dim3A_1405 : vector<8x8192xi1>, vector<8x8192xf32>
      %reduce_max3A_1407 = arith.constant dense<0xFF800000> : vector<8xf32>
      %reduce_max3A_1408 = vector.multi_reduction <maximumf>, %select_n3A_1406, %reduce_max3A_1407 [1] : vector<8x8192xf32> to vector<8xf32>
      %broadcast_in_dim3A_1409 = vector.shape_cast %reduce_max3A_1408 : vector<8xf32> to vector<8x1xf32>
      %get3A_1410 = arith.constant 0 : index
      %get3A_1411 = arith.constant 0 : index
      %get3A_1412 = vector.load %arg9[%get3A_1410, %get3A_1411] : memref<8x256xf32, #tpu.memory_space<vmem>>, vector<8x256xf32>
      %jit3A_1413 = arith.constant 0xFF800000 : f32
      %broadcast_in_dim3A_1414 = vector.shape_cast %eq3A_1397 : vector<1x256xi1> to vector<1x256xi1>
      %broadcast_in_dim3A_1415 = vector.broadcast %broadcast_in_dim3A_1414 : vector<1x256xi1> to vector<8x256xi1>
      %broadcast_in_dim3A_1416 = vector.broadcast %jit3A_1413 : f32 to vector<8x256xf32>
      %select_n3A_1417 = arith.select %broadcast_in_dim3A_1415, %get3A_1412, %broadcast_in_dim3A_1416 : vector<8x256xi1>, vector<8x256xf32>
      %reduce_max3A_1418 = arith.constant dense<0xFF800000> : vector<8xf32>
      %reduce_max3A_1419 = vector.multi_reduction <maximumf>, %select_n3A_1417, %reduce_max3A_1418 [1] : vector<8x256xf32> to vector<8xf32>
      %broadcast_in_dim3A_1420 = vector.shape_cast %reduce_max3A_1419 : vector<8xf32> to vector<8x1xf32>
      %max3A_1421 = arith.maximumf %broadcast_in_dim3A_1420, %broadcast_in_dim3A_1409 : vector<8x1xf32>
      %eq3A_1422 = arith.constant 0xFF800000 : f32
      %eq3A_1423 = vector.broadcast %eq3A_1422 : f32 to vector<8x1xf32>
      %eq3A_1424 = arith.cmpf oeq, %max3A_1421, %eq3A_1423 : vector<8x1xf32>
      %jit3A_1425 = arith.constant 0.000000e+00 : f32
      %broadcast_in_dim3A_1426 = vector.broadcast %jit3A_1425 : f32 to vector<8x1xf32>
      %select_n3A_1427 = arith.select %eq3A_1424, %broadcast_in_dim3A_1426, %max3A_1421 : vector<8x1xi1>, vector<8x1xf32>
      %eq3A_1428 = arith.constant 0xFF800000 : f32
      %eq3A_1429 = vector.broadcast %eq3A_1428 : f32 to vector<8x1xf32>
      %eq3A_1430 = arith.cmpf oeq, %broadcast_in_dim3A_1420, %eq3A_1429 : vector<8x1xf32>
      %sub3A_1431 = arith.subf %broadcast_in_dim3A_1420, %select_n3A_1427 : vector<8x1xf32>
      %exp3A_1432 = math.exp %sub3A_1431 : vector<8x1xf32>
      %jit3A_1433 = arith.constant 0.000000e+00 : f32
      %broadcast_in_dim3A_1434 = vector.broadcast %jit3A_1433 : f32 to vector<8x1xf32>
      %select_n3A_1435 = arith.select %eq3A_1430, %broadcast_in_dim3A_1434, %exp3A_1432 : vector<8x1xi1>, vector<8x1xf32>
      %get3A_1436 = arith.constant 0 : index
      %get3A_1437 = arith.constant 0 : index
      %get3A_1438 = vector.load %arg9[%get3A_1436, %get3A_1437] : memref<8x256xf32, #tpu.memory_space<vmem>>, vector<8x256xf32>
      %broadcast_in_dim3A_1439 = vector.shape_cast %eq3A_1397 : vector<1x256xi1> to vector<1x256xi1>
      %broadcast_in_dim3A_1440 = vector.broadcast %broadcast_in_dim3A_1439 : vector<1x256xi1> to vector<8x256xi1>
      %broadcast_in_dim3A_1441 = vector.shape_cast %max3A_1421 : vector<8x1xf32> to vector<8x1xf32>
      %broadcast_in_dim3A_1442 = vector.broadcast %broadcast_in_dim3A_1441 : vector<8x1xf32> to vector<8x256xf32>
      %select_n3A_1443 = arith.select %broadcast_in_dim3A_1440, %broadcast_in_dim3A_1442, %get3A_1438 : vector<8x256xi1>, vector<8x256xf32>
      %swap3A_1444 = arith.constant 0 : index
      %swap3A_1445 = arith.constant 0 : index
      %swap3A_1446 = vector.load %arg9[%swap3A_1444, %swap3A_1445] : memref<8x256xf32, #tpu.memory_space<vmem>>, vector<8x256xf32>
      tpu.vector_store %arg9[%swap3A_1444, %swap3A_1445], %select_n3A_1443 {strides = array<i32>} : memref<8x256xf32, #tpu.memory_space<vmem>>, vector<8x256xf32>,
      %get3A_1447 = arith.constant 0 : index
      %get3A_1448 = arith.constant 0 : index
      %get3A_1449 = vector.load %arg10[%get3A_1447, %get3A_1448] : memref<8x256xf32, #tpu.memory_space<vmem>>, vector<8x256xf32>
      %mul3A_1450 = vector.broadcast %select_n3A_1435 : vector<8x1xf32> to vector<8x256xf32>
      %mul3A_1451 = arith.mulf %get3A_1449, %mul3A_1450 : vector<8x256xf32>
      %get3A_1452 = arith.constant 0 : index
      %get3A_1453 = arith.constant 0 : index
      %get3A_1454 = vector.load %arg10[%get3A_1452, %get3A_1453] : memref<8x256xf32, #tpu.memory_space<vmem>>, vector<8x256xf32>
      %broadcast_in_dim3A_1455 = vector.shape_cast %eq3A_1397 : vector<1x256xi1> to vector<1x256xi1>
      %broadcast_in_dim3A_1456 = vector.broadcast %broadcast_in_dim3A_1455 : vector<1x256xi1> to vector<8x256xi1>
      %select_n3A_1457 = arith.select %broadcast_in_dim3A_1456, %mul3A_1451, %get3A_1454 : vector<8x256xi1>, vector<8x256xf32>
      %swap3A_1458 = arith.constant 0 : index
      %swap3A_1459 = arith.constant 0 : index
      %swap3A_1460 = vector.load %arg10[%swap3A_1458, %swap3A_1459] : memref<8x256xf32, #tpu.memory_space<vmem>>, vector<8x256xf32>
      tpu.vector_store %arg10[%swap3A_1458, %swap3A_1459], %select_n3A_1457 {strides = array<i32>} : memref<8x256xf32, #tpu.memory_space<vmem>>, vector<8x256xf32>,
      %jit3A_1461 = arith.constant 1.000000e+00 : f32
      %jit3A_1462 = arith.constant 0.000000e+00 : f32
      %broadcast_in_dim3A_1463 = vector.broadcast %jit3A_1461 : f32 to vector<1x8192xf32>
      %broadcast_in_dim3A_1464 = vector.broadcast %jit3A_1462 : f32 to vector<1x8192xf32>
      %select_n3A_1465 = arith.select %and3A_1393, %broadcast_in_dim3A_1463, %broadcast_in_dim3A_1464 : vector<1x8192xi1>, vector<1x8192xf32>
      %reduce_sum3A_1466 = vector.shape_cast %select_n3A_1465 : vector<1x8192xf32> to vector<1x1x8192xf32>
      %reduce_sum3A_1467 = arith.constant dense<0.000000e+00> : vector<1xf32>
      %reduce_sum3A_1468 = vector.multi_reduction <add>, %reduce_sum3A_1466, %reduce_sum3A_1467 [1, 2] : vector<1x1x8192xf32> to vector<1xf32>
      %reduce_sum3A_1469 = vector.shape_cast %reduce_sum3A_1468 : vector<1xf32> to vector<1x1x1xf32>
      %reduce_sum3A_1470 = vector.extract %reduce_sum3A_1469[0, 0, 0] : f32 from vector<1x1x1xf32>
      %get3A_1471 = arith.constant 0 : index
      %get3A_1472 = arith.constant 0 : index
      %get3A_1473 = vector.load %arg11[%get3A_1471, %get3A_1472] : memref<8x256xf32, #tpu.memory_space<vmem>>, vector<8x256xf32>
      %add3A_1474 = vector.broadcast %reduce_sum3A_1470 : f32 to vector<8x256xf32>
      %add3A_1475 = arith.addf %get3A_1473, %add3A_1474 : vector<8x256xf32>
      %get3A_1476 = arith.constant 0 : index
      %get3A_1477 = arith.constant 0 : index
      %get3A_1478 = vector.load %arg11[%get3A_1476, %get3A_1477] : memref<8x256xf32, #tpu.memory_space<vmem>>, vector<8x256xf32>
      %broadcast_in_dim3A_1479 = vector.shape_cast %eq3A_1397 : vector<1x256xi1> to vector<1x256xi1>
      %broadcast_in_dim3A_1480 = vector.broadcast %broadcast_in_dim3A_1479 : vector<1x256xi1> to vector<8x256xi1>
      %select_n3A_1481 = arith.select %broadcast_in_dim3A_1480, %add3A_1475, %get3A_1478 : vector<8x256xi1>, vector<8x256xf32>
      %swap3A_1482 = arith.constant 0 : index
      %swap3A_1483 = arith.constant 0 : index
      %swap3A_1484 = vector.load %arg11[%swap3A_1482, %swap3A_1483] : memref<8x256xf32, #tpu.memory_space<vmem>>, vector<8x256xf32>
      tpu.vector_store %arg11[%swap3A_1482, %swap3A_1483], %select_n3A_1481 {strides = array<i32>} : memref<8x256xf32, #tpu.memory_space<vmem>>, vector<8x256xf32>,
      %broadcast_in_dim3A_1485 = vector.shape_cast %and3A_1393 : vector<1x8192xi1> to vector<1x8192xi1>
      %broadcast_in_dim3A_1486 = vector.broadcast %broadcast_in_dim3A_1485 : vector<1x8192xi1> to vector<8x8192xi1>
      %broadcast_in_dim3A_1487 = vector.shape_cast %select_n3A_1427 : vector<8x1xf32> to vector<8x1xf32>
      %broadcast_in_dim3A_1488 = vector.broadcast %broadcast_in_dim3A_1487 : vector<8x1xf32> to vector<8x8192xf32>
      %select_n3A_1489 = arith.select %broadcast_in_dim3A_1486, %broadcast_in_dim3A_1488, %select_n3A_1388 : vector<8x8192xi1>, vector<8x8192xf32>
      %add3A_1490 = arith.constant 14 : i32
      %add3A_1491 = arith.addi %while3A_70, %add3A_1490 : i32
      %eq3A_1492 = vector.broadcast %add3A_1491 : i32 to vector<1x8192xi32>
      %eq3A_1493 = arith.cmpi eq, %get3A_5, %eq3A_1492 : vector<1x8192xi32>
      %and3A_1494 = arith.andi %eq3A_1493, %lt3A_9 : vector<1x8192xi1>
      %add3A_1495 = arith.constant 14 : i32
      %add3A_1496 = arith.addi %while3A_70, %add3A_1495 : i32
      %eq3A_1497 = vector.broadcast %add3A_1496 : i32 to vector<1x256xi32>
      %eq3A_1498 = arith.cmpi eq, %iota3A_10, %eq3A_1497 : vector<1x256xi32>
      %slice3A_1499 = vector.extract_strided_slice %dot_general3A_79 {offsets = [112, 0], sizes = [8, 8192], strides = [1, 1]} : vector<128x8192xf32> to vector<8x8192xf32>
      %broadcast_in_dim3A_1500 = vector.shape_cast %and3A_1494 : vector<1x8192xi1> to vector<1x8192xi1>
      %broadcast_in_dim3A_1501 = vector.broadcast %broadcast_in_dim3A_1500 : vector<1x8192xi1> to vector<8x8192xi1>
      %select_n3A_1502 = arith.select %broadcast_in_dim3A_1501, %slice3A_1499, %select_n3A_1401 : vector<8x8192xi1>, vector<8x8192xf32>
      %jit3A_1503 = arith.constant 0xFF800000 : f32
      %broadcast_in_dim3A_1504 = vector.shape_cast %and3A_1494 : vector<1x8192xi1> to vector<1x8192xi1>
      %broadcast_in_dim3A_1505 = vector.broadcast %broadcast_in_dim3A_1504 : vector<1x8192xi1> to vector<8x8192xi1>
      %broadcast_in_dim3A_1506 = vector.broadcast %jit3A_1503 : f32 to vector<8x8192xf32>
      %select_n3A_1507 = arith.select %broadcast_in_dim3A_1505, %slice3A_1499, %broadcast_in_dim3A_1506 : vector<8x8192xi1>, vector<8x8192xf32>
      %reduce_max3A_1508 = arith.constant dense<0xFF800000> : vector<8xf32>
      %reduce_max3A_1509 = vector.multi_reduction <maximumf>, %select_n3A_1507, %reduce_max3A_1508 [1] : vector<8x8192xf32> to vector<8xf32>
      %broadcast_in_dim3A_1510 = vector.shape_cast %reduce_max3A_1509 : vector<8xf32> to vector<8x1xf32>
      %get3A_1511 = arith.constant 0 : index
      %get3A_1512 = arith.constant 0 : index
      %get3A_1513 = vector.load %arg9[%get3A_1511, %get3A_1512] : memref<8x256xf32, #tpu.memory_space<vmem>>, vector<8x256xf32>
      %jit3A_1514 = arith.constant 0xFF800000 : f32
      %broadcast_in_dim3A_1515 = vector.shape_cast %eq3A_1498 : vector<1x256xi1> to vector<1x256xi1>
      %broadcast_in_dim3A_1516 = vector.broadcast %broadcast_in_dim3A_1515 : vector<1x256xi1> to vector<8x256xi1>
      %broadcast_in_dim3A_1517 = vector.broadcast %jit3A_1514 : f32 to vector<8x256xf32>
      %select_n3A_1518 = arith.select %broadcast_in_dim3A_1516, %get3A_1513, %broadcast_in_dim3A_1517 : vector<8x256xi1>, vector<8x256xf32>
      %reduce_max3A_1519 = arith.constant dense<0xFF800000> : vector<8xf32>
      %reduce_max3A_1520 = vector.multi_reduction <maximumf>, %select_n3A_1518, %reduce_max3A_1519 [1] : vector<8x256xf32> to vector<8xf32>
      %broadcast_in_dim3A_1521 = vector.shape_cast %reduce_max3A_1520 : vector<8xf32> to vector<8x1xf32>
      %max3A_1522 = arith.maximumf %broadcast_in_dim3A_1521, %broadcast_in_dim3A_1510 : vector<8x1xf32>
      %eq3A_1523 = arith.constant 0xFF800000 : f32
      %eq3A_1524 = vector.broadcast %eq3A_1523 : f32 to vector<8x1xf32>
      %eq3A_1525 = arith.cmpf oeq, %max3A_1522, %eq3A_1524 : vector<8x1xf32>
      %jit3A_1526 = arith.constant 0.000000e+00 : f32
      %broadcast_in_dim3A_1527 = vector.broadcast %jit3A_1526 : f32 to vector<8x1xf32>
      %select_n3A_1528 = arith.select %eq3A_1525, %broadcast_in_dim3A_1527, %max3A_1522 : vector<8x1xi1>, vector<8x1xf32>
      %eq3A_1529 = arith.constant 0xFF800000 : f32
      %eq3A_1530 = vector.broadcast %eq3A_1529 : f32 to vector<8x1xf32>
      %eq3A_1531 = arith.cmpf oeq, %broadcast_in_dim3A_1521, %eq3A_1530 : vector<8x1xf32>
      %sub3A_1532 = arith.subf %broadcast_in_dim3A_1521, %select_n3A_1528 : vector<8x1xf32>
      %exp3A_1533 = math.exp %sub3A_1532 : vector<8x1xf32>
      %jit3A_1534 = arith.constant 0.000000e+00 : f32
      %broadcast_in_dim3A_1535 = vector.broadcast %jit3A_1534 : f32 to vector<8x1xf32>
      %select_n3A_1536 = arith.select %eq3A_1531, %broadcast_in_dim3A_1535, %exp3A_1533 : vector<8x1xi1>, vector<8x1xf32>
      %get3A_1537 = arith.constant 0 : index
      %get3A_1538 = arith.constant 0 : index
      %get3A_1539 = vector.load %arg9[%get3A_1537, %get3A_1538] : memref<8x256xf32, #tpu.memory_space<vmem>>, vector<8x256xf32>
      %broadcast_in_dim3A_1540 = vector.shape_cast %eq3A_1498 : vector<1x256xi1> to vector<1x256xi1>
      %broadcast_in_dim3A_1541 = vector.broadcast %broadcast_in_dim3A_1540 : vector<1x256xi1> to vector<8x256xi1>
      %broadcast_in_dim3A_1542 = vector.shape_cast %max3A_1522 : vector<8x1xf32> to vector<8x1xf32>
      %broadcast_in_dim3A_1543 = vector.broadcast %broadcast_in_dim3A_1542 : vector<8x1xf32> to vector<8x256xf32>
      %select_n3A_1544 = arith.select %broadcast_in_dim3A_1541, %broadcast_in_dim3A_1543, %get3A_1539 : vector<8x256xi1>, vector<8x256xf32>
      %swap3A_1545 = arith.constant 0 : index
      %swap3A_1546 = arith.constant 0 : index
      %swap3A_1547 = vector.load %arg9[%swap3A_1545, %swap3A_1546] : memref<8x256xf32, #tpu.memory_space<vmem>>, vector<8x256xf32>
      tpu.vector_store %arg9[%swap3A_1545, %swap3A_1546], %select_n3A_1544 {strides = array<i32>} : memref<8x256xf32, #tpu.memory_space<vmem>>, vector<8x256xf32>,
      %get3A_1548 = arith.constant 0 : index
      %get3A_1549 = arith.constant 0 : index
      %get3A_1550 = vector.load %arg10[%get3A_1548, %get3A_1549] : memref<8x256xf32, #tpu.memory_space<vmem>>, vector<8x256xf32>
      %mul3A_1551 = vector.broadcast %select_n3A_1536 : vector<8x1xf32> to vector<8x256xf32>
      %mul3A_1552 = arith.mulf %get3A_1550, %mul3A_1551 : vector<8x256xf32>
      %get3A_1553 = arith.constant 0 : index
      %get3A_1554 = arith.constant 0 : index
      %get3A_1555 = vector.load %arg10[%get3A_1553, %get3A_1554] : memref<8x256xf32, #tpu.memory_space<vmem>>, vector<8x256xf32>
      %broadcast_in_dim3A_1556 = vector.shape_cast %eq3A_1498 : vector<1x256xi1> to vector<1x256xi1>
      %broadcast_in_dim3A_1557 = vector.broadcast %broadcast_in_dim3A_1556 : vector<1x256xi1> to vector<8x256xi1>
      %select_n3A_1558 = arith.select %broadcast_in_dim3A_1557, %mul3A_1552, %get3A_1555 : vector<8x256xi1>, vector<8x256xf32>
      %swap3A_1559 = arith.constant 0 : index
      %swap3A_1560 = arith.constant 0 : index
      %swap3A_1561 = vector.load %arg10[%swap3A_1559, %swap3A_1560] : memref<8x256xf32, #tpu.memory_space<vmem>>, vector<8x256xf32>
      tpu.vector_store %arg10[%swap3A_1559, %swap3A_1560], %select_n3A_1558 {strides = array<i32>} : memref<8x256xf32, #tpu.memory_space<vmem>>, vector<8x256xf32>,
      %jit3A_1562 = arith.constant 1.000000e+00 : f32
      %jit3A_1563 = arith.constant 0.000000e+00 : f32
      %broadcast_in_dim3A_1564 = vector.broadcast %jit3A_1562 : f32 to vector<1x8192xf32>
      %broadcast_in_dim3A_1565 = vector.broadcast %jit3A_1563 : f32 to vector<1x8192xf32>
      %select_n3A_1566 = arith.select %and3A_1494, %broadcast_in_dim3A_1564, %broadcast_in_dim3A_1565 : vector<1x8192xi1>, vector<1x8192xf32>
      %reduce_sum3A_1567 = vector.shape_cast %select_n3A_1566 : vector<1x8192xf32> to vector<1x1x8192xf32>
      %reduce_sum3A_1568 = arith.constant dense<0.000000e+00> : vector<1xf32>
      %reduce_sum3A_1569 = vector.multi_reduction <add>, %reduce_sum3A_1567, %reduce_sum3A_1568 [1, 2] : vector<1x1x8192xf32> to vector<1xf32>
      %reduce_sum3A_1570 = vector.shape_cast %reduce_sum3A_1569 : vector<1xf32> to vector<1x1x1xf32>
      %reduce_sum3A_1571 = vector.extract %reduce_sum3A_1570[0, 0, 0] : f32 from vector<1x1x1xf32>
      %get3A_1572 = arith.constant 0 : index
      %get3A_1573 = arith.constant 0 : index
      %get3A_1574 = vector.load %arg11[%get3A_1572, %get3A_1573] : memref<8x256xf32, #tpu.memory_space<vmem>>, vector<8x256xf32>
      %add3A_1575 = vector.broadcast %reduce_sum3A_1571 : f32 to vector<8x256xf32>
      %add3A_1576 = arith.addf %get3A_1574, %add3A_1575 : vector<8x256xf32>
      %get3A_1577 = arith.constant 0 : index
      %get3A_1578 = arith.constant 0 : index
      %get3A_1579 = vector.load %arg11[%get3A_1577, %get3A_1578] : memref<8x256xf32, #tpu.memory_space<vmem>>, vector<8x256xf32>
      %broadcast_in_dim3A_1580 = vector.shape_cast %eq3A_1498 : vector<1x256xi1> to vector<1x256xi1>
      %broadcast_in_dim3A_1581 = vector.broadcast %broadcast_in_dim3A_1580 : vector<1x256xi1> to vector<8x256xi1>
      %select_n3A_1582 = arith.select %broadcast_in_dim3A_1581, %add3A_1576, %get3A_1579 : vector<8x256xi1>, vector<8x256xf32>
      %swap3A_1583 = arith.constant 0 : index
      %swap3A_1584 = arith.constant 0 : index
      %swap3A_1585 = vector.load %arg11[%swap3A_1583, %swap3A_1584] : memref<8x256xf32, #tpu.memory_space<vmem>>, vector<8x256xf32>
      tpu.vector_store %arg11[%swap3A_1583, %swap3A_1584], %select_n3A_1582 {strides = array<i32>} : memref<8x256xf32, #tpu.memory_space<vmem>>, vector<8x256xf32>,
      %broadcast_in_dim3A_1586 = vector.shape_cast %and3A_1494 : vector<1x8192xi1> to vector<1x8192xi1>
      %broadcast_in_dim3A_1587 = vector.broadcast %broadcast_in_dim3A_1586 : vector<1x8192xi1> to vector<8x8192xi1>
      %broadcast_in_dim3A_1588 = vector.shape_cast %select_n3A_1528 : vector<8x1xf32> to vector<8x1xf32>
      %broadcast_in_dim3A_1589 = vector.broadcast %broadcast_in_dim3A_1588 : vector<8x1xf32> to vector<8x8192xf32>
      %select_n3A_1590 = arith.select %broadcast_in_dim3A_1587, %broadcast_in_dim3A_1589, %select_n3A_1489 : vector<8x8192xi1>, vector<8x8192xf32>
      %add3A_1591 = arith.constant 15 : i32
      %add3A_1592 = arith.addi %while3A_70, %add3A_1591 : i32
      %eq3A_1593 = vector.broadcast %add3A_1592 : i32 to vector<1x8192xi32>
      %eq3A_1594 = arith.cmpi eq, %get3A_5, %eq3A_1593 : vector<1x8192xi32>
      %and3A_1595 = arith.andi %eq3A_1594, %lt3A_9 : vector<1x8192xi1>
      %add3A_1596 = arith.constant 15 : i32
      %add3A_1597 = arith.addi %while3A_70, %add3A_1596 : i32
      %eq3A_1598 = vector.broadcast %add3A_1597 : i32 to vector<1x256xi32>
      %eq3A_1599 = arith.cmpi eq, %iota3A_10, %eq3A_1598 : vector<1x256xi32>
      %slice3A_1600 = vector.extract_strided_slice %dot_general3A_79 {offsets = [120, 0], sizes = [8, 8192], strides = [1, 1]} : vector<128x8192xf32> to vector<8x8192xf32>
      %broadcast_in_dim3A_1601 = vector.shape_cast %and3A_1595 : vector<1x8192xi1> to vector<1x8192xi1>
      %broadcast_in_dim3A_1602 = vector.broadcast %broadcast_in_dim3A_1601 : vector<1x8192xi1> to vector<8x8192xi1>
      %select_n3A_1603 = arith.select %broadcast_in_dim3A_1602, %slice3A_1600, %select_n3A_1502 : vector<8x8192xi1>, vector<8x8192xf32>
      %jit3A_1604 = arith.constant 0xFF800000 : f32
      %broadcast_in_dim3A_1605 = vector.shape_cast %and3A_1595 : vector<1x8192xi1> to vector<1x8192xi1>
      %broadcast_in_dim3A_1606 = vector.broadcast %broadcast_in_dim3A_1605 : vector<1x8192xi1> to vector<8x8192xi1>
      %broadcast_in_dim3A_1607 = vector.broadcast %jit3A_1604 : f32 to vector<8x8192xf32>
      %select_n3A_1608 = arith.select %broadcast_in_dim3A_1606, %slice3A_1600, %broadcast_in_dim3A_1607 : vector<8x8192xi1>, vector<8x8192xf32>
      %reduce_max3A_1609 = arith.constant dense<0xFF800000> : vector<8xf32>
      %reduce_max3A_1610 = vector.multi_reduction <maximumf>, %select_n3A_1608, %reduce_max3A_1609 [1] : vector<8x8192xf32> to vector<8xf32>
      %broadcast_in_dim3A_1611 = vector.shape_cast %reduce_max3A_1610 : vector<8xf32> to vector<8x1xf32>
      %get3A_1612 = arith.constant 0 : index
      %get3A_1613 = arith.constant 0 : index
      %get3A_1614 = vector.load %arg9[%get3A_1612, %get3A_1613] : memref<8x256xf32, #tpu.memory_space<vmem>>, vector<8x256xf32>
      %jit3A_1615 = arith.constant 0xFF800000 : f32
      %broadcast_in_dim3A_1616 = vector.shape_cast %eq3A_1599 : vector<1x256xi1> to vector<1x256xi1>
      %broadcast_in_dim3A_1617 = vector.broadcast %broadcast_in_dim3A_1616 : vector<1x256xi1> to vector<8x256xi1>
      %broadcast_in_dim3A_1618 = vector.broadcast %jit3A_1615 : f32 to vector<8x256xf32>
      %select_n3A_1619 = arith.select %broadcast_in_dim3A_1617, %get3A_1614, %broadcast_in_dim3A_1618 : vector<8x256xi1>, vector<8x256xf32>
      %reduce_max3A_1620 = arith.constant dense<0xFF800000> : vector<8xf32>
      %reduce_max3A_1621 = vector.multi_reduction <maximumf>, %select_n3A_1619, %reduce_max3A_1620 [1] : vector<8x256xf32> to vector<8xf32>
      %broadcast_in_dim3A_1622 = vector.shape_cast %reduce_max3A_1621 : vector<8xf32> to vector<8x1xf32>
      %max3A_1623 = arith.maximumf %broadcast_in_dim3A_1622, %broadcast_in_dim3A_1611 : vector<8x1xf32>
      %eq3A_1624 = arith.constant 0xFF800000 : f32
      %eq3A_1625 = vector.broadcast %eq3A_1624 : f32 to vector<8x1xf32>
      %eq3A_1626 = arith.cmpf oeq, %max3A_1623, %eq3A_1625 : vector<8x1xf32>
      %jit3A_1627 = arith.constant 0.000000e+00 : f32
      %broadcast_in_dim3A_1628 = vector.broadcast %jit3A_1627 : f32 to vector<8x1xf32>
      %select_n3A_1629 = arith.select %eq3A_1626, %broadcast_in_dim3A_1628, %max3A_1623 : vector<8x1xi1>, vector<8x1xf32>
      %eq3A_1630 = arith.constant 0xFF800000 : f32
      %eq3A_1631 = vector.broadcast %eq3A_1630 : f32 to vector<8x1xf32>
      %eq3A_1632 = arith.cmpf oeq, %broadcast_in_dim3A_1622, %eq3A_1631 : vector<8x1xf32>
      %sub3A_1633 = arith.subf %broadcast_in_dim3A_1622, %select_n3A_1629 : vector<8x1xf32>
      %exp3A_1634 = math.exp %sub3A_1633 : vector<8x1xf32>
      %jit3A_1635 = arith.constant 0.000000e+00 : f32
      %broadcast_in_dim3A_1636 = vector.broadcast %jit3A_1635 : f32 to vector<8x1xf32>
      %select_n3A_1637 = arith.select %eq3A_1632, %broadcast_in_dim3A_1636, %exp3A_1634 : vector<8x1xi1>, vector<8x1xf32>
      %get3A_1638 = arith.constant 0 : index
      %get3A_1639 = arith.constant 0 : index
      %get3A_1640 = vector.load %arg9[%get3A_1638, %get3A_1639] : memref<8x256xf32, #tpu.memory_space<vmem>>, vector<8x256xf32>
      %broadcast_in_dim3A_1641 = vector.shape_cast %eq3A_1599 : vector<1x256xi1> to vector<1x256xi1>
      %broadcast_in_dim3A_1642 = vector.broadcast %broadcast_in_dim3A_1641 : vector<1x256xi1> to vector<8x256xi1>
      %broadcast_in_dim3A_1643 = vector.shape_cast %max3A_1623 : vector<8x1xf32> to vector<8x1xf32>
      %broadcast_in_dim3A_1644 = vector.broadcast %broadcast_in_dim3A_1643 : vector<8x1xf32> to vector<8x256xf32>
      %select_n3A_1645 = arith.select %broadcast_in_dim3A_1642, %broadcast_in_dim3A_1644, %get3A_1640 : vector<8x256xi1>, vector<8x256xf32>
      %swap3A_1646 = arith.constant 0 : index
      %swap3A_1647 = arith.constant 0 : index
      %swap3A_1648 = vector.load %arg9[%swap3A_1646, %swap3A_1647] : memref<8x256xf32, #tpu.memory_space<vmem>>, vector<8x256xf32>
      tpu.vector_store %arg9[%swap3A_1646, %swap3A_1647], %select_n3A_1645 {strides = array<i32>} : memref<8x256xf32, #tpu.memory_space<vmem>>, vector<8x256xf32>,
      %get3A_1649 = arith.constant 0 : index
      %get3A_1650 = arith.constant 0 : index
      %get3A_1651 = vector.load %arg10[%get3A_1649, %get3A_1650] : memref<8x256xf32, #tpu.memory_space<vmem>>, vector<8x256xf32>
      %mul3A_1652 = vector.broadcast %select_n3A_1637 : vector<8x1xf32> to vector<8x256xf32>
      %mul3A_1653 = arith.mulf %get3A_1651, %mul3A_1652 : vector<8x256xf32>
      %get3A_1654 = arith.constant 0 : index
      %get3A_1655 = arith.constant 0 : index
      %get3A_1656 = vector.load %arg10[%get3A_1654, %get3A_1655] : memref<8x256xf32, #tpu.memory_space<vmem>>, vector<8x256xf32>
      %broadcast_in_dim3A_1657 = vector.shape_cast %eq3A_1599 : vector<1x256xi1> to vector<1x256xi1>
      %broadcast_in_dim3A_1658 = vector.broadcast %broadcast_in_dim3A_1657 : vector<1x256xi1> to vector<8x256xi1>
      %select_n3A_1659 = arith.select %broadcast_in_dim3A_1658, %mul3A_1653, %get3A_1656 : vector<8x256xi1>, vector<8x256xf32>
      %swap3A_1660 = arith.constant 0 : index
      %swap3A_1661 = arith.constant 0 : index
      %swap3A_1662 = vector.load %arg10[%swap3A_1660, %swap3A_1661] : memref<8x256xf32, #tpu.memory_space<vmem>>, vector<8x256xf32>
      tpu.vector_store %arg10[%swap3A_1660, %swap3A_1661], %select_n3A_1659 {strides = array<i32>} : memref<8x256xf32, #tpu.memory_space<vmem>>, vector<8x256xf32>,
      %jit3A_1663 = arith.constant 1.000000e+00 : f32
      %jit3A_1664 = arith.constant 0.000000e+00 : f32
      %broadcast_in_dim3A_1665 = vector.broadcast %jit3A_1663 : f32 to vector<1x8192xf32>
      %broadcast_in_dim3A_1666 = vector.broadcast %jit3A_1664 : f32 to vector<1x8192xf32>
      %select_n3A_1667 = arith.select %and3A_1595, %broadcast_in_dim3A_1665, %broadcast_in_dim3A_1666 : vector<1x8192xi1>, vector<1x8192xf32>
      %reduce_sum3A_1668 = vector.shape_cast %select_n3A_1667 : vector<1x8192xf32> to vector<1x1x8192xf32>
      %reduce_sum3A_1669 = arith.constant dense<0.000000e+00> : vector<1xf32>
      %reduce_sum3A_1670 = vector.multi_reduction <add>, %reduce_sum3A_1668, %reduce_sum3A_1669 [1, 2] : vector<1x1x8192xf32> to vector<1xf32>
      %reduce_sum3A_1671 = vector.shape_cast %reduce_sum3A_1670 : vector<1xf32> to vector<1x1x1xf32>
      %reduce_sum3A_1672 = vector.extract %reduce_sum3A_1671[0, 0, 0] : f32 from vector<1x1x1xf32>
      %get3A_1673 = arith.constant 0 : index
      %get3A_1674 = arith.constant 0 : index
      %get3A_1675 = vector.load %arg11[%get3A_1673, %get3A_1674] : memref<8x256xf32, #tpu.memory_space<vmem>>, vector<8x256xf32>
      %add3A_1676 = vector.broadcast %reduce_sum3A_1672 : f32 to vector<8x256xf32>
      %add3A_1677 = arith.addf %get3A_1675, %add3A_1676 : vector<8x256xf32>
      %get3A_1678 = arith.constant 0 : index
      %get3A_1679 = arith.constant 0 : index
      %get3A_1680 = vector.load %arg11[%get3A_1678, %get3A_1679] : memref<8x256xf32, #tpu.memory_space<vmem>>, vector<8x256xf32>
      %broadcast_in_dim3A_1681 = vector.shape_cast %eq3A_1599 : vector<1x256xi1> to vector<1x256xi1>
      %broadcast_in_dim3A_1682 = vector.broadcast %broadcast_in_dim3A_1681 : vector<1x256xi1> to vector<8x256xi1>
      %select_n3A_1683 = arith.select %broadcast_in_dim3A_1682, %add3A_1677, %get3A_1680 : vector<8x256xi1>, vector<8x256xf32>
      %swap3A_1684 = arith.constant 0 : index
      %swap3A_1685 = arith.constant 0 : index
      %swap3A_1686 = vector.load %arg11[%swap3A_1684, %swap3A_1685] : memref<8x256xf32, #tpu.memory_space<vmem>>, vector<8x256xf32>
      tpu.vector_store %arg11[%swap3A_1684, %swap3A_1685], %select_n3A_1683 {strides = array<i32>} : memref<8x256xf32, #tpu.memory_space<vmem>>, vector<8x256xf32>,
      %broadcast_in_dim3A_1687 = vector.shape_cast %and3A_1595 : vector<1x8192xi1> to vector<1x8192xi1>
      %broadcast_in_dim3A_1688 = vector.broadcast %broadcast_in_dim3A_1687 : vector<1x8192xi1> to vector<8x8192xi1>
      %broadcast_in_dim3A_1689 = vector.shape_cast %select_n3A_1629 : vector<8x1xf32> to vector<8x1xf32>
      %broadcast_in_dim3A_1690 = vector.broadcast %broadcast_in_dim3A_1689 : vector<8x1xf32> to vector<8x8192xf32>
      %select_n3A_1691 = arith.select %broadcast_in_dim3A_1688, %broadcast_in_dim3A_1690, %select_n3A_1590 : vector<8x8192xi1>, vector<8x8192xf32>
      %add3A_1692 = vector.broadcast %while3A_70 : i32 to vector<16x1xi32>
      %add3A_1693 = arith.addi %iota3A_11, %add3A_1692 : vector<16x1xi32>
      %eq3A_1694 = vector.broadcast %add3A_1693 : vector<16x1xi32> to vector<16x8192xi32>
      %eq3A_1695 = vector.broadcast %get3A_5 : vector<1x8192xi32> to vector<16x8192xi32>
      %eq3A_1696 = arith.cmpi eq, %eq3A_1694, %eq3A_1695 : vector<16x8192xi32>
      %and3A_1697 = vector.broadcast %lt3A_9 : vector<1x8192xi1> to vector<16x8192xi1>
      %and3A_1698 = arith.andi %eq3A_1696, %and3A_1697 : vector<16x8192xi1>
      %jit3A_1699 = arith.constant 1.000000e+00 : f32
      %jit3A_1700 = arith.constant 0.000000e+00 : f32
      %broadcast_in_dim3A_1701 = vector.broadcast %jit3A_1699 : f32 to vector<16x8192xf32>
      %broadcast_in_dim3A_1702 = vector.broadcast %jit3A_1700 : f32 to vector<16x8192xf32>
      %select_n3A_1703 = arith.select %and3A_1698, %broadcast_in_dim3A_1701, %broadcast_in_dim3A_1702 : vector<16x8192xi1>, vector<16x8192xf32>
      %sub3A_1704 = arith.subf %select_n3A_1603, %select_n3A_1691 : vector<8x8192xf32>
      %exp3A_1705 = math.exp %sub3A_1704 : vector<8x8192xf32>
      %dot_general3A_1706 = arith.constant dense<0.000000e+00> : vector<8x16xf32>
      %dot_general3A_1707 = tpu.matmul %exp3A_1705, %select_n3A_1703, %dot_general3A_1706 {dimension_numbers = #tpu.dot_dimension_numbers<[1], [1], [0], [0], [0, 0, 1, 0], [], []>, transpose_lhs_hint = false} : vector<8x8192xf32>, vector<16x8192xf32>, vector<8x16xf32> -> vector<8x16xf32>
      %add3A_1708 = arith.constant 0 : i32
      %add3A_1709 = arith.addi %while3A_70, %add3A_1708 : i32
      %eq3A_1710 = vector.broadcast %add3A_1709 : i32 to vector<1x256xi32>
      %eq3A_1711 = arith.cmpi eq, %iota3A_10, %eq3A_1710 : vector<1x256xi32>
      %get3A_1712 = arith.constant 0 : index
      %get3A_1713 = arith.constant 0 : index
      %get3A_1714 = vector.load %arg10[%get3A_1712, %get3A_1713] : memref<8x256xf32, #tpu.memory_space<vmem>>, vector<8x256xf32>
      %slice3A_1715 = vector.extract_strided_slice %dot_general3A_1707 {offsets = [0, 0], sizes = [8, 1], strides = [1, 1]} : vector<8x16xf32> to vector<8x1xf32>
      %add3A_1716 = vector.broadcast %slice3A_1715 : vector<8x1xf32> to vector<8x256xf32>
      %add3A_1717 = arith.addf %get3A_1714, %add3A_1716 : vector<8x256xf32>
      %get3A_1718 = arith.constant 0 : index
      %get3A_1719 = arith.constant 0 : index
      %get3A_1720 = vector.load %arg10[%get3A_1718, %get3A_1719] : memref<8x256xf32, #tpu.memory_space<vmem>>, vector<8x256xf32>
      %broadcast_in_dim3A_1721 = vector.shape_cast %eq3A_1711 : vector<1x256xi1> to vector<1x256xi1>
      %broadcast_in_dim3A_1722 = vector.broadcast %broadcast_in_dim3A_1721 : vector<1x256xi1> to vector<8x256xi1>
      %select_n3A_1723 = arith.select %broadcast_in_dim3A_1722, %add3A_1717, %get3A_1720 : vector<8x256xi1>, vector<8x256xf32>
      %swap3A_1724 = arith.constant 0 : index
      %swap3A_1725 = arith.constant 0 : index
      %swap3A_1726 = vector.load %arg10[%swap3A_1724, %swap3A_1725] : memref<8x256xf32, #tpu.memory_space<vmem>>, vector<8x256xf32>
      tpu.vector_store %arg10[%swap3A_1724, %swap3A_1725], %select_n3A_1723 {strides = array<i32>} : memref<8x256xf32, #tpu.memory_space<vmem>>, vector<8x256xf32>,
      %add3A_1727 = arith.constant 1 : i32
      %add3A_1728 = arith.addi %while3A_70, %add3A_1727 : i32
      %eq3A_1729 = vector.broadcast %add3A_1728 : i32 to vector<1x256xi32>
      %eq3A_1730 = arith.cmpi eq, %iota3A_10, %eq3A_1729 : vector<1x256xi32>
      %get3A_1731 = arith.constant 0 : index
      %get3A_1732 = arith.constant 0 : index
      %get3A_1733 = vector.load %arg10[%get3A_1731, %get3A_1732] : memref<8x256xf32, #tpu.memory_space<vmem>>, vector<8x256xf32>
      %slice3A_1734 = vector.extract_strided_slice %dot_general3A_1707 {offsets = [0, 1], sizes = [8, 1], strides = [1, 1]} : vector<8x16xf32> to vector<8x1xf32>
      %add3A_1735 = vector.broadcast %slice3A_1734 : vector<8x1xf32> to vector<8x256xf32>
      %add3A_1736 = arith.addf %get3A_1733, %add3A_1735 : vector<8x256xf32>
      %get3A_1737 = arith.constant 0 : index
      %get3A_1738 = arith.constant 0 : index
      %get3A_1739 = vector.load %arg10[%get3A_1737, %get3A_1738] : memref<8x256xf32, #tpu.memory_space<vmem>>, vector<8x256xf32>
      %broadcast_in_dim3A_1740 = vector.shape_cast %eq3A_1730 : vector<1x256xi1> to vector<1x256xi1>
      %broadcast_in_dim3A_1741 = vector.broadcast %broadcast_in_dim3A_1740 : vector<1x256xi1> to vector<8x256xi1>
      %select_n3A_1742 = arith.select %broadcast_in_dim3A_1741, %add3A_1736, %get3A_1739 : vector<8x256xi1>, vector<8x256xf32>
      %swap3A_1743 = arith.constant 0 : index
      %swap3A_1744 = arith.constant 0 : index
      %swap3A_1745 = vector.load %arg10[%swap3A_1743, %swap3A_1744] : memref<8x256xf32, #tpu.memory_space<vmem>>, vector<8x256xf32>
      tpu.vector_store %arg10[%swap3A_1743, %swap3A_1744], %select_n3A_1742 {strides = array<i32>} : memref<8x256xf32, #tpu.memory_space<vmem>>, vector<8x256xf32>,
      %add3A_1746 = arith.constant 2 : i32
      %add3A_1747 = arith.addi %while3A_70, %add3A_1746 : i32
      %eq3A_1748 = vector.broadcast %add3A_1747 : i32 to vector<1x256xi32>
      %eq3A_1749 = arith.cmpi eq, %iota3A_10, %eq3A_1748 : vector<1x256xi32>
      %get3A_1750 = arith.constant 0 : index
      %get3A_1751 = arith.constant 0 : index
      %get3A_1752 = vector.load %arg10[%get3A_1750, %get3A_1751] : memref<8x256xf32, #tpu.memory_space<vmem>>, vector<8x256xf32>
      %slice3A_1753 = vector.extract_strided_slice %dot_general3A_1707 {offsets = [0, 2], sizes = [8, 1], strides = [1, 1]} : vector<8x16xf32> to vector<8x1xf32>
      %add3A_1754 = vector.broadcast %slice3A_1753 : vector<8x1xf32> to vector<8x256xf32>
      %add3A_1755 = arith.addf %get3A_1752, %add3A_1754 : vector<8x256xf32>
      %get3A_1756 = arith.constant 0 : index
      %get3A_1757 = arith.constant 0 : index
      %get3A_1758 = vector.load %arg10[%get3A_1756, %get3A_1757] : memref<8x256xf32, #tpu.memory_space<vmem>>, vector<8x256xf32>
      %broadcast_in_dim3A_1759 = vector.shape_cast %eq3A_1749 : vector<1x256xi1> to vector<1x256xi1>
      %broadcast_in_dim3A_1760 = vector.broadcast %broadcast_in_dim3A_1759 : vector<1x256xi1> to vector<8x256xi1>
      %select_n3A_1761 = arith.select %broadcast_in_dim3A_1760, %add3A_1755, %get3A_1758 : vector<8x256xi1>, vector<8x256xf32>
      %swap3A_1762 = arith.constant 0 : index
      %swap3A_1763 = arith.constant 0 : index
      %swap3A_1764 = vector.load %arg10[%swap3A_1762, %swap3A_1763] : memref<8x256xf32, #tpu.memory_space<vmem>>, vector<8x256xf32>
      tpu.vector_store %arg10[%swap3A_1762, %swap3A_1763], %select_n3A_1761 {strides = array<i32>} : memref<8x256xf32, #tpu.memory_space<vmem>>, vector<8x256xf32>,
      %add3A_1765 = arith.constant 3 : i32
      %add3A_1766 = arith.addi %while3A_70, %add3A_1765 : i32
      %eq3A_1767 = vector.broadcast %add3A_1766 : i32 to vector<1x256xi32>
      %eq3A_1768 = arith.cmpi eq, %iota3A_10, %eq3A_1767 : vector<1x256xi32>
      %get3A_1769 = arith.constant 0 : index
      %get3A_1770 = arith.constant 0 : index
      %get3A_1771 = vector.load %arg10[%get3A_1769, %get3A_1770] : memref<8x256xf32, #tpu.memory_space<vmem>>, vector<8x256xf32>
      %slice3A_1772 = vector.extract_strided_slice %dot_general3A_1707 {offsets = [0, 3], sizes = [8, 1], strides = [1, 1]} : vector<8x16xf32> to vector<8x1xf32>
      %add3A_1773 = vector.broadcast %slice3A_1772 : vector<8x1xf32> to vector<8x256xf32>
      %add3A_1774 = arith.addf %get3A_1771, %add3A_1773 : vector<8x256xf32>
      %get3A_1775 = arith.constant 0 : index
      %get3A_1776 = arith.constant 0 : index
      %get3A_1777 = vector.load %arg10[%get3A_1775, %get3A_1776] : memref<8x256xf32, #tpu.memory_space<vmem>>, vector<8x256xf32>
      %broadcast_in_dim3A_1778 = vector.shape_cast %eq3A_1768 : vector<1x256xi1> to vector<1x256xi1>
      %broadcast_in_dim3A_1779 = vector.broadcast %broadcast_in_dim3A_1778 : vector<1x256xi1> to vector<8x256xi1>
      %select_n3A_1780 = arith.select %broadcast_in_dim3A_1779, %add3A_1774, %get3A_1777 : vector<8x256xi1>, vector<8x256xf32>
      %swap3A_1781 = arith.constant 0 : index
      %swap3A_1782 = arith.constant 0 : index
      %swap3A_1783 = vector.load %arg10[%swap3A_1781, %swap3A_1782] : memref<8x256xf32, #tpu.memory_space<vmem>>, vector<8x256xf32>
      tpu.vector_store %arg10[%swap3A_1781, %swap3A_1782], %select_n3A_1780 {strides = array<i32>} : memref<8x256xf32, #tpu.memory_space<vmem>>, vector<8x256xf32>,
      %add3A_1784 = arith.constant 4 : i32
      %add3A_1785 = arith.addi %while3A_70, %add3A_1784 : i32
      %eq3A_1786 = vector.broadcast %add3A_1785 : i32 to vector<1x256xi32>
      %eq3A_1787 = arith.cmpi eq, %iota3A_10, %eq3A_1786 : vector<1x256xi32>
      %get3A_1788 = arith.constant 0 : index
      %get3A_1789 = arith.constant 0 : index
      %get3A_1790 = vector.load %arg10[%get3A_1788, %get3A_1789] : memref<8x256xf32, #tpu.memory_space<vmem>>, vector<8x256xf32>
      %slice3A_1791 = vector.extract_strided_slice %dot_general3A_1707 {offsets = [0, 4], sizes = [8, 1], strides = [1, 1]} : vector<8x16xf32> to vector<8x1xf32>
      %add3A_1792 = vector.broadcast %slice3A_1791 : vector<8x1xf32> to vector<8x256xf32>
      %add3A_1793 = arith.addf %get3A_1790, %add3A_1792 : vector<8x256xf32>
      %get3A_1794 = arith.constant 0 : index
      %get3A_1795 = arith.constant 0 : index
      %get3A_1796 = vector.load %arg10[%get3A_1794, %get3A_1795] : memref<8x256xf32, #tpu.memory_space<vmem>>, vector<8x256xf32>
      %broadcast_in_dim3A_1797 = vector.shape_cast %eq3A_1787 : vector<1x256xi1> to vector<1x256xi1>
      %broadcast_in_dim3A_1798 = vector.broadcast %broadcast_in_dim3A_1797 : vector<1x256xi1> to vector<8x256xi1>
      %select_n3A_1799 = arith.select %broadcast_in_dim3A_1798, %add3A_1793, %get3A_1796 : vector<8x256xi1>, vector<8x256xf32>
      %swap3A_1800 = arith.constant 0 : index
      %swap3A_1801 = arith.constant 0 : index
      %swap3A_1802 = vector.load %arg10[%swap3A_1800, %swap3A_1801] : memref<8x256xf32, #tpu.memory_space<vmem>>, vector<8x256xf32>
      tpu.vector_store %arg10[%swap3A_1800, %swap3A_1801], %select_n3A_1799 {strides = array<i32>} : memref<8x256xf32, #tpu.memory_space<vmem>>, vector<8x256xf32>,
      %add3A_1803 = arith.constant 5 : i32
      %add3A_1804 = arith.addi %while3A_70, %add3A_1803 : i32
      %eq3A_1805 = vector.broadcast %add3A_1804 : i32 to vector<1x256xi32>
      %eq3A_1806 = arith.cmpi eq, %iota3A_10, %eq3A_1805 : vector<1x256xi32>
      %get3A_1807 = arith.constant 0 : index
      %get3A_1808 = arith.constant 0 : index
      %get3A_1809 = vector.load %arg10[%get3A_1807, %get3A_1808] : memref<8x256xf32, #tpu.memory_space<vmem>>, vector<8x256xf32>
      %slice3A_1810 = vector.extract_strided_slice %dot_general3A_1707 {offsets = [0, 5], sizes = [8, 1], strides = [1, 1]} : vector<8x16xf32> to vector<8x1xf32>
      %add3A_1811 = vector.broadcast %slice3A_1810 : vector<8x1xf32> to vector<8x256xf32>
      %add3A_1812 = arith.addf %get3A_1809, %add3A_1811 : vector<8x256xf32>
      %get3A_1813 = arith.constant 0 : index
      %get3A_1814 = arith.constant 0 : index
      %get3A_1815 = vector.load %arg10[%get3A_1813, %get3A_1814] : memref<8x256xf32, #tpu.memory_space<vmem>>, vector<8x256xf32>
      %broadcast_in_dim3A_1816 = vector.shape_cast %eq3A_1806 : vector<1x256xi1> to vector<1x256xi1>
      %broadcast_in_dim3A_1817 = vector.broadcast %broadcast_in_dim3A_1816 : vector<1x256xi1> to vector<8x256xi1>
      %select_n3A_1818 = arith.select %broadcast_in_dim3A_1817, %add3A_1812, %get3A_1815 : vector<8x256xi1>, vector<8x256xf32>
      %swap3A_1819 = arith.constant 0 : index
      %swap3A_1820 = arith.constant 0 : index
      %swap3A_1821 = vector.load %arg10[%swap3A_1819, %swap3A_1820] : memref<8x256xf32, #tpu.memory_space<vmem>>, vector<8x256xf32>
      tpu.vector_store %arg10[%swap3A_1819, %swap3A_1820], %select_n3A_1818 {strides = array<i32>} : memref<8x256xf32, #tpu.memory_space<vmem>>, vector<8x256xf32>,
      %add3A_1822 = arith.constant 6 : i32
      %add3A_1823 = arith.addi %while3A_70, %add3A_1822 : i32
      %eq3A_1824 = vector.broadcast %add3A_1823 : i32 to vector<1x256xi32>
      %eq3A_1825 = arith.cmpi eq, %iota3A_10, %eq3A_1824 : vector<1x256xi32>
      %get3A_1826 = arith.constant 0 : index
      %get3A_1827 = arith.constant 0 : index
      %get3A_1828 = vector.load %arg10[%get3A_1826, %get3A_1827] : memref<8x256xf32, #tpu.memory_space<vmem>>, vector<8x256xf32>
      %slice3A_1829 = vector.extract_strided_slice %dot_general3A_1707 {offsets = [0, 6], sizes = [8, 1], strides = [1, 1]} : vector<8x16xf32> to vector<8x1xf32>
      %add3A_1830 = vector.broadcast %slice3A_1829 : vector<8x1xf32> to vector<8x256xf32>
      %add3A_1831 = arith.addf %get3A_1828, %add3A_1830 : vector<8x256xf32>
      %get3A_1832 = arith.constant 0 : index
      %get3A_1833 = arith.constant 0 : index
      %get3A_1834 = vector.load %arg10[%get3A_1832, %get3A_1833] : memref<8x256xf32, #tpu.memory_space<vmem>>, vector<8x256xf32>
      %broadcast_in_dim3A_1835 = vector.shape_cast %eq3A_1825 : vector<1x256xi1> to vector<1x256xi1>
      %broadcast_in_dim3A_1836 = vector.broadcast %broadcast_in_dim3A_1835 : vector<1x256xi1> to vector<8x256xi1>
      %select_n3A_1837 = arith.select %broadcast_in_dim3A_1836, %add3A_1831, %get3A_1834 : vector<8x256xi1>, vector<8x256xf32>
      %swap3A_1838 = arith.constant 0 : index
      %swap3A_1839 = arith.constant 0 : index
      %swap3A_1840 = vector.load %arg10[%swap3A_1838, %swap3A_1839] : memref<8x256xf32, #tpu.memory_space<vmem>>, vector<8x256xf32>
      tpu.vector_store %arg10[%swap3A_1838, %swap3A_1839], %select_n3A_1837 {strides = array<i32>} : memref<8x256xf32, #tpu.memory_space<vmem>>, vector<8x256xf32>,
      %add3A_1841 = arith.constant 7 : i32
      %add3A_1842 = arith.addi %while3A_70, %add3A_1841 : i32
      %eq3A_1843 = vector.broadcast %add3A_1842 : i32 to vector<1x256xi32>
      %eq3A_1844 = arith.cmpi eq, %iota3A_10, %eq3A_1843 : vector<1x256xi32>
      %get3A_1845 = arith.constant 0 : index
      %get3A_1846 = arith.constant 0 : index
      %get3A_1847 = vector.load %arg10[%get3A_1845, %get3A_1846] : memref<8x256xf32, #tpu.memory_space<vmem>>, vector<8x256xf32>
      %slice3A_1848 = vector.extract_strided_slice %dot_general3A_1707 {offsets = [0, 7], sizes = [8, 1], strides = [1, 1]} : vector<8x16xf32> to vector<8x1xf32>
      %add3A_1849 = vector.broadcast %slice3A_1848 : vector<8x1xf32> to vector<8x256xf32>
      %add3A_1850 = arith.addf %get3A_1847, %add3A_1849 : vector<8x256xf32>
      %get3A_1851 = arith.constant 0 : index
      %get3A_1852 = arith.constant 0 : index
      %get3A_1853 = vector.load %arg10[%get3A_1851, %get3A_1852] : memref<8x256xf32, #tpu.memory_space<vmem>>, vector<8x256xf32>
      %broadcast_in_dim3A_1854 = vector.shape_cast %eq3A_1844 : vector<1x256xi1> to vector<1x256xi1>
      %broadcast_in_dim3A_1855 = vector.broadcast %broadcast_in_dim3A_1854 : vector<1x256xi1> to vector<8x256xi1>
      %select_n3A_1856 = arith.select %broadcast_in_dim3A_1855, %add3A_1850, %get3A_1853 : vector<8x256xi1>, vector<8x256xf32>
      %swap3A_1857 = arith.constant 0 : index
      %swap3A_1858 = arith.constant 0 : index
      %swap3A_1859 = vector.load %arg10[%swap3A_1857, %swap3A_1858] : memref<8x256xf32, #tpu.memory_space<vmem>>, vector<8x256xf32>
      tpu.vector_store %arg10[%swap3A_1857, %swap3A_1858], %select_n3A_1856 {strides = array<i32>} : memref<8x256xf32, #tpu.memory_space<vmem>>, vector<8x256xf32>,
      %add3A_1860 = arith.constant 8 : i32
      %add3A_1861 = arith.addi %while3A_70, %add3A_1860 : i32
      %eq3A_1862 = vector.broadcast %add3A_1861 : i32 to vector<1x256xi32>
      %eq3A_1863 = arith.cmpi eq, %iota3A_10, %eq3A_1862 : vector<1x256xi32>
      %get3A_1864 = arith.constant 0 : index
      %get3A_1865 = arith.constant 0 : index
      %get3A_1866 = vector.load %arg10[%get3A_1864, %get3A_1865] : memref<8x256xf32, #tpu.memory_space<vmem>>, vector<8x256xf32>
      %slice3A_1867 = vector.extract_strided_slice %dot_general3A_1707 {offsets = [0, 8], sizes = [8, 1], strides = [1, 1]} : vector<8x16xf32> to vector<8x1xf32>
      %add3A_1868 = vector.broadcast %slice3A_1867 : vector<8x1xf32> to vector<8x256xf32>
      %add3A_1869 = arith.addf %get3A_1866, %add3A_1868 : vector<8x256xf32>
      %get3A_1870 = arith.constant 0 : index
      %get3A_1871 = arith.constant 0 : index
      %get3A_1872 = vector.load %arg10[%get3A_1870, %get3A_1871] : memref<8x256xf32, #tpu.memory_space<vmem>>, vector<8x256xf32>
      %broadcast_in_dim3A_1873 = vector.shape_cast %eq3A_1863 : vector<1x256xi1> to vector<1x256xi1>
      %broadcast_in_dim3A_1874 = vector.broadcast %broadcast_in_dim3A_1873 : vector<1x256xi1> to vector<8x256xi1>
      %select_n3A_1875 = arith.select %broadcast_in_dim3A_1874, %add3A_1869, %get3A_1872 : vector<8x256xi1>, vector<8x256xf32>
      %swap3A_1876 = arith.constant 0 : index
      %swap3A_1877 = arith.constant 0 : index
      %swap3A_1878 = vector.load %arg10[%swap3A_1876, %swap3A_1877] : memref<8x256xf32, #tpu.memory_space<vmem>>, vector<8x256xf32>
      tpu.vector_store %arg10[%swap3A_1876, %swap3A_1877], %select_n3A_1875 {strides = array<i32>} : memref<8x256xf32, #tpu.memory_space<vmem>>, vector<8x256xf32>,
      %add3A_1879 = arith.constant 9 : i32
      %add3A_1880 = arith.addi %while3A_70, %add3A_1879 : i32
      %eq3A_1881 = vector.broadcast %add3A_1880 : i32 to vector<1x256xi32>
      %eq3A_1882 = arith.cmpi eq, %iota3A_10, %eq3A_1881 : vector<1x256xi32>
      %get3A_1883 = arith.constant 0 : index
      %get3A_1884 = arith.constant 0 : index
      %get3A_1885 = vector.load %arg10[%get3A_1883, %get3A_1884] : memref<8x256xf32, #tpu.memory_space<vmem>>, vector<8x256xf32>
      %slice3A_1886 = vector.extract_strided_slice %dot_general3A_1707 {offsets = [0, 9], sizes = [8, 1], strides = [1, 1]} : vector<8x16xf32> to vector<8x1xf32>
      %add3A_1887 = vector.broadcast %slice3A_1886 : vector<8x1xf32> to vector<8x256xf32>
      %add3A_1888 = arith.addf %get3A_1885, %add3A_1887 : vector<8x256xf32>
      %get3A_1889 = arith.constant 0 : index
      %get3A_1890 = arith.constant 0 : index
      %get3A_1891 = vector.load %arg10[%get3A_1889, %get3A_1890] : memref<8x256xf32, #tpu.memory_space<vmem>>, vector<8x256xf32>
      %broadcast_in_dim3A_1892 = vector.shape_cast %eq3A_1882 : vector<1x256xi1> to vector<1x256xi1>
      %broadcast_in_dim3A_1893 = vector.broadcast %broadcast_in_dim3A_1892 : vector<1x256xi1> to vector<8x256xi1>
      %select_n3A_1894 = arith.select %broadcast_in_dim3A_1893, %add3A_1888, %get3A_1891 : vector<8x256xi1>, vector<8x256xf32>
      %swap3A_1895 = arith.constant 0 : index
      %swap3A_1896 = arith.constant 0 : index
      %swap3A_1897 = vector.load %arg10[%swap3A_1895, %swap3A_1896] : memref<8x256xf32, #tpu.memory_space<vmem>>, vector<8x256xf32>
      tpu.vector_store %arg10[%swap3A_1895, %swap3A_1896], %select_n3A_1894 {strides = array<i32>} : memref<8x256xf32, #tpu.memory_space<vmem>>, vector<8x256xf32>,
      %add3A_1898 = arith.constant 10 : i32
      %add3A_1899 = arith.addi %while3A_70, %add3A_1898 : i32
      %eq3A_1900 = vector.broadcast %add3A_1899 : i32 to vector<1x256xi32>
      %eq3A_1901 = arith.cmpi eq, %iota3A_10, %eq3A_1900 : vector<1x256xi32>
      %get3A_1902 = arith.constant 0 : index
      %get3A_1903 = arith.constant 0 : index
      %get3A_1904 = vector.load %arg10[%get3A_1902, %get3A_1903] : memref<8x256xf32, #tpu.memory_space<vmem>>, vector<8x256xf32>
      %slice3A_1905 = vector.extract_strided_slice %dot_general3A_1707 {offsets = [0, 10], sizes = [8, 1], strides = [1, 1]} : vector<8x16xf32> to vector<8x1xf32>
      %add3A_1906 = vector.broadcast %slice3A_1905 : vector<8x1xf32> to vector<8x256xf32>
      %add3A_1907 = arith.addf %get3A_1904, %add3A_1906 : vector<8x256xf32>
      %get3A_1908 = arith.constant 0 : index
      %get3A_1909 = arith.constant 0 : index
      %get3A_1910 = vector.load %arg10[%get3A_1908, %get3A_1909] : memref<8x256xf32, #tpu.memory_space<vmem>>, vector<8x256xf32>
      %broadcast_in_dim3A_1911 = vector.shape_cast %eq3A_1901 : vector<1x256xi1> to vector<1x256xi1>
      %broadcast_in_dim3A_1912 = vector.broadcast %broadcast_in_dim3A_1911 : vector<1x256xi1> to vector<8x256xi1>
      %select_n3A_1913 = arith.select %broadcast_in_dim3A_1912, %add3A_1907, %get3A_1910 : vector<8x256xi1>, vector<8x256xf32>
      %swap3A_1914 = arith.constant 0 : index
      %swap3A_1915 = arith.constant 0 : index
      %swap3A_1916 = vector.load %arg10[%swap3A_1914, %swap3A_1915] : memref<8x256xf32, #tpu.memory_space<vmem>>, vector<8x256xf32>
      tpu.vector_store %arg10[%swap3A_1914, %swap3A_1915], %select_n3A_1913 {strides = array<i32>} : memref<8x256xf32, #tpu.memory_space<vmem>>, vector<8x256xf32>,
      %add3A_1917 = arith.constant 11 : i32
      %add3A_1918 = arith.addi %while3A_70, %add3A_1917 : i32
      %eq3A_1919 = vector.broadcast %add3A_1918 : i32 to vector<1x256xi32>
      %eq3A_1920 = arith.cmpi eq, %iota3A_10, %eq3A_1919 : vector<1x256xi32>
      %get3A_1921 = arith.constant 0 : index
      %get3A_1922 = arith.constant 0 : index
      %get3A_1923 = vector.load %arg10[%get3A_1921, %get3A_1922] : memref<8x256xf32, #tpu.memory_space<vmem>>, vector<8x256xf32>
      %slice3A_1924 = vector.extract_strided_slice %dot_general3A_1707 {offsets = [0, 11], sizes = [8, 1], strides = [1, 1]} : vector<8x16xf32> to vector<8x1xf32>
      %add3A_1925 = vector.broadcast %slice3A_1924 : vector<8x1xf32> to vector<8x256xf32>
      %add3A_1926 = arith.addf %get3A_1923, %add3A_1925 : vector<8x256xf32>
      %get3A_1927 = arith.constant 0 : index
      %get3A_1928 = arith.constant 0 : index
      %get3A_1929 = vector.load %arg10[%get3A_1927, %get3A_1928] : memref<8x256xf32, #tpu.memory_space<vmem>>, vector<8x256xf32>
      %broadcast_in_dim3A_1930 = vector.shape_cast %eq3A_1920 : vector<1x256xi1> to vector<1x256xi1>
      %broadcast_in_dim3A_1931 = vector.broadcast %broadcast_in_dim3A_1930 : vector<1x256xi1> to vector<8x256xi1>
      %select_n3A_1932 = arith.select %broadcast_in_dim3A_1931, %add3A_1926, %get3A_1929 : vector<8x256xi1>, vector<8x256xf32>
      %swap3A_1933 = arith.constant 0 : index
      %swap3A_1934 = arith.constant 0 : index
      %swap3A_1935 = vector.load %arg10[%swap3A_1933, %swap3A_1934] : memref<8x256xf32, #tpu.memory_space<vmem>>, vector<8x256xf32>
      tpu.vector_store %arg10[%swap3A_1933, %swap3A_1934], %select_n3A_1932 {strides = array<i32>} : memref<8x256xf32, #tpu.memory_space<vmem>>, vector<8x256xf32>,
      %add3A_1936 = arith.constant 12 : i32
      %add3A_1937 = arith.addi %while3A_70, %add3A_1936 : i32
      %eq3A_1938 = vector.broadcast %add3A_1937 : i32 to vector<1x256xi32>
      %eq3A_1939 = arith.cmpi eq, %iota3A_10, %eq3A_1938 : vector<1x256xi32>
      %get3A_1940 = arith.constant 0 : index
      %get3A_1941 = arith.constant 0 : index
      %get3A_1942 = vector.load %arg10[%get3A_1940, %get3A_1941] : memref<8x256xf32, #tpu.memory_space<vmem>>, vector<8x256xf32>
      %slice3A_1943 = vector.extract_strided_slice %dot_general3A_1707 {offsets = [0, 12], sizes = [8, 1], strides = [1, 1]} : vector<8x16xf32> to vector<8x1xf32>
      %add3A_1944 = vector.broadcast %slice3A_1943 : vector<8x1xf32> to vector<8x256xf32>
      %add3A_1945 = arith.addf %get3A_1942, %add3A_1944 : vector<8x256xf32>
      %get3A_1946 = arith.constant 0 : index
      %get3A_1947 = arith.constant 0 : index
      %get3A_1948 = vector.load %arg10[%get3A_1946, %get3A_1947] : memref<8x256xf32, #tpu.memory_space<vmem>>, vector<8x256xf32>
      %broadcast_in_dim3A_1949 = vector.shape_cast %eq3A_1939 : vector<1x256xi1> to vector<1x256xi1>
      %broadcast_in_dim3A_1950 = vector.broadcast %broadcast_in_dim3A_1949 : vector<1x256xi1> to vector<8x256xi1>
      %select_n3A_1951 = arith.select %broadcast_in_dim3A_1950, %add3A_1945, %get3A_1948 : vector<8x256xi1>, vector<8x256xf32>
      %swap3A_1952 = arith.constant 0 : index
      %swap3A_1953 = arith.constant 0 : index
      %swap3A_1954 = vector.load %arg10[%swap3A_1952, %swap3A_1953] : memref<8x256xf32, #tpu.memory_space<vmem>>, vector<8x256xf32>
      tpu.vector_store %arg10[%swap3A_1952, %swap3A_1953], %select_n3A_1951 {strides = array<i32>} : memref<8x256xf32, #tpu.memory_space<vmem>>, vector<8x256xf32>,
      %add3A_1955 = arith.constant 13 : i32
      %add3A_1956 = arith.addi %while3A_70, %add3A_1955 : i32
      %eq3A_1957 = vector.broadcast %add3A_1956 : i32 to vector<1x256xi32>
      %eq3A_1958 = arith.cmpi eq, %iota3A_10, %eq3A_1957 : vector<1x256xi32>
      %get3A_1959 = arith.constant 0 : index
      %get3A_1960 = arith.constant 0 : index
      %get3A_1961 = vector.load %arg10[%get3A_1959, %get3A_1960] : memref<8x256xf32, #tpu.memory_space<vmem>>, vector<8x256xf32>
      %slice3A_1962 = vector.extract_strided_slice %dot_general3A_1707 {offsets = [0, 13], sizes = [8, 1], strides = [1, 1]} : vector<8x16xf32> to vector<8x1xf32>
      %add3A_1963 = vector.broadcast %slice3A_1962 : vector<8x1xf32> to vector<8x256xf32>
      %add3A_1964 = arith.addf %get3A_1961, %add3A_1963 : vector<8x256xf32>
      %get3A_1965 = arith.constant 0 : index
      %get3A_1966 = arith.constant 0 : index
      %get3A_1967 = vector.load %arg10[%get3A_1965, %get3A_1966] : memref<8x256xf32, #tpu.memory_space<vmem>>, vector<8x256xf32>
      %broadcast_in_dim3A_1968 = vector.shape_cast %eq3A_1958 : vector<1x256xi1> to vector<1x256xi1>
      %broadcast_in_dim3A_1969 = vector.broadcast %broadcast_in_dim3A_1968 : vector<1x256xi1> to vector<8x256xi1>
      %select_n3A_1970 = arith.select %broadcast_in_dim3A_1969, %add3A_1964, %get3A_1967 : vector<8x256xi1>, vector<8x256xf32>
      %swap3A_1971 = arith.constant 0 : index
      %swap3A_1972 = arith.constant 0 : index
      %swap3A_1973 = vector.load %arg10[%swap3A_1971, %swap3A_1972] : memref<8x256xf32, #tpu.memory_space<vmem>>, vector<8x256xf32>
      tpu.vector_store %arg10[%swap3A_1971, %swap3A_1972], %select_n3A_1970 {strides = array<i32>} : memref<8x256xf32, #tpu.memory_space<vmem>>, vector<8x256xf32>,
      %add3A_1974 = arith.constant 14 : i32
      %add3A_1975 = arith.addi %while3A_70, %add3A_1974 : i32
      %eq3A_1976 = vector.broadcast %add3A_1975 : i32 to vector<1x256xi32>
      %eq3A_1977 = arith.cmpi eq, %iota3A_10, %eq3A_1976 : vector<1x256xi32>
      %get3A_1978 = arith.constant 0 : index
      %get3A_1979 = arith.constant 0 : index
      %get3A_1980 = vector.load %arg10[%get3A_1978, %get3A_1979] : memref<8x256xf32, #tpu.memory_space<vmem>>, vector<8x256xf32>
      %slice3A_1981 = vector.extract_strided_slice %dot_general3A_1707 {offsets = [0, 14], sizes = [8, 1], strides = [1, 1]} : vector<8x16xf32> to vector<8x1xf32>
      %add3A_1982 = vector.broadcast %slice3A_1981 : vector<8x1xf32> to vector<8x256xf32>
      %add3A_1983 = arith.addf %get3A_1980, %add3A_1982 : vector<8x256xf32>
      %get3A_1984 = arith.constant 0 : index
      %get3A_1985 = arith.constant 0 : index
      %get3A_1986 = vector.load %arg10[%get3A_1984, %get3A_1985] : memref<8x256xf32, #tpu.memory_space<vmem>>, vector<8x256xf32>
      %broadcast_in_dim3A_1987 = vector.shape_cast %eq3A_1977 : vector<1x256xi1> to vector<1x256xi1>
      %broadcast_in_dim3A_1988 = vector.broadcast %broadcast_in_dim3A_1987 : vector<1x256xi1> to vector<8x256xi1>
      %select_n3A_1989 = arith.select %broadcast_in_dim3A_1988, %add3A_1983, %get3A_1986 : vector<8x256xi1>, vector<8x256xf32>
      %swap3A_1990 = arith.constant 0 : index
      %swap3A_1991 = arith.constant 0 : index
      %swap3A_1992 = vector.load %arg10[%swap3A_1990, %swap3A_1991] : memref<8x256xf32, #tpu.memory_space<vmem>>, vector<8x256xf32>
      tpu.vector_store %arg10[%swap3A_1990, %swap3A_1991], %select_n3A_1989 {strides = array<i32>} : memref<8x256xf32, #tpu.memory_space<vmem>>, vector<8x256xf32>,
      %add3A_1993 = arith.constant 15 : i32
      %add3A_1994 = arith.addi %while3A_70, %add3A_1993 : i32
      %eq3A_1995 = vector.broadcast %add3A_1994 : i32 to vector<1x256xi32>
      %eq3A_1996 = arith.cmpi eq, %iota3A_10, %eq3A_1995 : vector<1x256xi32>
      %get3A_1997 = arith.constant 0 : index
      %get3A_1998 = arith.constant 0 : index
      %get3A_1999 = vector.load %arg10[%get3A_1997, %get3A_1998] : memref<8x256xf32, #tpu.memory_space<vmem>>, vector<8x256xf32>
      %slice3A_2000 = vector.extract_strided_slice %dot_general3A_1707 {offsets = [0, 15], sizes = [8, 1], strides = [1, 1]} : vector<8x16xf32> to vector<8x1xf32>
      %add3A_2001 = vector.broadcast %slice3A_2000 : vector<8x1xf32> to vector<8x256xf32>
      %add3A_2002 = arith.addf %get3A_1999, %add3A_2001 : vector<8x256xf32>
      %get3A_2003 = arith.constant 0 : index
      %get3A_2004 = arith.constant 0 : index
      %get3A_2005 = vector.load %arg10[%get3A_2003, %get3A_2004] : memref<8x256xf32, #tpu.memory_space<vmem>>, vector<8x256xf32>
      %broadcast_in_dim3A_2006 = vector.shape_cast %eq3A_1996 : vector<1x256xi1> to vector<1x256xi1>
      %broadcast_in_dim3A_2007 = vector.broadcast %broadcast_in_dim3A_2006 : vector<1x256xi1> to vector<8x256xi1>
      %select_n3A_2008 = arith.select %broadcast_in_dim3A_2007, %add3A_2002, %get3A_2005 : vector<8x256xi1>, vector<8x256xf32>
      %swap3A_2009 = arith.constant 0 : index
      %swap3A_2010 = arith.constant 0 : index
      %swap3A_2011 = vector.load %arg10[%swap3A_2009, %swap3A_2010] : memref<8x256xf32, #tpu.memory_space<vmem>>, vector<8x256xf32>
      tpu.vector_store %arg10[%swap3A_2009, %swap3A_2010], %select_n3A_2008 {strides = array<i32>} : memref<8x256xf32, #tpu.memory_space<vmem>>, vector<8x256xf32>,
      %add3A_2012 = arith.constant 16 : i32
      %add3A_2013 = arith.addi %while3A_70, %add3A_2012 : i32
      scf.yield %add3A_2013, %select_n3A_1603, %select_n3A_1691 : i32, vector<8x8192xf32>, vector<8x8192xf32>
    }
    %swap3A = arith.constant 0 : index
    %swap3A_63 = arith.constant 0 : index
    %swap3A_64 = vector.load %arg6[%swap3A, %swap3A_63] : memref<8x8192xf32, #tpu.memory_space<vmem>>, vector<8x8192xf32>
    tpu.vector_store %arg6[%swap3A, %swap3A_63], %while3A#1 {strides = array<i32>} : memref<8x8192xf32, #tpu.memory_space<vmem>>, vector<8x8192xf32>,
    %eq3A_65 = arith.constant 12 : i32
    %eq3A_66 = arith.cmpi eq, %arg0, %eq3A_65 : i32
    %convert_element_type3A_67 = arith.extui %eq3A_66 : i1 to i32
    %cond3A_68 = arith.constant 0 : i32
    %cond3A_69 = arith.cmpi ne, %convert_element_type3A_67, %cond3A_68 : i32
    scf.if %cond3A_69 {
      %get3A_70 = arith.constant 0 : index
      %get3A_71 = arith.constant 0 : index
      %get3A_72 = vector.load %arg9[%get3A_70, %get3A_71] : memref<8x256xf32, #tpu.memory_space<vmem>>, vector<8x256xf32>
      %get3A_73 = arith.constant 0 : index
      %get3A_74 = arith.constant 0 : index
      %get3A_75 = vector.load %arg10[%get3A_73, %get3A_74] : memref<8x256xf32, #tpu.memory_space<vmem>>, vector<8x256xf32>
      %get3A_76 = arith.constant 0 : index
      %get3A_77 = arith.constant 0 : index
      %get3A_78 = vector.load %arg11[%get3A_76, %get3A_77] : memref<8x256xf32, #tpu.memory_space<vmem>>, vector<8x256xf32>
      %reduce_max3A_79 = vector.shape_cast %get3A_78 : vector<8x256xf32> to vector<1x8x256xf32>
      %reduce_max3A_80 = arith.constant dense<0xFF800000> : vector<1xf32>
      %reduce_max3A_81 = vector.multi_reduction <maximumf>, %reduce_max3A_79, %reduce_max3A_80 [1, 2] : vector<1x8x256xf32> to vector<1xf32>
      %reduce_max3A_82 = vector.shape_cast %reduce_max3A_81 : vector<1xf32> to vector<1x1x1xf32>
      %reduce_max3A_83 = vector.extract %reduce_max3A_82[0, 0, 0] : f32 from vector<1x1x1xf32>
      %lt3A_84 = vector.broadcast %reduce_max3A_83 : f32 to vector<8x256xf32>
      %lt3A_85 = arith.cmpf olt, %get3A_78, %lt3A_84 : vector<8x256xf32>
      %max3A = arith.constant 0.000000e+00 : f32
      %max3A_86 = vector.broadcast %max3A : f32 to vector<8x256xf32>
      %max3A_87 = arith.maximumf %get3A_72, %max3A_86 : vector<8x256xf32>
      %select_n3A_88 = arith.select %lt3A_85, %max3A_87, %get3A_72 : vector<8x256xi1>, vector<8x256xf32>
      %sub3A_89 = vector.broadcast %reduce_max3A_83 : f32 to vector<8x256xf32>
      %sub3A_90 = arith.subf %sub3A_89, %get3A_78 : vector<8x256xf32>
      %neg3A = arith.constant 0.000000e+00 : f32
      %neg3A_91 = vector.broadcast %neg3A : f32 to vector<8x256xf32>
      %neg3A_92 = arith.subf %neg3A_91, %select_n3A_88 : vector<8x256xf32>
      %exp3A = math.exp %neg3A_92 : vector<8x256xf32>
      %mul3A_93 = arith.mulf %sub3A_90, %exp3A : vector<8x256xf32>
      %jit3A_94 = arith.constant 0.000000e+00 : f32
      %broadcast_in_dim3A_95 = vector.broadcast %jit3A_94 : f32 to vector<8x256xf32>
      %select_n3A_96 = arith.select %lt3A_85, %mul3A_93, %broadcast_in_dim3A_95 : vector<8x256xi1>, vector<8x256xf32>
      %swap3A_97 = arith.constant 0 : index
      %swap3A_98 = arith.constant 0 : index
      %swap3A_99 = vector.load %arg7[%swap3A_97, %swap3A_98] : memref<8x256xf32, #tpu.memory_space<vmem>>, vector<8x256xf32>
      tpu.vector_store %arg7[%swap3A_97, %swap3A_98], %select_n3A_88 {strides = array<i32>} : memref<8x256xf32, #tpu.memory_space<vmem>>, vector<8x256xf32>,
      %sub3A_100 = arith.subf %get3A_72, %select_n3A_88 : vector<8x256xf32>
      %exp3A_101 = math.exp %sub3A_100 : vector<8x256xf32>
      %mul3A_102 = arith.mulf %get3A_75, %exp3A_101 : vector<8x256xf32>
      %add3A_103 = arith.addf %mul3A_102, %select_n3A_96 : vector<8x256xf32>
      %swap3A_104 = arith.constant 0 : index
      %swap3A_105 = arith.constant 0 : index
      %swap3A_106 = vector.load %arg8[%swap3A_104, %swap3A_105] : memref<8x256xf32, #tpu.memory_space<vmem>>, vector<8x256xf32>
      tpu.vector_store %arg8[%swap3A_104, %swap3A_105], %add3A_103 {strides = array<i32>} : memref<8x256xf32, #tpu.memory_space<vmem>>, vector<8x256xf32>,
    } else {
    }
    return
  }
  func.func @transform_0(%arg0: i32) -> (i32, i32) {
    %c0_i32 = arith.constant 0 : i32
    %c0_i32_0 = arith.constant 0 : i32
    return %arg0, %c0_i32 : i32, i32
  }
  func.func @transform_1(%arg0: i32) -> (i32, i32) {
    %c0_i32 = arith.constant 0 : i32
    %c0_i32_0 = arith.constant 0 : i32
    %c0_i32_1 = arith.constant 0 : i32
    return %c0_i32, %c0_i32_0 : i32, i32
  }
  func.func @transform_2(%arg0: i32) -> (i32, i32) {
    %c0_i32 = arith.constant 0 : i32
    %c0_i32_0 = arith.constant 0 : i32
    %c0_i32_1 = arith.constant 0 : i32
    return %c0_i32, %c0_i32_0 : i32, i32
  }
  func.func @transform_3(%arg0: i32) -> (i32, i32) {
    %c0_i32 = arith.constant 0 : i32
    %c0_i32_0 = arith.constant 0 : i32
    %c0_i32_1 = arith.constant 0 : i32
    return %c0_i32, %c0_i32_0 : i32, i32
  }
  func.func @transform_4(%arg0: i32) -> (i32, i32, i32) {
    %c0_i32 = arith.constant 0 : i32
    %c0_i32_0 = arith.constant 0 : i32
    %c0_i32_1 = arith.constant 0 : i32
    return %arg0, %c0_i32, %c0_i32_0 : i32, i32, i32
  }
  func.func @transform_5(%arg0: i32) -> (i32, i32) {
    %c0_i32 = arith.constant 0 : i32
    %c0_i32_0 = arith.constant 0 : i32
    return %c0_i32, %arg0 : i32, i32
  }
  func.func @transform_6(%arg0: i32) -> (i32, i32) {
    %c0_i32 = arith.constant 0 : i32
    %c0_i32_0 = arith.constant 0 : i32
    %c0_i32_1 = arith.constant 0 : i32
    return %c0_i32, %c0_i32_0 : i32, i32
  }
  func.func @transform_7(%arg0: i32) -> (i32, i32) {
    %c0_i32 = arith.constant 0 : i32
    %c0_i32_0 = arith.constant 0 : i32
    %c0_i32_1 = arith.constant 0 : i32
    return %c0_i32, %c0_i32_0 : i32, i32
  }
}

</mosaic_0001>

<sc_bundles>
// kernel: kernel.4.cloned.1.call-start
scs
__scs_entry_jumppad:
0x0: {  	(pc) =	sbr.rel $0x88, $3  }
0x1: {  	(tag) =	ssettag $0x0;
	lr =	simm.s32 $0x1  }
0x2: {  	[smem:$0x3F9C] =	sst lr;
	_ =	strace $0xD0000000  }
0x3: {  	_ = 	snop  }
0x4: {  	_ = 	snop  }
0x5: {  	_ = 	snop  }
0x6: {  	_ = 	snop  }
0x7: {  	_ = 	snop  }
__scs_overlays_trampoline_lowered:
0x8: {  	[smem:$0x3FAB] =	sst s0  }
0x9: {  	[smem:$0x3FAC] =	sst s1  }
0xa: {  	[smem:$0x3FAD] =	sst s2  }
0xb: {  	[smem:$0x3FAE] =	sst s3  }
0xc: {  	[smem:$0x3FAF] =	sst s4  }
0xd: {  	[smem:$0x3FB0] =	sst s5  }
0xe: {  	[smem:$0x3FB1] =	sst s6  }
0xf: {  	[smem:$0x3FB2] =	sst s7  }
0x10: {  	[smem:$0x3FB3] =	sst s8  }
0x11: {  	[smem:$0x3FB4] =	sst s9;
	s0 =	simm.s32 @!p0 $0x0  }
0x12: {  	s1 =	sld [smem:$0x3F9A];
	s0 =	simm.s32 @p0 $0x1  }
0x13: {  	[smem:$0x3FB5] =	sst s0;
	s0 =	simm.s32 @!p1 $0x0  }
0x14: {  	s2 =	sld [smem:$0x3F99];
	s0 =	simm.s32 @p1 $0x1  }
0x15: {  	[smem:$0x3FB6] =	sst s0;
	s0 =	simm.s32 @!p2 $0x0  }
0x16: {  	s3 =	sld [smem:$0x3FDB];
	s0 =	simm.s32 @p2 $0x1  }
0x17: {  	s4 =	simm.s32 $0x1BF5;
	[smem:$0x3FB8] =	sst s0  }
0x18: {  	s0 =	sld [smem:$0x3F9B];
	_ =	swait.ge [sflag:s4], $0x0  }
0x19: {  	s7 =	sld [smem:$0x3F9C]  }
0x1a: {  	s8 =	sadd.s32 $0xFFFFE003, lr  }
0x1b: {  	s9 =	sadd.s32 $0xFFFFFEF7, lr;
	s5 =	simm.s32 $0xFFFFFFFF;
	p2 =	slt.u32 s8, $0xFFFFF086  }
0x1c: {  	p1 =	slt.u32 s9, $0xF7A;
	s5 =	simm.s32 @!p2 $0x0  }
0x1d: {  	s5 =	simm.s32 @p1 $0x1;
	p0 =	seq.s32 s7, s2  }
0x1e: {  	s7 =	smul.u32 @!p0 $0xF7A, s2;
	p2 =	seq.s32 @!p0 s5, $0x0  }
0x1f: {  	s9 =	smul.u32 $0xF7A, s1;
	s8 =	simm.s32 @!p0 $0x1BF5;
	p2 =	por !p2, p0  }
0x20: {  	[sflag:s8] =	ssyncset.s32 @!p0 $0xFFFFF086;
	s6 =	sadd.s32 @!p0 s3, s7;
	s7 =	simm.s32 @!p0 $0x108  }
0x21: {  	s3 =	sadd.s32 s3, s9;
	s6 =	sadd.s32 @!p0 $0x88, s6;
	s7 =	simm.s32 @p2 $0x1082  }
0x22: {  	[simem:s7], [sflag:s8] =	dma.local @!p0 [hbm:s6], $0xF7A  }
0x23: {  	s9 =	sor.u32 $0xD0000000, s2;
	s6 =	simm.s32 $0x108;
	_ =	swait.ge @!p0 [sflag:s8], $0x0  }
0x24: {  	s3 =	sadd.s32 $0x88, s3;
	s6 =	simm.s32 @!p1 $0x1082;
	[sflag:s4] =	ssyncset.s32 $0xFFFFF086  }
0x25: {  	[simem:s6], [sflag:s4] =	dma.local [hbm:s3], $0xF7A  }
0x26: {  	[smem:$0x3F9C] =	sst s1;
	(tag) =	ssettag s2;
	_ =	strace s9  }
0x27: {  	s1 =	sld [smem:$0x3FAC]  }
0x28: {  	s2 =	sld [smem:$0x3FAD]  }
0x29: {  	s4 =	sld [smem:$0x3FAF]  }
0x2a: {  	p0 =	seq.s32 s5, $0x0;
	s5 =	sld [smem:$0x3FB0]  }
0x2b: {  	s6 =	sld [smem:$0x3FB1]  }
0x2c: {  	s7 =	sld [smem:$0x3FB2]  }
0x2d: {  	s3 =	simm.s32 $0x108;
	s8 =	sld [smem:$0x3FB3]  }
0x2e: {  	s3 =	simm.s32 @!p0 $0x1082;
	s9 =	sld [smem:$0x3FB4]  }
0x2f: {  	lr =	sadd.s32 s0, s3;
	s0 =	sld [smem:$0x3FAB]  }
0x30: {  	s3 =	sld [smem:$0x3FAE]  }
0x31: {  	[smem:$0x3FB7] =	sst s10  }
0x32: {  	s10 =	sld [smem:$0x3FB5];
	_ =	sdelay $0x3  }
0x33: {  	p0 =	seq.s32 s10, $0x1;
	s10 =	sld [smem:$0x3FB7];
	_ =	sdelay $0x3  }
0x34: {  	[smem:$0x3FB7] =	sst s10  }
0x35: {  	s10 =	sld [smem:$0x3FB6];
	_ =	sdelay $0x3  }
0x36: {  	p1 =	seq.s32 s10, $0x1;
	s10 =	sld [smem:$0x3FB7];
	_ =	sdelay $0x3  }
0x37: {  	[smem:$0x3FB7] =	sst s10  }
0x38: {  	s10 =	sld [smem:$0x3FB8]  }
0x39: {  	_ = 	snop;
	(pc) =	sbr.ind lr, $3  }
0x3a: {  	_ = 	snop  }
0x3b: {  	_ = 	snop  }
0x3c: {  	p2 =	seq.s32 s10, $0x1;
	s10 =	sld [smem:$0x3FB7]  }
0x3d: {  	_ =	shalt  }
0x3e: {  	_ =	shalt  }
0x3f: {  	_ =	shalt  }
0x40: {  	_ =	shalt  }
0x41: {  	_ =	shalt  }
0x42: {  	_ =	shalt  }
0x43: {  	_ =	shalt  }
0x44: {  	_ =	shalt  }
0x45: {  	_ =	shalt  }
0x46: {  	_ =	shalt  }
0x47: {  	_ =	shalt  }
0x48: {  	_ =	shalt  }
0x49: {  	_ =	shalt  }
0x4a: {  	_ =	shalt  }
0x4b: {  	_ =	shalt  }
0x4c: {  	_ =	shalt  }
0x4d: {  	_ =	shalt  }
0x4e: {  	_ =	shalt  }
0x4f: {  	_ =	shalt  }
0x50: {  	_ =	shalt  }
0x51: {  	_ =	shalt  }
0x52: {  	_ =	shalt  }
0x53: {  	_ =	shalt  }
0x54: {  	_ =	shalt  }
0x55: {  	_ =	shalt  }
0x56: {  	_ =	shalt  }
0x57: {  	_ =	shalt  }
0x58: {  	_ =	shalt  }
0x59: {  	_ =	shalt  }
0x5a: {  	_ =	shalt  }
0x5b: {  	_ =	shalt  }
0x5c: {  	_ =	shalt  }
0x5d: {  	_ =	shalt  }
0x5e: {  	_ =	shalt  }
0x5f: {  	_ =	shalt  }
0x60: {  	_ =	shalt  }
0x61: {  	_ =	shalt  }
0x62: {  	_ =	shalt  }
0x63: {  	_ =	shalt  }
0x64: {  	_ =	shalt  }
0x65: {  	_ =	shalt  }
0x66: {  	_ =	shalt  }
0x67: {  	_ =	shalt  }
0x68: {  	_ =	shalt  }
0x69: {  	_ =	shalt  }
0x6a: {  	_ =	shalt  }
0x6b: {  	_ =	shalt  }
0x6c: {  	_ =	shalt  }
0x6d: {  	_ =	shalt  }
0x6e: {  	_ =	shalt  }
0x6f: {  	_ =	shalt  }
0x70: {  	_ =	shalt  }
0x71: {  	_ =	shalt  }
0x72: {  	_ =	shalt  }
0x73: {  	_ =	shalt  }
0x74: {  	_ =	shalt  }
0x75: {  	_ =	shalt  }
0x76: {  	_ =	shalt  }
0x77: {  	_ =	shalt  }
0x78: {  	_ =	shalt  }
0x79: {  	_ =	shalt  }
0x7a: {  	_ =	shalt  }
0x7b: {  	_ =	shalt  }
0x7c: {  	_ =	shalt  }
0x7d: {  	_ =	shalt  }
0x7e: {  	_ =	shalt  }
0x7f: {  	_ =	shalt  }
0x80: {  	_ =	shalt  }
0x81: {  	_ =	shalt  }
0x82: {  	_ =	shalt  }
0x83: {  	_ =	shalt  }
0x84: {  	_ =	shalt  }
0x85: {  	_ =	shalt  }
0x86: {  	_ =	shalt  }
0x87: {  	_ =	shalt  }
.Lfunc_end0:
.L_simem_size_0:
called_computation_lowered:
.L_overlay_start_0:
0x88: {  	s2 =	sld [smem:$0x3FD9]  }
0x89: {  	s3 =	sld [smem:$0x3FFE];
	_ =	sdelay $0x1  }
0x8a: {  	s1 =	srdreg.scid  }
0x8b: {  	s0 =	sand.u32 $0x1, s1  }
0x8c: {  	s17 =	sshll.u32 s0, $0xA;
	s2 =	sadd.s32 s3, s2  }
0x8d: {  	s2 =	sadd.s32 s2, s17  }
0x8e: {  	[smem:$0x3FC3] =	sst s2  }
0x8f: {  	_ = 	snop  }
0x90: {  	s2 =	sld [smem:$0x3FD0];
	(tm) =	ssettm $0x1  }
0x91: {  	s18 =	sld [smem:$0x3FFB];
	_ =	sdelay $0x3  }
0x92: {  	_ =	strace s18  }
0x93: {  	s3 =	sld [smem:$0x3FFC];
	_ =	sdelay $0x3  }
0x94: {  	_ =	strace s3  }
0x95: {  	s3 =	sld [smem:$0x3FFD];
	_ =	sdelay $0x3  }
0x96: {  	_ =	strace s3  }
0x97: {  	_ =	strace $0x8FFFFFFF  }
0x98: {  	s19 =	sld [smem:$0x3FDB];
	_ =	sdelay $0x1  }
0x99: {  	s4 =	simm.s32 $_scs_section_size  }
0x9a: {  	s5 =	simm.s32 $_size__tile_overlayer_lowered;
	s6 =	simm.s32 $_tile_overlayer_lowered  }
0x9b: {  	s22 =	simm.s32 $0x1BFF;
	s21 =	sshll.u32 s6, $0x1;
	s3 =	sadd.s32 s4, s19  }
0x9c: {  	s7 =	simm.s32 $0x0;
	s20 =	sshll.u32 s5, $0x1;
	s5 =	sadd.s32 s21, s3  }
0x9d: {  	[timem:s7], [sflag:s22] =	dma.local [hbm:s5], s20  }
0x9e: {  	_ =	swait.ge [sflag:s22], s20  }
0x9f: {  	s4 =	ssub.s32 $0x0, s20;
	[sflag:s22] =	ssyncset.done $0x0  }
0xa0: {  	[sflag:s22] =	ssyncadd.s32 s4;
	_ =	sdelay $0x1  }
0xa1: {  	s23 =	simm.s32 $0x1B8B  }
0xa2: {  	_ =	swait.ge [sflag:s23], $0x1  }
0xa3: {  	[sflag:s23] =	ssyncset.done $0x0  }
0xa4: {  	s25 =	simm.s32 $0x1B8E;
	s24 =	sld [smem:$0x3FFE];
	[sflag:s23] =	ssyncadd.s32 $0xFFFFFFFF  }
0xa5: {  	s26 =	simm.s32 $execute0_lowered;
	[smem:$0x3FD2] =	sst s25  }
0xa6: {  	s5 =	sshll.u32 s26, $0x1;
	_ =	strace $0x80000046;
	[dreg:$0x1] =	wrdreg $0xFFFFFFFF  }
0xa7: {  	s28 =	simm.s32 $_size_execute0_lowered;
	s3 =	sadd.s32 s3, s5;
	[dreg:$0x0] =	wrdreg $0x0  }
0xa8: {  	s5 =	sshll.u32 s28, $0x1;
	[dreg:$0x2] =	wrdreg s3  }
0xa9: {  	[dreg:$0x3] =	wrdreg s5  }
0xaa: {  	[dreg:$0x4] =	wrdreg $0xC0  }
0xab: {  	_ =	task [dreg:s7], $0x5FFFF  }
0xac: {  	[dreg:$0x1] =	wrdreg $0xFFFFFFFF  }
0xad: {  	[dreg:$0x0] =	wrdreg $0x60  }
0xae: {  	[dreg:$0x2] =	wrdreg s24  }
0xaf: {  	[dreg:$0x3] =	wrdreg s2  }
0xb0: {  	[dreg:$0x4] =	wrdreg $0x9  }
0xb1: {  	_ =	task.clear_ibuf [dreg:s7], $0x5FFFF;
	_ =	strace $0x90000046  }
0xb2: {  	s29 =	simm.s32 $0x9;
	_ =	strace $0x80000048  }
0xb3: {  	_ =	swait.ge [sflag:s29], $0x1  }
0xb4: {  	[sflag:s29] =	ssyncadd.s32 $0xFFFFFFFF  }
0xb5: {  	_ =	strace $0x90000048  }
0xb6: {  	_ =	sfence  }
0xb7: {  	s30 =	sld [smem:$0x0];
	_ =	sdelay $0x2  }
0xb8: {  	s31 =	sshll.u32 s1, $0xD;
	s1 =	sshrl.u32 s1, $0x2  }
0xb9: {  	s3 =	sand.u32 $0x4000, s31;
	s1 =	sadd.s32 s1, s30  }
0xba: {  	s0 =	sor.u32 s3, s0;
	s1 =	sshll.u32 s1, $0x11  }
0xbb: {  	s0 =	sor.u32 s1, s0  }
0xbc: {  	s0 =	sadd.s32 $0x8F2B, s0  }
0xbd: {  	[sflag:s0] =	ssyncadd.remote.s32 $0x1  }
0xbe: {  	_ =	sfence.sel $0xFFFF  }
0xbf: {  	[dreg:$0x0] =	wrdreg $0xFFFFFFFF;
	(pc) =	sbr.abs _section_cstart, $3  }
0xc0: {  	[dreg:$0x1] =	wrdreg $0xFFFFFFFF  }
0xc1: {  	_ =	task.clear_ibuf [dreg:s7], $0x2FFFF;
	_ =	strace $0x9FFFFFFF  }
0xc2: {  	(tm) =	ssettm $0x7FFFFFFF  }
0xc3: {  	_ =	shalt  }
tec
execute0_lowered:
.L_overlay_start_1:
0x0: {  	(tag) =	ssettag $0x1  }
0x1: {  	s1 =	srdreg.scid;
	s6 =	rddreg [dreg:$0x0]  }
0x2: {  	s0 =	stileid.u32;
	s2 =	rddreg [dreg:$0x1];
	s3 =	simm.s32 $0x0  }
0x3: {  	s10 =	simm.s32 $0x400;
	s11 =	simm.s32 $0x1;
	s12 =	simm.s32 $0x7500  }
0x4: {  	s13 =	simm.s32 $0x7D00;
	s14 =	simm.s32 $0x8500;
	s15 =	simm.s32 $0x0  }
0x5: {  	s4 =	sand.u32 $0x1, s1;
	s26 =	sshll.u32 s0, $0x1;
	s1 =	rddreg [dreg:$0x2]  }
0x6: {  	s28 =	sshrl.u32 s0, $0x2;
	[smem:$0x7FF] =	sst s3;
	s5 =	sor.u32 s4, s26  }
0x7: {  	s7 =	smul.u32 $0x34000, s28;
	_ =	strace $0x80000047;
	s29 =	sshll.u32 s5, $0x7  }
0x8: {  	s30 =	ssub.s32 $0x2, s4;
	s5 =	smul.u32 $0x1A0, s5;
	s8 =	sand.u32 $0x380, s29  }
0x9: {  	s4 =	sadd.s32 $0x1E000, s6;
	s31 =	sshrl.u32 s30, $0x1;
	s7 =	sor.u32 s7, s8  }
0xa: {  	s9 =	sadd.s32 s5, s6;
	s8 =	ssub.s32 s30, s31;
	s7 =	sshrl.u32 s7, $0x3  }
0xb: {  	s8 =	smax.u32 s8, $0x1;
	s7 =	sadd.s32 s7, s6;
	s6 =	sadd.s32 $0xC00, s9  }
0xc: {  	s5 =	sadd.s32 $0x4000, s7;
	s7 =	sadd.s32 $0x1E200, s9;
	s9 =	simm.s32 $0x80  }
.LBB2_1:
0xd: {  	[tilespmem:s3], [sflag:$0x1] =	stream.strided.gather [hbm4b:s5+s9], $0x6800, s10, s9, $0x38;
	[tilespmem:$0x9200] =	vst v63  }
0xe: {  	_ =	swait.ge [sflag:s11], $0x6800  }
0xf: {  	[sflag:s11] =	ssyncset.done $0x0  }
0x10: {  	s16 =	simm.s32 $0x6800;
	[sflag:s11] =	ssyncadd.s32 $0xFFFF9800  }
0x11: {  	[tilespmem:s16], [sflag:$0x1] =	stream.linear.gather [hbm4b:s6+s3], $0xD00, $0x38;
	[tilespmem:$0x9200] =	vst v63  }
0x12: {  	_ =	swait.ge [sflag:s11], $0xD00  }
0x13: {  	[sflag:s11] =	ssyncset.done $0x0  }
0x14: {  	[sflag:s11] =	ssyncadd.s32 $0xFFFFF300  }
0x15: {  	[tilespmem:s12], [sflag:$0x1] =	stream.linear.gather [hbm4b:s2+s3], $0x800, $0x38;
	[tilespmem:$0x9200] =	vst v63  }
0x16: {  	_ =	swait.ge [sflag:s11], $0x800  }
0x17: {  	[sflag:s11] =	ssyncset.done $0x0  }
0x18: {  	[sflag:s11] =	ssyncadd.s32 $0xFFFFF800  }
0x19: {  	[tilespmem:s13], [sflag:$0x1] =	stream.linear.gather [hbm4b:s4+s3], $0x800, $0x38;
	[tilespmem:$0x9200] =	vst v63  }
0x1a: {  	_ =	swait.ge [sflag:s11], $0x800  }
0x1b: {  	[sflag:s11] =	ssyncset.done $0x0  }
0x1c: {  	[sflag:s11] =	ssyncadd.s32 $0xFFFFF800  }
0x1d: {  	v0 =	vld [tilespmem:s16+$0x0];
	_ =	sdelay $0x3  }
0x1e: {  	s17 =	sand.u32 $0xFF0, s3;
	v1 =	vld [tilespmem:s3+$0x0]  }
0x1f: {  	v3 =	vld [tilespmem:s17+$0xD00];
	v2 =	vadd.s32 $0x100, v0  }
0x20: {  	v7 =	vld [tilespmem:s17+$0x1A00];
	v10 =	vadd.s32 $0x400, v0  }
0x21: {  	v9 =	vld [tilespmem:s17+$0x3400]  }
0x22: {  	v4 =	vadd.s32 $0x300, v0;
	v5 =	vld.idx.msk [tilespmem:v0+s12+$0x0], $0xffff  }
0x23: {  	v8 =	vadd.s32 $0x200, v0;
	v16 =	vld.idx.msk [tilespmem:v0+s13+$0x0], $0xffff  }
0x24: {  	v11 =	vld.idx.msk [tilespmem:v2+s12+$0x0], $0xffff  }
0x25: {  	v14 =	vld.idx.msk [tilespmem:v10+s12+$0x0], $0xffff  }
0x26: {  	v12 =	vld [tilespmem:s17+$0x2700]  }
0x27: {  	v13 =	vld.idx.msk [tilespmem:v4+s12+$0x0], $0xffff;
	v1 =	vsub.f32 v1, v5  }
0x28: {  	v5 =	vld.idx.msk [tilespmem:v8+s12+$0x0], $0xffff  }
0x29: {  	v6 =	vadd.s32 $0x500, v0;
	(erf) = vrcp.f32 v16;
	v15 =	vmul.f32 $1.442695020e+00, v1  }
0x2a: {  	v3 =	vsub.f32 v3, v11;
	v17 =	vsub.f32 v9, v14  }
0x2b: {  	v11 =	vadd.f32 $-5.000000000e-01, v15  }
0x2c: {  	v12 =	vsub.f32 v12, v13;
	v15 =	vmul.f32 $1.442695020e+00, v3;
	v19 =	vmul.f32 $1.442695020e+00, v17  }
0x2d: {  	v5 =	vsub.f32 v7, v5;
	v7 =	vtrunc.f32 v11  }
0x2e: {  	v13 =	vld.idx.msk [tilespmem:v6+s12+$0x0], $0xffff;
	v9 =	vadd.f32 $-5.000000000e-01, v15;
	v15 =	vmul.f32 $1.442695020e+00, v12;
	v19 =	vadd.f32 $-5.000000000e-01, v19  }
0x2f: {  	v11 =	vld [tilespmem:s17+$0x4100];
	v14 =	vcvt.f32.s32 v7;
	v7 =	vadd.s32 $0x600, v0;
	v18 =	vmul.f32 $1.442695020e+00, v5  }
0x30: {  	v0 =	vadd.s32 $0x700, v0;
	v9 =	vtrunc.f32 v9;
	v15 =	vadd.f32 $-5.000000000e-01, v15  }
0x31: {  	v19 =	vtrunc.f32 v19;
	vm0 =	vgt.s32 v14, $0xFFFFFF82;
	v9 =	vcvt.f32.s32 v9  }
0x32: {  	v18 =	vadd.f32 $-5.000000000e-01, v18;
	v57 =	vpop (erf);
	v19 =	vcvt.f32.s32 v19;
	v14 =	vnsel vm0, $0xFFFFFF82, v14  }
0x33: {  	v15 =	vtrunc.f32 v15;
	v16 =	vmul.f32 v57, v16;
	vm10 =	vgt.s32 v9, $0xFFFFFF82  }
0x34: {  	v20 =	vcvt.s32.f32 v14;
	v11 =	vsub.f32 v11, v13;
	v9 =	vnsel vm10, $0xFFFFFF82, v9  }
0x35: {  	v13 =	vtrunc.f32 v18;
	v14 =	vshll.u32 v14, $0x17;
	v22 =	vcvt.s32.f32 v9  }
0x36: {  	v18 =	vld [tilespmem:s17+$0x4E00];
	v15 =	vcvt.f32.s32 v15;
	vm13 =	vgt.s32 v19, $0xFFFFFF82;
	v21 =	vmul.f32 $6.931457510e-01, v20  }
0x37: {  	v23 =	vld.idx.msk [tilespmem:v7+s12+$0x0], $0xffff;
	v13 =	vcvt.f32.s32 v13;
	v26 =	vadd.s32 $0x3F800000, v14;
	v25 =	vmul.f32 $6.931457510e-01, v22  }
0x38: {  	v24 =	vmul.f32 $1.442695020e+00, v11;
	v20 =	vmul.f32 $1.428606540e-06, v20;
	v1 =	vsub.f32 v1, v21  }
0x39: {  	v16 =	vsub.f32 $2.000000000e+00, v16;
	v21 =	vmul.f32 $1.428606540e-06, v22;
	v3 =	vsub.f32 v3, v25  }
0x3a: {  	vm1 =	vgt.s32 v15, $0xFFFFFF82;
	v22 =	vadd.f32 $-5.000000000e-01, v24;
	v1 =	vsub.f32 v1, v20  }
0x3b: {  	v9 =	vshll.u32 v9, $0x17;
	v15 =	vnsel vm1, $0xFFFFFF82, v15;
	v20 =	vld.idx.msk [tilespmem:v2+s13+$0x0], $0xffff;
	v3 =	vsub.f32 v3, v21  }
0x3c: {  	v22 =	vtrunc.f32 v22;
	v2 =	vsub.f32 v18, v23;
	v18 =	vmul.f32 $1.442695020e+00, v1  }
0x3d: {  	vm11 =	vgt.s32 v13, $0xFFFFFF82;
	v23 =	vcvt.s32.f32 v15;
	v21 =	vld.idx.msk [tilespmem:v10+s13+$0x0], $0xffff;
	v3 =	vmul.f32 $1.442695020e+00, v3  }
0x3e: {  	v58 =	vld [tilespmem:s17+$0x5B00];
	v13 =	vnsel vm11, $0xFFFFFF82, v13;
	v10 =	vcvt.f32.s32 v22;
	(erf) = vpow2.f32 v18  }
0x3f: {  	v15 =	vshll.u32 v15, $0x17;
	v22 =	vld.idx.msk [tilespmem:v0+s12+$0x0], $0xffff;
	v18 =	vmul.f32 $6.931457510e-01, v23;
	(erf) = vpow2.f32 v3  }
0x40: {  	v1 =	vshll.u32 v13, $0x17;
	v13 =	vcvt.s32.f32 v13;
	(erf) = vrcp.f32 v20  }
0x41: {  	v14 =	vmul.f32 $1.428606540e-06, v23;
	vm12 =	vgt.s32 v10, $0xFFFFFF82;
	v12 =	vsub.f32 v12, v18  }
0x42: {  	v23 =	vmul.f32 $1.442695020e+00, v2;
	v10 =	vnsel vm12, $0xFFFFFF82, v10;
	(erf) = vrcp.f32 v21  }
0x43: {  	v27 =	vld.idx.msk [tilespmem:v4+s13+$0x0], $0xffff;
	v3 =	vshll.u32 v10, $0x17;
	v10 =	vcvt.s32.f32 v10;
	v12 =	vsub.f32 v12, v14  }
0x44: {  	v15 =	vadd.s32 $0x3F800000, v15;
	v28 =	vmul.f32 $6.931457510e-01, v13;
	v4 =	vsub.f32 v58, v22  }
0x45: {  	v22 =	vadd.s32 $0x3F800000, v9;
	v9 =	vmul.f32 $6.931457510e-01, v10;
	v12 =	vmul.f32 $1.442695020e+00, v12  }
0x46: {  	v13 =	vmul.f32 $1.428606540e-06, v13;
	v5 =	vsub.f32 v5, v28;
	v14 =	vadd.f32 $-5.000000000e-01, v23  }
0x47: {  	v10 =	vmul.f32 $1.428606540e-06, v10;
	v18 =	vmul.f32 $1.442695020e+00, v4;
	v11 =	vsub.f32 v11, v9;
	v23 =	vpop (erf)  }
0x48: {  	v5 =	vsub.f32 v5, v13;
	(erf) = vrcp.f32 v27;
	v14 =	vtrunc.f32 v14;
	v59 =	vpop (erf)  }
0x49: {  	v9 =	vmul.f32 v16, v57;
	v16 =	vsub.f32 v11, v10;
	(erf) = vpow2.f32 v12;
	v12 =	vpop (erf)  }
0x4a: {  	v18 =	vadd.f32 $-5.000000000e-01, v18;
	v60 =	vcvt.f32.s32 v14;
	v11 =	vld.idx.msk [tilespmem:v8+s13+$0x0], $0xffff;
	v14 =	vmul.f32 v12, v20  }
0x4b: {  	v5 =	vmul.f32 $1.442695020e+00, v5;
	v8 =	vnsel vm13, $0xFFFFFF82, v19;
	v13 =	vmul.f32 $1.442695020e+00, v16;
	v61 =	vpop (erf)  }
0x4c: {  	v16 =	vtrunc.f32 v18;
	v20 =	vmul.f32 v61, v21;
	v14 =	vsub.f32 $2.000000000e+00, v14  }
0x4d: {  	vm15 =	vgt.s32 v60, $0xFFFFFF82;
	v18 =	vcvt.s32.f32 v8;
	(erf) = vpow2.f32 v5  }
0x4e: {  	v19 =	vcvt.f32.s32 v16;
	v14 =	vmul.f32 v14, v12;
	v12 =	vsub.f32 $2.000000000e+00, v20  }
0x4f: {  	v8 =	vshll.u32 v8, $0x17;
	v16 =	vmul.f32 v26, v23;
	(erf) = vrcp.f32 v11  }
0x50: {  	vm14 =	vgt.s32 v19, $0xFFFFFF82;
	v20 =	vmul.f32 $6.931457510e-01, v18;
	v5 =	vmul.f32 v12, v61;
	v12 =	vld.idx.msk [tilespmem:v6+s13+$0x0], $0xffff  }
0x51: {  	v10 =	vmul.f32 v22, v59;
	v62 =	vmul.f32 $1.428606540e-06, v18;
	v23 =	vnsel vm14, $0xFFFFFF82, v19  }
0x52: {  	v7 =	vld.idx.msk [tilespmem:v7+s13+$0x0], $0xffff;
	v21 =	vcvt.s32.f32 v23;
	v18 =	vnsel vm15, $0xFFFFFF82, v60;
	v20 =	vsub.f32 v17, v20;
	v17 =	vpop (erf)  }
0x53: {  	s18 =	simm.s32 $0x10;
	v22 =	vcvt.s32.f32 v18;
	v6 =	vshll.u32 v23, $0x17;
	v63 =	vpop (erf);
	v19 =	vmul.f32 v17, v27  }
0x54: {  	s19 =	simm.s32 $0x0;
	s20 =	simm.s32 $0x8500;
	s17 =	simm.s32 $0x8500;
	v15 =	vmul.f32 v15, v63;
	v23 =	vsub.f32 v20, v62;
	v20 =	vmul.f32 $1.428606540e-06, v21  }
.LBB2_2:
0x55: {  	v24 =	vmul.f32 $6.931457510e-01, v22;
	v18 =	vshll.u32 v18, $0x17;
	s16 =	sadd.s32 $0x10, s16;
	s19 =	sadd.s32 $0x10, s19;
	s20 =	sadd.s32 $0x10, s20;
	(erf) = vrcp.f32 v12  }
0x56: {  	p0 =	sne.s32 s18, $0xCF0;
	v3 =	vadd.s32 $0x3F800000, v3;
	v21 =	vmul.f32 $6.931457510e-01, v21;
	s21 =	smov.u32 s18;
	s18 =	sadd.s32 $0x10, s18;
	v23 =	vmul.f32 $1.442695020e+00, v23;
	v0 =	vld.idx.msk [tilespmem:v0+s13+$0x0], $0xffff  }
0x57: {  	v26 =	vsub.f32 $2.000000000e+00, v19;
	v22 =	vmul.f32 $1.428606540e-06, v22;
	v25 =	vpop (erf);
	(erf) = vrcp.f32 v7  }
0x58: {  	v2 =	vsub.f32 v2, v24;
	v4 =	vsub.f32 v4, v21;
	(erf) = vpow2.f32 v23  }
0x59: {  	v17 =	vmul.f32 v26, v17;
	v19 =	vpop (erf);
	(erf) = vpow2.f32 v13  }
0x5a: {  	v2 =	vsub.f32 v2, v22;
	v4 =	vsub.f32 v4, v20;
	v11 =	vmul.f32 v19, v11  }
0x5b: {  	v9 =	vmul.f32 v16, v9;
	v10 =	vmul.f32 v10, v14;
	v1 =	vadd.s32 $0x3F800000, v1  }
0x5c: {  	v2 =	vmul.f32 $1.442695020e+00, v2;
	v4 =	vmul.f32 $1.442695020e+00, v4;
	v11 =	vsub.f32 $2.000000000e+00, v11  }
0x5d: {  	v1 =	vmul.f32 v1, v25;
	(erf) = vrcp.f32 v0  }
0x5e: {  	v14 =	vadd.f32 $0.0e+00, v9;
	v11 =	vmul.f32 v11, v19;
	v13 =	vpop (erf);
	(erf) = vpow2.f32 v2  }
0x5f: {  	v2 =	vmul.f32 v13, v12;
	(erf) = vpow2.f32 v4  }
0x60: {  	v4 =	vadd.f32 v10, v14;
	v1 =	vmul.f32 v1, v11;
	v9 =	vpop (erf)  }
0x61: {  	v8 =	vadd.s32 $0x3F800000, v8;
	v2 =	vsub.f32 $2.000000000e+00, v2;
	v7 =	vmul.f32 v9, v7;
	v10 =	vpop (erf)  }
0x62: {  	v1 =	vadd.f32 v1, v4;
	v4 =	vmul.f32 v15, v17;
	v8 =	vmul.f32 v8, v10;
	v10 =	vpop (erf)  }
0x63: {  	v2 =	vmul.f32 v2, v13;
	v3 =	vmul.f32 v3, v10;
	v7 =	vsub.f32 $2.000000000e+00, v7  }
0x64: {  	v1 =	vadd.f32 v4, v1;
	v4 =	vmul.f32 v8, v5  }
0x65: {  	v5 =	vmul.f32 v7, v9  }
0x66: {  	v1 =	vadd.f32 v4, v1;
	v4 =	vadd.s32 $0x3F800000, v6;
	v6 =	vpop (erf)  }
0x67: {  	v7 =	vadd.s32 $0x3F800000, v18;
	v0 =	vmul.f32 v6, v0;
	v8 =	vpop (erf)  }
0x68: {  	v7 =	vmul.f32 v7, v8;
	v8 =	vpop (erf)  }
0x69: {  	v2 =	vmul.f32 v3, v2;
	v0 =	vsub.f32 $2.000000000e+00, v0;
	v3 =	vmul.f32 v4, v8  }
0x6a: {  	v4 =	vmul.f32 v7, v5  }
0x6b: {  	v1 =	vadd.f32 v2, v1;
	v0 =	vmul.f32 v0, v6;
	_ =	sdelay $0x1  }
0x6c: {  	v1 =	vadd.f32 v4, v1;
	v0 =	vmul.f32 v3, v0;
	_ =	sdelay $0x1  }
0x6d: {  	v0 =	vadd.f32 v0, v1;
	_ =	sdelay $0x1  }
0x6e: {  	[tilespmem:s17+$0x0] =	vst v0;
	s17 =	smov.u32 s20  }
0x6f: {  	v0 =	vld [tilespmem:s16+$0x0];
	_ =	sdelay $0x2  }
0x70: {  	s21 =	sand.u32 $0xFF0, s21;
	v1 =	vld [tilespmem:s19+$0x0]  }
0x71: {  	v2 =	vld [tilespmem:s21+$0xD00]  }
0x72: {  	v3 =	vadd.s32 $0x100, v0;
	v4 =	vld [tilespmem:s21+$0x1A00];
	v8 =	vadd.s32 $0x200, v0;
	v9 =	vadd.s32 $0x300, v0;
	_ =	sdelay $0x1  }
0x73: {  	v10 =	vadd.s32 $0x400, v0;
	v6 =	vld [tilespmem:s21+$0x3400]  }
0x74: {  	v5 =	vld.idx.msk [tilespmem:v0+s12+$0x0], $0xffff  }
0x75: {  	v7 =	vld [tilespmem:s21+$0x2700]  }
0x76: {  	v11 =	vld.idx.msk [tilespmem:v3+s12+$0x0], $0xffff  }
0x77: {  	v12 =	vld.idx.msk [tilespmem:v9+s12+$0x0], $0xffff  }
0x78: {  	v13 =	vld.idx.msk [tilespmem:v10+s12+$0x0], $0xffff  }
0x79: {  	v14 =	vld.idx.msk [tilespmem:v8+s12+$0x0], $0xffff  }
0x7a: {  	v1 =	vsub.f32 v1, v5;
	v5 =	vadd.s32 $0x500, v0;
	_ =	sdelay $0x1  }
0x7b: {  	v15 =	vmul.f32 $1.442695020e+00, v1;
	v2 =	vsub.f32 v2, v11  }
0x7c: {  	v11 =	vsub.f32 v7, v12  }
0x7d: {  	v12 =	vadd.f32 $-5.000000000e-01, v15;
	v15 =	vmul.f32 $1.442695020e+00, v2;
	v6 =	vsub.f32 v6, v13  }
0x7e: {  	v7 =	vadd.s32 $0x600, v0;
	v13 =	vsub.f32 v4, v14;
	v4 =	vmul.f32 $1.442695020e+00, v11;
	v14 =	vld.idx.msk [tilespmem:v5+s12+$0x0], $0xffff  }
0x7f: {  	v12 =	vtrunc.f32 v12;
	v15 =	vadd.f32 $-5.000000000e-01, v15;
	v16 =	vld [tilespmem:s21+$0x4100]  }
0x80: {  	v12 =	vcvt.f32.s32 v12;
	v18 =	vmul.f32 $1.442695020e+00, v13;
	v17 =	vld.idx.msk [tilespmem:v0+s13+$0x0], $0xffff  }
0x81: {  	v19 =	vmul.f32 $1.442695020e+00, v6;
	v4 =	vadd.f32 $-5.000000000e-01, v4  }
0x82: {  	v15 =	vtrunc.f32 v15;
	vm0 =	vgt.s32 v12, $0xFFFFFF82;
	v18 =	vadd.f32 $-5.000000000e-01, v18  }
0x83: {  	v19 =	vadd.f32 $-5.000000000e-01, v19;
	v15 =	vcvt.f32.s32 v15;
	v12 =	vnsel vm0, $0xFFFFFF82, v12  }
0x84: {  	v4 =	vtrunc.f32 v4;
	v20 =	vcvt.s32.f32 v12;
	v14 =	vsub.f32 v16, v14  }
0x85: {  	v0 =	vadd.s32 $0x700, v0;
	vm0 =	vgt.s32 v15, $0xFFFFFF82;
	v16 =	vtrunc.f32 v18;
	v18 =	vld [tilespmem:s21+$0x4E00]  }
0x86: {  	v15 =	vnsel vm0, $0xFFFFFF82, v15;
	v21 =	vmul.f32 $6.931457510e-01, v20;
	v22 =	vld.idx.msk [tilespmem:v7+s12+$0x0], $0xffff;
	(erf) = vrcp.f32 v17  }
0x87: {  	v12 =	vshll.u32 v12, $0x17;
	v16 =	vcvt.f32.s32 v16;
	v23 =	vld.idx.msk [tilespmem:v3+s13+$0x0], $0xffff;
	v3 =	vcvt.s32.f32 v15  }
0x88: {  	v4 =	vcvt.f32.s32 v4;
	v24 =	vmul.f32 $1.442695020e+00, v14;
	v15 =	vshll.u32 v15, $0x17  }
0x89: {  	v20 =	vmul.f32 $1.428606540e-06, v20;
	v1 =	vsub.f32 v1, v21;
	v21 =	vmul.f32 $6.931457510e-01, v3  }
0x8a: {  	vm0 =	vgt.s32 v16, $0xFFFFFF82;
	v24 =	vadd.f32 $-5.000000000e-01, v24;
	v3 =	vmul.f32 $1.428606540e-06, v3  }
0x8b: {  	vm1 =	vgt.s32 v4, $0xFFFFFF82;
	v1 =	vsub.f32 v1, v20;
	v20 =	vsub.f32 v2, v21;
	v21 =	vld.idx.msk [tilespmem:v0+s12+$0x0], $0xffff  }
0x8c: {  	v19 =	vtrunc.f32 v19;
	v24 =	vtrunc.f32 v24;
	v2 =	vsub.f32 v18, v22  }
0x8d: {  	v18 =	vmul.f32 $1.442695020e+00, v1;
	v1 =	vsub.f32 v20, v3;
	v20 =	vnsel vm1, $0xFFFFFF82, v4;
	v22 =	vld.idx.msk [tilespmem:v10+s13+$0x0], $0xffff  }
0x8e: {  	v3 =	vnsel vm0, $0xFFFFFF82, v16;
	v4 =	vcvt.f32.s32 v24  }
0x8f: {  	v16 =	vcvt.s32.f32 v20;
	v10 =	vmul.f32 $1.442695020e+00, v1;
	v1 =	vshll.u32 v3, $0x17;
	v24 =	vpop (erf)  }
0x90: {  	vm0 =	vgt.s32 v4, $0xFFFFFF82;
	v17 =	vmul.f32 v24, v17;
	v25 =	vld [tilespmem:s21+$0x5B00];
	(erf) = vpow2.f32 v18  }
0x91: {  	v18 =	vcvt.s32.f32 v3;
	(erf) = vpow2.f32 v10  }
0x92: {  	v26 =	vnsel vm0, $0xFFFFFF82, v4;
	v10 =	vmul.f32 $6.931457510e-01, v16;
	(erf) = vrcp.f32 v23  }
0x93: {  	v27 =	vadd.s32 $0x3F800000, v12;
	v28 =	vld.idx.msk [tilespmem:v9+s13+$0x0], $0xffff;
	v9 =	vmul.f32 $1.428606540e-06, v16;
	(erf) = vrcp.f32 v22  }
0x94: {  	v12 =	vcvt.f32.s32 v19;
	v3 =	vshll.u32 v26, $0x17;
	v16 =	vmul.f32 $1.442695020e+00, v2  }
0x95: {  	v19 =	vmul.f32 $6.931457510e-01, v18;
	v10 =	vsub.f32 v11, v10;
	v4 =	vsub.f32 v25, v21  }
0x96: {  	v20 =	vshll.u32 v20, $0x17;
	vm0 =	vgt.s32 v12, $0xFFFFFF82;
	v11 =	vcvt.s32.f32 v26  }
0x97: {  	v9 =	vsub.f32 v10, v9;
	v10 =	vadd.f32 $-5.000000000e-01, v16;
	v16 =	vmul.f32 $1.442695020e+00, v4  }
0x98: {  	v15 =	vadd.s32 $0x3F800000, v15;
	v13 =	vsub.f32 v13, v19;
	v19 =	vmul.f32 $6.931457510e-01, v11  }
0x99: {  	v17 =	vsub.f32 $2.000000000e+00, v17;
	v18 =	vmul.f32 $1.428606540e-06, v18;
	v9 =	vmul.f32 $1.442695020e+00, v9;
	v21 =	vpop (erf)  }
0x9a: {  	v14 =	vsub.f32 v14, v19;
	v19 =	vmul.f32 $1.428606540e-06, v11;
	v25 =	vpop (erf);
	(erf) = vrcp.f32 v28  }
0x9b: {  	v10 =	vtrunc.f32 v10;
	v16 =	vadd.f32 $-5.000000000e-01, v16;
	v26 =	vpop (erf);
	(erf) = vpow2.f32 v9  }
0x9c: {  	v9 =	vmul.f32 v17, v24;
	v11 =	vld.idx.msk [tilespmem:v8+s13+$0x0], $0xffff;
	v8 =	vsub.f32 v14, v19;
	v19 =	vcvt.f32.s32 v10;
	v24 =	vpop (erf)  }
0x9d: {  	v14 =	vmul.f32 v26, v23;
	v10 =	vmul.f32 v15, v25;
	v15 =	vsub.f32 v13, v18  }
0x9e: {  	v12 =	vnsel vm0, $0xFFFFFF82, v12;
	v17 =	vmul.f32 v24, v22;
	v13 =	vmul.f32 $1.442695020e+00, v8  }
0x9f: {  	v16 =	vtrunc.f32 v16;
	v14 =	vsub.f32 $2.000000000e+00, v14;
	v15 =	vmul.f32 $1.442695020e+00, v15  }
0xa0: {  	v18 =	vcvt.s32.f32 v12;
	v22 =	vcvt.f32.s32 v16;
	v8 =	vshll.u32 v12, $0x17  }
0xa1: {  	v25 =	vsub.f32 $2.000000000e+00, v17;
	v14 =	vmul.f32 v14, v26;
	(erf) = vpow2.f32 v15  }
0xa2: {  	vm0 =	vgt.s32 v22, $0xFFFFFF82;
	v15 =	vadd.s32 $0x3F800000, v20;
	v20 =	vmul.f32 $6.931457510e-01, v18;
	v12 =	vld.idx.msk [tilespmem:v5+s13+$0x0], $0xffff  }
.Ltmp0:
0xa3: {  	v16 =	vmul.f32 v27, v21;
	vm1 =	vgt.s32 v19, $0xFFFFFF82;
	(erf) = vrcp.f32 v11;
	v17 =	vpop (erf);
	(pc) =	sbr.rel @p0 .LBB2_2-.Ltmp0, $4  }
0xa4: {  	v5 =	vmul.f32 v25, v24;
	v20 =	vsub.f32 v6, v20;
	v6 =	vnsel vm0, $0xFFFFFF82, v22;
	v7 =	vld.idx.msk [tilespmem:v7+s13+$0x0], $0xffff;
	v23 =	vpop (erf)  }
0xa5: {  	v24 =	vmul.f32 $1.428606540e-06, v18;
	v18 =	vnsel vm1, $0xFFFFFF82, v19;
	v21 =	vcvt.s32.f32 v6  }
0xa6: {  	v22 =	vcvt.s32.f32 v18;
	v19 =	vmul.f32 v17, v28;
	v6 =	vshll.u32 v6, $0x17  }
0xa7: {  	v15 =	vmul.f32 v15, v23;
	v23 =	vsub.f32 v20, v24;
	v20 =	vmul.f32 $1.428606540e-06, v21  }
0xa8: {  	_ =	sdelay $0x2  }
0xa9: {  	v24 =	vmul.f32 $6.931457510e-01, v22;
	(erf) = vrcp.f32 v12  }
0xaa: {  	v0 =	vld.idx.msk [tilespmem:v0+s13+$0x0], $0xffff;
	v21 =	vmul.f32 $6.931457510e-01, v21  }
0xab: {  	v43 =	vmul.f32 $1.428606540e-06, v22;
	v23 =	vmul.f32 $1.442695020e+00, v23;
	v2 =	vsub.f32 v2, v24  }
0xac: {  	v25 =	vpop (erf);
	(erf) = vrcp.f32 v7;
	v4 =	vsub.f32 v4, v21  }
0xad: {  	v9 =	vmul.f32 v16, v9;
	(erf) = vpow2.f32 v23;
	v44 =	vpop (erf);
	v2 =	vsub.f32 v2, v43  }
0xae: {  	(erf) = vpow2.f32 v13;
	v4 =	vsub.f32 v4, v20;
	v11 =	vmul.f32 v44, v11  }
0xaf: {  	(erf) = vrcp.f32 v0;
	v2 =	vmul.f32 $1.442695020e+00, v2  }
0xb0: {  	v10 =	vmul.f32 v10, v14;
	v4 =	vmul.f32 $1.442695020e+00, v4  }
0xb1: {  	v1 =	vadd.s32 $0x3F800000, v1;
	v11 =	vsub.f32 $2.000000000e+00, v11;
	(erf) = vpow2.f32 v2  }
0xb2: {  	v45 =	vsub.f32 $2.000000000e+00, v19;
	v8 =	vadd.s32 $0x3F800000, v8;
	v48 =	vpop (erf);
	(erf) = vpow2.f32 v4  }
0xb3: {  	v46 =	vadd.f32 $0.0e+00, v9;
	v1 =	vmul.f32 v1, v25;
	v47 =	vmul.f32 v11, v44  }
0xb4: {  	v3 =	vadd.s32 $0x3F800000, v3;
	v58 =	vshll.u32 v18, $0x17;
	v49 =	vmul.f32 v48, v12  }
0xb5: {  	v50 =	vmul.f32 v45, v17;
	v2 =	vadd.f32 v10, v46;
	v1 =	vmul.f32 v1, v47;
	v51 =	vpop (erf)  }
0xb6: {  	v59 =	vadd.s32 $0x3F800000, v6;
	v4 =	vsub.f32 $2.000000000e+00, v49;
	v52 =	vmul.f32 v51, v7;
	v53 =	vpop (erf)  }
0xb7: {  	v54 =	vmul.f32 v15, v50;
	v1 =	vadd.f32 v1, v2;
	v8 =	vmul.f32 v8, v53;
	v55 =	vpop (erf)  }
0xb8: {  	v4 =	vmul.f32 v4, v48;
	v7 =	vsub.f32 $2.000000000e+00, v52;
	v3 =	vmul.f32 v3, v55;
	v57 =	vpop (erf)  }
0xb9: {  	v1 =	vadd.f32 v54, v1;
	v56 =	vmul.f32 v8, v5;
	v0 =	vmul.f32 v57, v0  }
0xba: {  	v60 =	vadd.s32 $0x3F800000, v58;
	v7 =	vmul.f32 v7, v51;
	v3 =	vmul.f32 v3, v4;
	v61 =	vpop (erf)  }
0xbb: {  	v1 =	vadd.f32 v56, v1;
	v0 =	vsub.f32 $2.000000000e+00, v0;
	v6 =	vmul.f32 v60, v61;
	v62 =	vpop (erf)  }
0xbc: {  	v2 =	vmul.f32 v59, v62  }
0xbd: {  	v1 =	vadd.f32 v3, v1;
	v0 =	vmul.f32 v0, v57;
	v63 =	vmul.f32 v6, v7;
	_ =	sdelay $0x1  }
0xbe: {  	v0 =	vmul.f32 v2, v0;
	v1 =	vadd.f32 v63, v1;
	_ =	sdelay $0x1  }
0xbf: {  	s15 =	sadd.s32 $0x1, s15;
	v0 =	vadd.f32 v0, v1  }
0xc0: {  	p0 =	sne.s32 s15, s8  }
.Ltmp1:
0xc1: {  	[tilespmem:s17+$0x0] =	vst v0;
	(pc) =	sbr.rel @p0 .LBB2_1-.Ltmp1, $4  }
0xc2: {  	[hbm4b:s7+s3] =	stream.linear.scatter [tilespmem:s14], [sflag:$0x1], $0xD00, $0x38;
	[tilespmem:$0x9200] =	vst v63  }
0xc3: {  	_ =	swait.ge [sflag:s11], $0xD00  }
0xc4: {  	[sflag:s11] =	ssyncset.done $0x0  }
0xc5: {  	[sflag:s11] =	ssyncadd.s32 $0xFFFFF300  }
0xc6: {  	_ =	sfence.sel $0x180000  }
0xc7: {  	[bflag:$0x0] =	sbarrier.arrive $0xFFFF  }
0xc8: {  	p0 =	sne.s32 s0, $0x0;
	_ =	strace $0x90000047  }
0xc9: {  	s0 =	sadd.s32 @!p0 $0x100000, s1;
	[bflag:$0x2] =	sbarrier.arrive $0xFFFF  }
0xca: {  	[sflag:s0] =	ssyncadd.tile.s32 @!p0 $0x1;
	_ =	shalt  }
.Lfunc_end2:
_tile_overlayer_lowered:
.L_overlay_start_2:
0xcb: {  	(tag) =	ssettag $0x2  }
0xcc: {  	s0 =	rddreg [dreg:$0x0];
	s2 =	stileid.u32  }
0xcd: {  	s1 =	rddreg [dreg:$0x1];
	p0 =	sne.s32 s2, $0x0  }
0xce: {  	s3 =	rddreg [dreg:$0x2];
	[bflag:$0x3] =	sbarrier.arrive $0xFFFF;
	s2 =	simm.s32 @!p0 $0x1C01  }
0xcf: {  	[timem:s3], [sflag:s2] =	dma.local @!p0 [hbm:s0], s1  }
0xd0: {  	s0 =	simm.s32 @!p0 $0x1  }
0xd1: {  	_ =	swait.ge @!p0 [sflag:s0], s1  }
0xd2: {  	s1 =	ssub.s32 @!p0 $0x0, s1;
	[sflag:s0] =	ssyncset.done @!p0 $0x0  }
0xd3: {  	[sflag:s0] =	ssyncadd.s32 @!p0 s1  }
0xd4: {  	[bflag:$0x3] =	sbarrier.arrive $0xFFFF  }
0xd5: {  	_ =	shalt  }

</sc_bundles>
